<compile_context>
chip_gen: v7x
topology: tpu7x:2x2x1
jax: 0.10.2.dev20260603
libtpu: 0.0.44.dev20260713+nightly
codegen_flags: <defaults>
</compile_context>

<pallas_src>
import functools

import jax
import jax.numpy as jnp
from jax import lax
from jax.experimental import pallas as pl
from jax.experimental.pallas import tpu as pltpu
from jax.experimental.pallas import tpu_sc as plsc

OUT_DIM = 64
NUM_NODE_TYPES = 5
FEAT = 128
B = 16384
NUM_CORES = 2
NUM_SUBCORES = 16
NW = NUM_CORES * NUM_SUBCORES
BPW = B // NW

_Q = 128
_NT = 3


def _make_sc_gather_body(n):
  bpw = n // NW
  nbuf = max(2, bpw // _Q)

  def body(batch_hbm, nt_hbm, fm_hbm, t0_hbm, t1_hbm, t2_hbm,
           ty_out, g_out,
           bidx_v, ty_v, fi_v, rows_v,
           mi0, mi1, mi2, ps0, ps1, ps2,
           sem_nt, sem_fm, sem_ty, *ring_sems):
    gsems = ring_sems[:nbuf]
    wsems = ring_sems[nbuf:]
    midx = (mi0, mi1, mi2)
    pos2 = (ps0, ps1, ps2)
    wid = lax.axis_index("s") * NUM_CORES + lax.axis_index("c")
    base = wid * bpw
    pltpu.sync_copy(batch_hbm.at[pl.ds(base, bpw)], bidx_v)
    h_nt = pltpu.async_copy(nt_hbm.at[bidx_v], ty_v, sem_nt)
    h_fm = pltpu.async_copy(fm_hbm.at[bidx_v], fi_v, sem_fm)
    h_nt.wait()
    h_ty = pltpu.async_copy(ty_v, ty_out.at[pl.ds(base, bpw)], sem_ty)
    h_fm.wait()

    lane = lax.iota(jnp.int32, 16)
    vpr = _Q // 16
    for j in range(bpw // 16):
      tyv = ty_v[pl.ds(j * 16, 16)]
      fiv = fi_v[pl.ds(j * 16, 16)]
      posb = base + j * 16 + lane
      for t in range(_NT):
        m = tyv == t
        midx[t][pl.ds(j * 16, 16)] = fiv
        pos2[t][j // vpr, pl.ds((j % vpr) * 16, 16)] = jnp.where(
            m, posb, posb + n)

    tables = (t0_hbm, t1_hbm, t2_hbm)
    nq = bpw // _Q
    nchunk = _NT * nq

    def start_gather(k):
      t, q = k // nq, k % nq
      return pltpu.async_copy(
          tables[t].at[midx[t].at[pl.ds(q * _Q, _Q)]],
          rows_v.at[pl.ds((k % nbuf) * _Q, _Q)], gsems[k % nbuf])

    gh = [None] * nchunk
    wh = [None] * nchunk
    depth = nbuf - 1
    for k in range(depth):
      gh[k] = start_gather(k)
    for k in range(nchunk):
      if k + depth < nchunk:
        if k + depth >= nbuf:
          wh[k + depth - nbuf].wait()
        gh[k + depth] = start_gather(k + depth)
      gh[k].wait()
      t, q = k // nq, k % nq
      wh[k] = pltpu.async_copy(
          rows_v.at[pl.ds((k % nbuf) * _Q, _Q)],
          g_out.at[pos2[t].at[q]], wsems[k % nbuf])
    for k in range(max(0, nchunk - nbuf), nchunk):
      wh[k].wait()
    h_ty.wait()

  return body, bpw, nbuf


@functools.cache
def _sc_gather(n):
  body, bpw, nbuf = _make_sc_gather_body(n)
  nq = bpw // _Q
  return pl.kernel(
      body,
      out_type=[
          jax.ShapeDtypeStruct((n,), jnp.int32),
          jax.ShapeDtypeStruct((2 * n, FEAT), jnp.float32),
      ],
      mesh=plsc.VectorSubcoreMesh(core_axis_name="c", subcore_axis_name="s"),
      scratch_types=[
          pltpu.VMEM((bpw,), jnp.int32),
          pltpu.VMEM((bpw,), jnp.int32),
          pltpu.VMEM((bpw,), jnp.int32),
          pltpu.VMEM((nbuf * _Q, FEAT), jnp.float32),
          pltpu.VMEM((bpw,), jnp.int32),
          pltpu.VMEM((bpw,), jnp.int32),
          pltpu.VMEM((bpw,), jnp.int32),
          pltpu.VMEM((nq, _Q), jnp.int32),
          pltpu.VMEM((nq, _Q), jnp.int32),
          pltpu.VMEM((nq, _Q), jnp.int32),
      ] + [pltpu.SemaphoreType.DMA] * (3 + 2 * nbuf),
  )


_K2 = 2 * FEAT
_N2 = _NT * OUT_DIM
_BTC = 4096
_GRID = B // _BTC


def _tc_project_body(ty_ref, g_ref, w_ref, o_ref):
  ty = ty_ref[...].astype(jnp.int32)
  big = jnp.concatenate(
      [g_ref[...].astype(jnp.bfloat16),
       jnp.ones((_BTC, FEAT), jnp.bfloat16)], axis=1)
  p = jnp.dot(big, w_ref[...], preferred_element_type=jnp.float32)
  lanes = lax.broadcasted_iota(jnp.int32, (_BTC, OUT_DIM), 1)
  acc = (lanes == ty).astype(jnp.float32)
  for t in range(_NT):
    acc = acc + jnp.where(ty == t, p[:, t * OUT_DIM:(t + 1) * OUT_DIM], 0.0)
  o_ref[...] = acc


def _tc_project(ty_col, g, wc):
  n = ty_col.shape[0]
  return pl.pallas_call(
      _tc_project_body,
      grid=(n // _BTC,),
      in_specs=[
          pl.BlockSpec((_BTC, 1), lambda i: (i, 0)),
          pl.BlockSpec((_BTC, FEAT), lambda i: (i, 0)),
          pl.BlockSpec((_K2, _N2), lambda i: (0, 0)),
      ],
      out_specs=pl.BlockSpec((_BTC, OUT_DIM), lambda i: (i, 0)),
      out_shape=jax.ShapeDtypeStruct((n, OUT_DIM), jnp.float32),
  )(ty_col, g, wc)


def kernel(batch, node_types, feat_map, ip_feats, domain_feats, url_feats,
           W_ip, b_ip, W_dom, b_dom, W_url, b_url):
  batch = batch.astype(jnp.int32)
  node_types = node_types.astype(jnp.int32)
  feat_map = feat_map.astype(jnp.int32)

  ty_b, g = _sc_gather(B)(batch, node_types, feat_map,
                          ip_feats, domain_feats, url_feats)

  blocks = []
  for w, b in ((W_ip, b_ip), (W_dom, b_dom), (W_url, b_url)):
    top = jnp.pad(w.T.astype(jnp.float32), ((0, 0), (NUM_NODE_TYPES, 0)))
    brow = jnp.pad(b.astype(jnp.float32)[None, :],
                   ((0, 0), (NUM_NODE_TYPES, 0)))
    blocks.append(jnp.concatenate(
        [top, brow, jnp.zeros((FEAT - 1, OUT_DIM), jnp.float32)], axis=0))
  wc = jnp.concatenate(blocks, axis=1).astype(jnp.bfloat16)

  ty_col = ty_b.astype(jnp.bfloat16).reshape(B, 1)
  return _tc_project(ty_col, g, wc)

# --- scband reference (transcript-rebuilt; emitter-appended) ---
"""Pipeline reference for scband-feature-sampler-36283883716924 (READ-ONLY COPY).

The authoritative reference and input builder live on the scoring server;
editing this copy changes nothing except your own understanding.
"""

import jax, jax.numpy as jnp
import numpy as np

OUT_DIM = 64
NUM_NODE_TYPES = 5
N_NODES = 100000
TABLE_ROWS = 100000
BATCH = 16384
FEAT_SIZE = 128


def setup_inputs(seed: int = 0) -> dict:
    key = jax.random.key(seed)
    ks = jax.random.split(key, 12)
    d = OUT_DIM - NUM_NODE_TYPES
    batch = jax.random.randint(ks[0], (BATCH,), 0, N_NODES, dtype=jnp.int64) if jax.config.jax_enable_x64 else jax.random.randint(ks[0], (BATCH,), 0, N_NODES)
    node_types = jax.random.randint(ks[1], (N_NODES,), 0, NUM_NODE_TYPES)
    feat_map = jax.random.randint(ks[2], (N_NODES,), 0, TABLE_ROWS)
    ip_feats = jax.random.normal(ks[3], (TABLE_ROWS, FEAT_SIZE), dtype=jnp.float32)
    domain_feats = jax.random.normal(ks[4], (TABLE_ROWS, FEAT_SIZE), dtype=jnp.float32)
    url_feats = jax.random.normal(ks[5], (TABLE_ROWS, FEAT_SIZE), dtype=jnp.float32)
    W_ip = jax.random.normal(ks[6], (d, FEAT_SIZE), dtype=jnp.float32) * 0.02
    b_ip = jnp.zeros((d,), dtype=jnp.float32)
    W_dom = jax.random.normal(ks[7], (d, FEAT_SIZE), dtype=jnp.float32) * 0.02
    b_dom = jnp.zeros((d,), dtype=jnp.float32)
    W_url = jax.random.normal(ks[8], (d, FEAT_SIZE), dtype=jnp.float32) * 0.02
    b_url = jnp.zeros((d,), dtype=jnp.float32)
    return {
        'batch': batch, 'node_types': node_types, 'feat_map': feat_map,
        'ip_feats': ip_feats, 'domain_feats': domain_feats, 'url_feats': url_feats,
        'W_ip': W_ip, 'b_ip': b_ip, 'W_dom': W_dom, 'b_dom': b_dom, 'W_url': W_url, 'b_url': b_url,
    }


def reference(batch, node_types, feat_map, ip_feats, domain_feats, url_feats,
              W_ip, b_ip, W_dom, b_dom, W_url, b_url):
    # g.x[batch] -> per-batch node type; g.feat_map[batch] -> row into the per-type feature table
    types_b = jnp.take(node_types, batch, axis=0)          # [B]
    df_idx = jnp.take(feat_map, batch, axis=0)             # [B]
    valid = df_idx >= 0                                     # mask mirrors df_idx != -1
    B = batch.shape[0]
    d = W_ip.shape[0]
    x = jnp.zeros((B, d), dtype=jnp.float32)
    tables = [(ip_feats, W_ip, b_ip), (domain_feats, W_dom, b_dom), (url_feats, W_url, b_url)]
    for t, (feats, W, b) in enumerate(tables):
        mask = jnp.logical_and(types_b == t, valid)         # nodes of this type with a feature row
        idx = jnp.where(mask, df_idx, 0)
        gathered = jnp.take(feats, idx, axis=0)             # [B, FEAT_SIZE] gather (embedding lookup)
        proj = gathered @ W.T + b                           # per-type linear net
        x = x + jnp.where(mask[:, None], proj, 0.0)         # x[idx] += value
    # one-hot over node types (g.x.max()+1 == NUM_NODE_TYPES here)
    oh = jax.nn.one_hot(types_b, NUM_NODE_TYPES, dtype=jnp.float32)
    return jnp.concatenate([oh, x], axis=1)                 # [B, OUT_DIM]

if __name__ == "__main__":
    import jax
    _d = setup_inputs()
    print(jax.jit(kernel)(*tuple(_d.values())))

</pallas_src>

<mosaic_0001>
#map = affine_map<(d0, d1) -> (0)>
#map1 = affine_map<(d0, d1) -> (0, 0)>
module attributes {stable_mosaic.version = 14 : i64} {
  func.func @body(%arg0: i32, %arg1: i32, %arg2: memref<16384xi32, #tpu.memory_space<hbm>>, %arg3: memref<100000xi32, #tpu.memory_space<hbm>>, %arg4: memref<100000xi32, #tpu.memory_space<hbm>>, %arg5: memref<100000x128xf32, #tpu.memory_space<hbm>>, %arg6: memref<100000x128xf32, #tpu.memory_space<hbm>>, %arg7: memref<100000x128xf32, #tpu.memory_space<hbm>>, %arg8: memref<16384xi32, #tpu.memory_space<hbm>>, %arg9: memref<32768x128xf32, #tpu.memory_space<hbm>>, %arg10: memref<512xi32, #tpu.memory_space<vmem>>, %arg11: memref<512xi32, #tpu.memory_space<vmem>>, %arg12: memref<512xi32, #tpu.memory_space<vmem>>, %arg13: memref<512x128xf32, #tpu.memory_space<vmem>>, %arg14: memref<512xi32, #tpu.memory_space<vmem>>, %arg15: memref<512xi32, #tpu.memory_space<vmem>>, %arg16: memref<512xi32, #tpu.memory_space<vmem>>, %arg17: memref<4x128xi32, #tpu.memory_space<vmem>>, %arg18: memref<4x128xi32, #tpu.memory_space<vmem>>, %arg19: memref<4x128xi32, #tpu.memory_space<vmem>>, %arg20: memref<!tpu.dma_semaphore, #tpu.memory_space<semaphore_mem>>, %arg21: memref<!tpu.dma_semaphore, #tpu.memory_space<semaphore_mem>>, %arg22: memref<!tpu.dma_semaphore, #tpu.memory_space<semaphore_mem>>, %arg23: memref<!tpu.dma_semaphore, #tpu.memory_space<semaphore_mem>>, %arg24: memref<!tpu.dma_semaphore, #tpu.memory_space<semaphore_mem>>, %arg25: memref<!tpu.dma_semaphore, #tpu.memory_space<semaphore_mem>>, %arg26: memref<!tpu.dma_semaphore, #tpu.memory_space<semaphore_mem>>, %arg27: memref<!tpu.dma_semaphore, #tpu.memory_space<semaphore_mem>>, %arg28: memref<!tpu.dma_semaphore, #tpu.memory_space<semaphore_mem>>, %arg29: memref<!tpu.dma_semaphore, #tpu.memory_space<semaphore_mem>>, %arg30: memref<!tpu.dma_semaphore, #tpu.memory_space<semaphore_mem>>) attributes {dimension_semantics = [#tpu.dimension_semantics<core_parallel>, #tpu.dimension_semantics<subcore_parallel>], iteration_bounds = array<i64: 2, 16>, scalar_prefetch = 0 : i64, scratch_operands = 21 : i64, tpu.core_type = #tpu.core_type<sc_vector_subcore>, window_params = [{transform_indices = #map}, {transform_indices = #map}, {transform_indices = #map}, {transform_indices = #map1}, {transform_indices = #map1}, {transform_indices = #map1}, {transform_indices = #map}, {transform_indices = #map1}]} {
    %mul3A = arith.constant 2 : i32
    %mul3A_0 = arith.muli %arg1, %mul3A : i32
    %add3A = arith.addi %mul3A_0, %arg0 : i32
    %mul3A_1 = arith.constant 512 : i32
    %mul3A_2 = arith.muli %add3A, %mul3A_1 : i32
    "tpu.region"() ({
      %run_scoped3A = tpu.sem_alloc : memref<!tpu.dma_semaphore, #tpu.memory_space<semaphore_mem>>
      %dma_start3A_2393 = tpu.memref_slice %arg2[%mul3A_2] : memref<16384xi32, #tpu.memory_space<hbm>> -> memref<512xi32, #tpu.memory_space<hbm>>
      %dma_start3A_2394 = tpu.memref_slice %arg2[%mul3A_2] : memref<16384xi32, #tpu.memory_space<hbm>> -> memref<512xi32, #tpu.memory_space<hbm>>
      tpu.enqueue_dma source(%dma_start3A_2394 : memref<512xi32, #tpu.memory_space<hbm>>) target(%arg10 : memref<512xi32, #tpu.memory_space<vmem>>) target_semaphore(%run_scoped3A : memref<!tpu.dma_semaphore, #tpu.memory_space<semaphore_mem>>)
      %dma_wait3A_2395 = tpu.memref_slice %arg2[%mul3A_2] : memref<16384xi32, #tpu.memory_space<hbm>> -> memref<512xi32, #tpu.memory_space<hbm>>
      %dma_wait3A_2396 = tpu.memref_slice %arg2[%mul3A_2] : memref<16384xi32, #tpu.memory_space<hbm>> -> memref<512xi32, #tpu.memory_space<hbm>>
      tpu.wait_dma2 semaphore(%run_scoped3A : memref<!tpu.dma_semaphore, #tpu.memory_space<semaphore_mem>>) src(%dma_wait3A_2396 : memref<512xi32, #tpu.memory_space<hbm>>) dst(%arg10 : memref<512xi32, #tpu.memory_space<vmem>>)
      tpu.yield
    }) : () -> ()
    %dma_start3A = arith.constant 0 : i32
    %dma_start3A_3 = tpu.memref_slice %arg3[%dma_start3A] : memref<100000xi32, #tpu.memory_space<hbm>> -> memref<100000xi32, #tpu.memory_space<hbm>>
    tpu.enqueue_indirect_dma source(%dma_start3A_3 : memref<100000xi32, #tpu.memory_space<hbm>>) target(%arg11 : memref<512xi32, #tpu.memory_space<vmem>>) offsets(%arg10 : memref<512xi32, #tpu.memory_space<vmem>>) semaphore(%arg20 : memref<!tpu.dma_semaphore, #tpu.memory_space<semaphore_mem>>)
    %dma_start3A_4 = arith.constant 0 : i32
    %dma_start3A_5 = tpu.memref_slice %arg4[%dma_start3A_4] : memref<100000xi32, #tpu.memory_space<hbm>> -> memref<100000xi32, #tpu.memory_space<hbm>>
    tpu.enqueue_indirect_dma source(%dma_start3A_5 : memref<100000xi32, #tpu.memory_space<hbm>>) target(%arg12 : memref<512xi32, #tpu.memory_space<vmem>>) offsets(%arg10 : memref<512xi32, #tpu.memory_space<vmem>>) semaphore(%arg21 : memref<!tpu.dma_semaphore, #tpu.memory_space<semaphore_mem>>)
    %dma_wait3A = arith.constant 0 : i32
    %dma_wait3A_6 = tpu.memref_slice %arg3[%dma_wait3A] : memref<100000xi32, #tpu.memory_space<hbm>> -> memref<100000xi32, #tpu.memory_space<hbm>>
    tpu.wait_indirect_dma semaphore(%arg20 : memref<!tpu.dma_semaphore, #tpu.memory_space<semaphore_mem>>) src(%dma_wait3A_6 : memref<100000xi32, #tpu.memory_space<hbm>>) dst(%arg11 : memref<512xi32, #tpu.memory_space<vmem>>)
    %dma_start3A_7 = tpu.memref_slice %arg8[%mul3A_2] : memref<16384xi32, #tpu.memory_space<hbm>> -> memref<512xi32, #tpu.memory_space<hbm>>
    %dma_start3A_8 = tpu.memref_slice %arg8[%mul3A_2] : memref<16384xi32, #tpu.memory_space<hbm>> -> memref<512xi32, #tpu.memory_space<hbm>>
    tpu.enqueue_dma source(%arg11 : memref<512xi32, #tpu.memory_space<vmem>>) target(%dma_start3A_8 : memref<512xi32, #tpu.memory_space<hbm>>) target_semaphore(%arg22 : memref<!tpu.dma_semaphore, #tpu.memory_space<semaphore_mem>>)
    %dma_wait3A_9 = arith.constant 0 : i32
    %dma_wait3A_10 = tpu.memref_slice %arg4[%dma_wait3A_9] : memref<100000xi32, #tpu.memory_space<hbm>> -> memref<100000xi32, #tpu.memory_space<hbm>>
    tpu.wait_indirect_dma semaphore(%arg21 : memref<!tpu.dma_semaphore, #tpu.memory_space<semaphore_mem>>) src(%dma_wait3A_10 : memref<100000xi32, #tpu.memory_space<hbm>>) dst(%arg12 : memref<512xi32, #tpu.memory_space<vmem>>)
    %iota3A = tpu.iota {dimensions = array<i32: 0>} : vector<16xi32>
    %get3A = arith.constant 0 : index
    %get3A_11 = tpu.vector_load %arg11[%get3A] {strides = array<i32>} : memref<512xi32, #tpu.memory_space<vmem>>, vector<16xi32>,
    %get3A_12 = vector.shape_cast %get3A_11 : vector<16xi32> to vector<16xi32>
    %get3A_13 = arith.constant 0 : index
    %get3A_14 = tpu.vector_load %arg12[%get3A_13] {strides = array<i32>} : memref<512xi32, #tpu.memory_space<vmem>>, vector<16xi32>,
    %get3A_15 = vector.shape_cast %get3A_14 : vector<16xi32> to vector<16xi32>
    %add3A_16 = arith.constant 0 : i32
    %add3A_17 = arith.addi %mul3A_2, %add3A_16 : i32
    %add3A_18 = vector.broadcast %add3A_17 : i32 to vector<16xi32>
    %add3A_19 = arith.addi %add3A_18, %iota3A : vector<16xi32>
    %eq3A = arith.constant 0 : i32
    %eq3A_20 = vector.broadcast %eq3A : i32 to vector<16xi32>
    %eq3A_21 = arith.cmpi eq, %get3A_12, %eq3A_20 : vector<16xi32>
    %swap3A = arith.constant 0 : index
    %swap3A_22 = tpu.vector_load %arg14[%swap3A] {strides = array<i32>} : memref<512xi32, #tpu.memory_space<vmem>>, vector<16xi32>,
    %swap3A_23 = vector.shape_cast %swap3A_22 : vector<16xi32> to vector<16xi32>
    %swap3A_24 = vector.shape_cast %get3A_15 : vector<16xi32> to vector<16xi32>
    tpu.vector_store %arg14[%swap3A], %swap3A_24 {strides = array<i32>} : memref<512xi32, #tpu.memory_space<vmem>>, vector<16xi32>,
    %add3A_25 = arith.constant 16384 : i32
    %add3A_26 = vector.broadcast %add3A_25 : i32 to vector<16xi32>
    %add3A_27 = arith.addi %add3A_19, %add3A_26 : vector<16xi32>
    %select_n3A = arith.select %eq3A_21, %add3A_19, %add3A_27 : vector<16xi1>, vector<16xi32>
    %swap3A_28 = arith.constant 0 : i32
    %swap3A_29 = arith.index_cast %swap3A_28 : i32 to index
    %swap3A_30 = arith.constant 0 : index
    %swap3A_31 = tpu.vector_load %arg17[%swap3A_29, %swap3A_30] {strides = array<i32>} : memref<4x128xi32, #tpu.memory_space<vmem>>, vector<1x16xi32>,
    %swap3A_32 = vector.shape_cast %swap3A_31 : vector<1x16xi32> to vector<16xi32>
    %swap3A_33 = vector.shape_cast %select_n3A : vector<16xi32> to vector<1x16xi32>
    tpu.vector_store %arg17[%swap3A_29, %swap3A_30], %swap3A_33 {strides = array<i32>} : memref<4x128xi32, #tpu.memory_space<vmem>>, vector<1x16xi32>,
    %eq3A_34 = arith.constant 1 : i32
    %eq3A_35 = vector.broadcast %eq3A_34 : i32 to vector<16xi32>
    %eq3A_36 = arith.cmpi eq, %get3A_12, %eq3A_35 : vector<16xi32>
    %swap3A_37 = arith.constant 0 : index
    %swap3A_38 = tpu.vector_load %arg15[%swap3A_37] {strides = array<i32>} : memref<512xi32, #tpu.memory_space<vmem>>, vector<16xi32>,
    %swap3A_39 = vector.shape_cast %swap3A_38 : vector<16xi32> to vector<16xi32>
    %swap3A_40 = vector.shape_cast %get3A_15 : vector<16xi32> to vector<16xi32>
    tpu.vector_store %arg15[%swap3A_37], %swap3A_40 {strides = array<i32>} : memref<512xi32, #tpu.memory_space<vmem>>, vector<16xi32>,
    %add3A_41 = arith.constant 16384 : i32
    %add3A_42 = vector.broadcast %add3A_41 : i32 to vector<16xi32>
    %add3A_43 = arith.addi %add3A_19, %add3A_42 : vector<16xi32>
    %select_n3A_44 = arith.select %eq3A_36, %add3A_19, %add3A_43 : vector<16xi1>, vector<16xi32>
    %swap3A_45 = arith.constant 0 : i32
    %swap3A_46 = arith.index_cast %swap3A_45 : i32 to index
    %swap3A_47 = arith.constant 0 : index
    %swap3A_48 = tpu.vector_load %arg18[%swap3A_46, %swap3A_47] {strides = array<i32>} : memref<4x128xi32, #tpu.memory_space<vmem>>, vector<1x16xi32>,
    %swap3A_49 = vector.shape_cast %swap3A_48 : vector<1x16xi32> to vector<16xi32>
    %swap3A_50 = vector.shape_cast %select_n3A_44 : vector<16xi32> to vector<1x16xi32>
    tpu.vector_store %arg18[%swap3A_46, %swap3A_47], %swap3A_50 {strides = array<i32>} : memref<4x128xi32, #tpu.memory_space<vmem>>, vector<1x16xi32>,
    %eq3A_51 = arith.constant 2 : i32
    %eq3A_52 = vector.broadcast %eq3A_51 : i32 to vector<16xi32>
    %eq3A_53 = arith.cmpi eq, %get3A_12, %eq3A_52 : vector<16xi32>
    %swap3A_54 = arith.constant 0 : index
    %swap3A_55 = tpu.vector_load %arg16[%swap3A_54] {strides = array<i32>} : memref<512xi32, #tpu.memory_space<vmem>>, vector<16xi32>,
    %swap3A_56 = vector.shape_cast %swap3A_55 : vector<16xi32> to vector<16xi32>
    %swap3A_57 = vector.shape_cast %get3A_15 : vector<16xi32> to vector<16xi32>
    tpu.vector_store %arg16[%swap3A_54], %swap3A_57 {strides = array<i32>} : memref<512xi32, #tpu.memory_space<vmem>>, vector<16xi32>,
    %add3A_58 = arith.constant 16384 : i32
    %add3A_59 = vector.broadcast %add3A_58 : i32 to vector<16xi32>
    %add3A_60 = arith.addi %add3A_19, %add3A_59 : vector<16xi32>
    %select_n3A_61 = arith.select %eq3A_53, %add3A_19, %add3A_60 : vector<16xi1>, vector<16xi32>
    %swap3A_62 = arith.constant 0 : i32
    %swap3A_63 = arith.index_cast %swap3A_62 : i32 to index
    %swap3A_64 = arith.constant 0 : index
    %swap3A_65 = tpu.vector_load %arg19[%swap3A_63, %swap3A_64] {strides = array<i32>} : memref<4x128xi32, #tpu.memory_space<vmem>>, vector<1x16xi32>,
    %swap3A_66 = vector.shape_cast %swap3A_65 : vector<1x16xi32> to vector<16xi32>
    %swap3A_67 = vector.shape_cast %select_n3A_61 : vector<16xi32> to vector<1x16xi32>
    tpu.vector_store %arg19[%swap3A_63, %swap3A_64], %swap3A_67 {strides = array<i32>} : memref<4x128xi32, #tpu.memory_space<vmem>>, vector<1x16xi32>,
    %get3A_68 = arith.constant 16 : index
    %get3A_69 = tpu.vector_load %arg11[%get3A_68] {strides = array<i32>} : memref<512xi32, #tpu.memory_space<vmem>>, vector<16xi32>,
    %get3A_70 = vector.shape_cast %get3A_69 : vector<16xi32> to vector<16xi32>
    %get3A_71 = arith.constant 16 : index
    %get3A_72 = tpu.vector_load %arg12[%get3A_71] {strides = array<i32>} : memref<512xi32, #tpu.memory_space<vmem>>, vector<16xi32>,
    %get3A_73 = vector.shape_cast %get3A_72 : vector<16xi32> to vector<16xi32>
    %add3A_74 = arith.constant 16 : i32
    %add3A_75 = arith.addi %mul3A_2, %add3A_74 : i32
    %add3A_76 = vector.broadcast %add3A_75 : i32 to vector<16xi32>
    %add3A_77 = arith.addi %add3A_76, %iota3A : vector<16xi32>
    %eq3A_78 = arith.constant 0 : i32
    %eq3A_79 = vector.broadcast %eq3A_78 : i32 to vector<16xi32>
    %eq3A_80 = arith.cmpi eq, %get3A_70, %eq3A_79 : vector<16xi32>
    %swap3A_81 = arith.constant 16 : index
    %swap3A_82 = tpu.vector_load %arg14[%swap3A_81] {strides = array<i32>} : memref<512xi32, #tpu.memory_space<vmem>>, vector<16xi32>,
    %swap3A_83 = vector.shape_cast %swap3A_82 : vector<16xi32> to vector<16xi32>
    %swap3A_84 = vector.shape_cast %get3A_73 : vector<16xi32> to vector<16xi32>
    tpu.vector_store %arg14[%swap3A_81], %swap3A_84 {strides = array<i32>} : memref<512xi32, #tpu.memory_space<vmem>>, vector<16xi32>,
    %add3A_85 = arith.constant 16384 : i32
    %add3A_86 = vector.broadcast %add3A_85 : i32 to vector<16xi32>
    %add3A_87 = arith.addi %add3A_77, %add3A_86 : vector<16xi32>
    %select_n3A_88 = arith.select %eq3A_80, %add3A_77, %add3A_87 : vector<16xi1>, vector<16xi32>
    %swap3A_89 = arith.constant 0 : i32
    %swap3A_90 = arith.index_cast %swap3A_89 : i32 to index
    %swap3A_91 = arith.constant 16 : index
    %swap3A_92 = tpu.vector_load %arg17[%swap3A_90, %swap3A_91] {strides = array<i32>} : memref<4x128xi32, #tpu.memory_space<vmem>>, vector<1x16xi32>,
    %swap3A_93 = vector.shape_cast %swap3A_92 : vector<1x16xi32> to vector<16xi32>
    %swap3A_94 = vector.shape_cast %select_n3A_88 : vector<16xi32> to vector<1x16xi32>
    tpu.vector_store %arg17[%swap3A_90, %swap3A_91], %swap3A_94 {strides = array<i32>} : memref<4x128xi32, #tpu.memory_space<vmem>>, vector<1x16xi32>,
    %eq3A_95 = arith.constant 1 : i32
    %eq3A_96 = vector.broadcast %eq3A_95 : i32 to vector<16xi32>
    %eq3A_97 = arith.cmpi eq, %get3A_70, %eq3A_96 : vector<16xi32>
    %swap3A_98 = arith.constant 16 : index
    %swap3A_99 = tpu.vector_load %arg15[%swap3A_98] {strides = array<i32>} : memref<512xi32, #tpu.memory_space<vmem>>, vector<16xi32>,
    %swap3A_100 = vector.shape_cast %swap3A_99 : vector<16xi32> to vector<16xi32>
    %swap3A_101 = vector.shape_cast %get3A_73 : vector<16xi32> to vector<16xi32>
    tpu.vector_store %arg15[%swap3A_98], %swap3A_101 {strides = array<i32>} : memref<512xi32, #tpu.memory_space<vmem>>, vector<16xi32>,
    %add3A_102 = arith.constant 16384 : i32
    %add3A_103 = vector.broadcast %add3A_102 : i32 to vector<16xi32>
    %add3A_104 = arith.addi %add3A_77, %add3A_103 : vector<16xi32>
    %select_n3A_105 = arith.select %eq3A_97, %add3A_77, %add3A_104 : vector<16xi1>, vector<16xi32>
    %swap3A_106 = arith.constant 0 : i32
    %swap3A_107 = arith.index_cast %swap3A_106 : i32 to index
    %swap3A_108 = arith.constant 16 : index
    %swap3A_109 = tpu.vector_load %arg18[%swap3A_107, %swap3A_108] {strides = array<i32>} : memref<4x128xi32, #tpu.memory_space<vmem>>, vector<1x16xi32>,
    %swap3A_110 = vector.shape_cast %swap3A_109 : vector<1x16xi32> to vector<16xi32>
    %swap3A_111 = vector.shape_cast %select_n3A_105 : vector<16xi32> to vector<1x16xi32>
    tpu.vector_store %arg18[%swap3A_107, %swap3A_108], %swap3A_111 {strides = array<i32>} : memref<4x128xi32, #tpu.memory_space<vmem>>, vector<1x16xi32>,
    %eq3A_112 = arith.constant 2 : i32
    %eq3A_113 = vector.broadcast %eq3A_112 : i32 to vector<16xi32>
    %eq3A_114 = arith.cmpi eq, %get3A_70, %eq3A_113 : vector<16xi32>
    %swap3A_115 = arith.constant 16 : index
    %swap3A_116 = tpu.vector_load %arg16[%swap3A_115] {strides = array<i32>} : memref<512xi32, #tpu.memory_space<vmem>>, vector<16xi32>,
    %swap3A_117 = vector.shape_cast %swap3A_116 : vector<16xi32> to vector<16xi32>
    %swap3A_118 = vector.shape_cast %get3A_73 : vector<16xi32> to vector<16xi32>
    tpu.vector_store %arg16[%swap3A_115], %swap3A_118 {strides = array<i32>} : memref<512xi32, #tpu.memory_space<vmem>>, vector<16xi32>,
    %add3A_119 = arith.constant 16384 : i32
    %add3A_120 = vector.broadcast %add3A_119 : i32 to vector<16xi32>
    %add3A_121 = arith.addi %add3A_77, %add3A_120 : vector<16xi32>
    %select_n3A_122 = arith.select %eq3A_114, %add3A_77, %add3A_121 : vector<16xi1>, vector<16xi32>
    %swap3A_123 = arith.constant 0 : i32
    %swap3A_124 = arith.index_cast %swap3A_123 : i32 to index
    %swap3A_125 = arith.constant 16 : index
    %swap3A_126 = tpu.vector_load %arg19[%swap3A_124, %swap3A_125] {strides = array<i32>} : memref<4x128xi32, #tpu.memory_space<vmem>>, vector<1x16xi32>,
    %swap3A_127 = vector.shape_cast %swap3A_126 : vector<1x16xi32> to vector<16xi32>
    %swap3A_128 = vector.shape_cast %select_n3A_122 : vector<16xi32> to vector<1x16xi32>
    tpu.vector_store %arg19[%swap3A_124, %swap3A_125], %swap3A_128 {strides = array<i32>} : memref<4x128xi32, #tpu.memory_space<vmem>>, vector<1x16xi32>,
    %get3A_129 = arith.constant 32 : index
    %get3A_130 = tpu.vector_load %arg11[%get3A_129] {strides = array<i32>} : memref<512xi32, #tpu.memory_space<vmem>>, vector<16xi32>,
    %get3A_131 = vector.shape_cast %get3A_130 : vector<16xi32> to vector<16xi32>
    %get3A_132 = arith.constant 32 : index
    %get3A_133 = tpu.vector_load %arg12[%get3A_132] {strides = array<i32>} : memref<512xi32, #tpu.memory_space<vmem>>, vector<16xi32>,
    %get3A_134 = vector.shape_cast %get3A_133 : vector<16xi32> to vector<16xi32>
    %add3A_135 = arith.constant 32 : i32
    %add3A_136 = arith.addi %mul3A_2, %add3A_135 : i32
    %add3A_137 = vector.broadcast %add3A_136 : i32 to vector<16xi32>
    %add3A_138 = arith.addi %add3A_137, %iota3A : vector<16xi32>
    %eq3A_139 = arith.constant 0 : i32
    %eq3A_140 = vector.broadcast %eq3A_139 : i32 to vector<16xi32>
    %eq3A_141 = arith.cmpi eq, %get3A_131, %eq3A_140 : vector<16xi32>
    %swap3A_142 = arith.constant 32 : index
    %swap3A_143 = tpu.vector_load %arg14[%swap3A_142] {strides = array<i32>} : memref<512xi32, #tpu.memory_space<vmem>>, vector<16xi32>,
    %swap3A_144 = vector.shape_cast %swap3A_143 : vector<16xi32> to vector<16xi32>
    %swap3A_145 = vector.shape_cast %get3A_134 : vector<16xi32> to vector<16xi32>
    tpu.vector_store %arg14[%swap3A_142], %swap3A_145 {strides = array<i32>} : memref<512xi32, #tpu.memory_space<vmem>>, vector<16xi32>,
    %add3A_146 = arith.constant 16384 : i32
    %add3A_147 = vector.broadcast %add3A_146 : i32 to vector<16xi32>
    %add3A_148 = arith.addi %add3A_138, %add3A_147 : vector<16xi32>
    %select_n3A_149 = arith.select %eq3A_141, %add3A_138, %add3A_148 : vector<16xi1>, vector<16xi32>
    %swap3A_150 = arith.constant 0 : i32
    %swap3A_151 = arith.index_cast %swap3A_150 : i32 to index
    %swap3A_152 = arith.constant 32 : index
    %swap3A_153 = tpu.vector_load %arg17[%swap3A_151, %swap3A_152] {strides = array<i32>} : memref<4x128xi32, #tpu.memory_space<vmem>>, vector<1x16xi32>,
    %swap3A_154 = vector.shape_cast %swap3A_153 : vector<1x16xi32> to vector<16xi32>
    %swap3A_155 = vector.shape_cast %select_n3A_149 : vector<16xi32> to vector<1x16xi32>
    tpu.vector_store %arg17[%swap3A_151, %swap3A_152], %swap3A_155 {strides = array<i32>} : memref<4x128xi32, #tpu.memory_space<vmem>>, vector<1x16xi32>,
    %eq3A_156 = arith.constant 1 : i32
    %eq3A_157 = vector.broadcast %eq3A_156 : i32 to vector<16xi32>
    %eq3A_158 = arith.cmpi eq, %get3A_131, %eq3A_157 : vector<16xi32>
    %swap3A_159 = arith.constant 32 : index
    %swap3A_160 = tpu.vector_load %arg15[%swap3A_159] {strides = array<i32>} : memref<512xi32, #tpu.memory_space<vmem>>, vector<16xi32>,
    %swap3A_161 = vector.shape_cast %swap3A_160 : vector<16xi32> to vector<16xi32>
    %swap3A_162 = vector.shape_cast %get3A_134 : vector<16xi32> to vector<16xi32>
    tpu.vector_store %arg15[%swap3A_159], %swap3A_162 {strides = array<i32>} : memref<512xi32, #tpu.memory_space<vmem>>, vector<16xi32>,
    %add3A_163 = arith.constant 16384 : i32
    %add3A_164 = vector.broadcast %add3A_163 : i32 to vector<16xi32>
    %add3A_165 = arith.addi %add3A_138, %add3A_164 : vector<16xi32>
    %select_n3A_166 = arith.select %eq3A_158, %add3A_138, %add3A_165 : vector<16xi1>, vector<16xi32>
    %swap3A_167 = arith.constant 0 : i32
    %swap3A_168 = arith.index_cast %swap3A_167 : i32 to index
    %swap3A_169 = arith.constant 32 : index
    %swap3A_170 = tpu.vector_load %arg18[%swap3A_168, %swap3A_169] {strides = array<i32>} : memref<4x128xi32, #tpu.memory_space<vmem>>, vector<1x16xi32>,
    %swap3A_171 = vector.shape_cast %swap3A_170 : vector<1x16xi32> to vector<16xi32>
    %swap3A_172 = vector.shape_cast %select_n3A_166 : vector<16xi32> to vector<1x16xi32>
    tpu.vector_store %arg18[%swap3A_168, %swap3A_169], %swap3A_172 {strides = array<i32>} : memref<4x128xi32, #tpu.memory_space<vmem>>, vector<1x16xi32>,
    %eq3A_173 = arith.constant 2 : i32
    %eq3A_174 = vector.broadcast %eq3A_173 : i32 to vector<16xi32>
    %eq3A_175 = arith.cmpi eq, %get3A_131, %eq3A_174 : vector<16xi32>
    %swap3A_176 = arith.constant 32 : index
    %swap3A_177 = tpu.vector_load %arg16[%swap3A_176] {strides = array<i32>} : memref<512xi32, #tpu.memory_space<vmem>>, vector<16xi32>,
    %swap3A_178 = vector.shape_cast %swap3A_177 : vector<16xi32> to vector<16xi32>
    %swap3A_179 = vector.shape_cast %get3A_134 : vector<16xi32> to vector<16xi32>
    tpu.vector_store %arg16[%swap3A_176], %swap3A_179 {strides = array<i32>} : memref<512xi32, #tpu.memory_space<vmem>>, vector<16xi32>,
    %add3A_180 = arith.constant 16384 : i32
    %add3A_181 = vector.broadcast %add3A_180 : i32 to vector<16xi32>
    %add3A_182 = arith.addi %add3A_138, %add3A_181 : vector<16xi32>
    %select_n3A_183 = arith.select %eq3A_175, %add3A_138, %add3A_182 : vector<16xi1>, vector<16xi32>
    %swap3A_184 = arith.constant 0 : i32
    %swap3A_185 = arith.index_cast %swap3A_184 : i32 to index
    %swap3A_186 = arith.constant 32 : index
    %swap3A_187 = tpu.vector_load %arg19[%swap3A_185, %swap3A_186] {strides = array<i32>} : memref<4x128xi32, #tpu.memory_space<vmem>>, vector<1x16xi32>,
    %swap3A_188 = vector.shape_cast %swap3A_187 : vector<1x16xi32> to vector<16xi32>
    %swap3A_189 = vector.shape_cast %select_n3A_183 : vector<16xi32> to vector<1x16xi32>
    tpu.vector_store %arg19[%swap3A_185, %swap3A_186], %swap3A_189 {strides = array<i32>} : memref<4x128xi32, #tpu.memory_space<vmem>>, vector<1x16xi32>,
    %get3A_190 = arith.constant 48 : index
    %get3A_191 = tpu.vector_load %arg11[%get3A_190] {strides = array<i32>} : memref<512xi32, #tpu.memory_space<vmem>>, vector<16xi32>,
    %get3A_192 = vector.shape_cast %get3A_191 : vector<16xi32> to vector<16xi32>
    %get3A_193 = arith.constant 48 : index
    %get3A_194 = tpu.vector_load %arg12[%get3A_193] {strides = array<i32>} : memref<512xi32, #tpu.memory_space<vmem>>, vector<16xi32>,
    %get3A_195 = vector.shape_cast %get3A_194 : vector<16xi32> to vector<16xi32>
    %add3A_196 = arith.constant 48 : i32
    %add3A_197 = arith.addi %mul3A_2, %add3A_196 : i32
    %add3A_198 = vector.broadcast %add3A_197 : i32 to vector<16xi32>
    %add3A_199 = arith.addi %add3A_198, %iota3A : vector<16xi32>
    %eq3A_200 = arith.constant 0 : i32
    %eq3A_201 = vector.broadcast %eq3A_200 : i32 to vector<16xi32>
    %eq3A_202 = arith.cmpi eq, %get3A_192, %eq3A_201 : vector<16xi32>
    %swap3A_203 = arith.constant 48 : index
    %swap3A_204 = tpu.vector_load %arg14[%swap3A_203] {strides = array<i32>} : memref<512xi32, #tpu.memory_space<vmem>>, vector<16xi32>,
    %swap3A_205 = vector.shape_cast %swap3A_204 : vector<16xi32> to vector<16xi32>
    %swap3A_206 = vector.shape_cast %get3A_195 : vector<16xi32> to vector<16xi32>
    tpu.vector_store %arg14[%swap3A_203], %swap3A_206 {strides = array<i32>} : memref<512xi32, #tpu.memory_space<vmem>>, vector<16xi32>,
    %add3A_207 = arith.constant 16384 : i32
    %add3A_208 = vector.broadcast %add3A_207 : i32 to vector<16xi32>
    %add3A_209 = arith.addi %add3A_199, %add3A_208 : vector<16xi32>
    %select_n3A_210 = arith.select %eq3A_202, %add3A_199, %add3A_209 : vector<16xi1>, vector<16xi32>
    %swap3A_211 = arith.constant 0 : i32
    %swap3A_212 = arith.index_cast %swap3A_211 : i32 to index
    %swap3A_213 = arith.constant 48 : index
    %swap3A_214 = tpu.vector_load %arg17[%swap3A_212, %swap3A_213] {strides = array<i32>} : memref<4x128xi32, #tpu.memory_space<vmem>>, vector<1x16xi32>,
    %swap3A_215 = vector.shape_cast %swap3A_214 : vector<1x16xi32> to vector<16xi32>
    %swap3A_216 = vector.shape_cast %select_n3A_210 : vector<16xi32> to vector<1x16xi32>
    tpu.vector_store %arg17[%swap3A_212, %swap3A_213], %swap3A_216 {strides = array<i32>} : memref<4x128xi32, #tpu.memory_space<vmem>>, vector<1x16xi32>,
    %eq3A_217 = arith.constant 1 : i32
    %eq3A_218 = vector.broadcast %eq3A_217 : i32 to vector<16xi32>
    %eq3A_219 = arith.cmpi eq, %get3A_192, %eq3A_218 : vector<16xi32>
    %swap3A_220 = arith.constant 48 : index
    %swap3A_221 = tpu.vector_load %arg15[%swap3A_220] {strides = array<i32>} : memref<512xi32, #tpu.memory_space<vmem>>, vector<16xi32>,
    %swap3A_222 = vector.shape_cast %swap3A_221 : vector<16xi32> to vector<16xi32>
    %swap3A_223 = vector.shape_cast %get3A_195 : vector<16xi32> to vector<16xi32>
    tpu.vector_store %arg15[%swap3A_220], %swap3A_223 {strides = array<i32>} : memref<512xi32, #tpu.memory_space<vmem>>, vector<16xi32>,
    %add3A_224 = arith.constant 16384 : i32
    %add3A_225 = vector.broadcast %add3A_224 : i32 to vector<16xi32>
    %add3A_226 = arith.addi %add3A_199, %add3A_225 : vector<16xi32>
    %select_n3A_227 = arith.select %eq3A_219, %add3A_199, %add3A_226 : vector<16xi1>, vector<16xi32>
    %swap3A_228 = arith.constant 0 : i32
    %swap3A_229 = arith.index_cast %swap3A_228 : i32 to index
    %swap3A_230 = arith.constant 48 : index
    %swap3A_231 = tpu.vector_load %arg18[%swap3A_229, %swap3A_230] {strides = array<i32>} : memref<4x128xi32, #tpu.memory_space<vmem>>, vector<1x16xi32>,
    %swap3A_232 = vector.shape_cast %swap3A_231 : vector<1x16xi32> to vector<16xi32>
    %swap3A_233 = vector.shape_cast %select_n3A_227 : vector<16xi32> to vector<1x16xi32>
    tpu.vector_store %arg18[%swap3A_229, %swap3A_230], %swap3A_233 {strides = array<i32>} : memref<4x128xi32, #tpu.memory_space<vmem>>, vector<1x16xi32>,
    %eq3A_234 = arith.constant 2 : i32
    %eq3A_235 = vector.broadcast %eq3A_234 : i32 to vector<16xi32>
    %eq3A_236 = arith.cmpi eq, %get3A_192, %eq3A_235 : vector<16xi32>
    %swap3A_237 = arith.constant 48 : index
    %swap3A_238 = tpu.vector_load %arg16[%swap3A_237] {strides = array<i32>} : memref<512xi32, #tpu.memory_space<vmem>>, vector<16xi32>,
    %swap3A_239 = vector.shape_cast %swap3A_238 : vector<16xi32> to vector<16xi32>
    %swap3A_240 = vector.shape_cast %get3A_195 : vector<16xi32> to vector<16xi32>
    tpu.vector_store %arg16[%swap3A_237], %swap3A_240 {strides = array<i32>} : memref<512xi32, #tpu.memory_space<vmem>>, vector<16xi32>,
    %add3A_241 = arith.constant 16384 : i32
    %add3A_242 = vector.broadcast %add3A_241 : i32 to vector<16xi32>
    %add3A_243 = arith.addi %add3A_199, %add3A_242 : vector<16xi32>
    %select_n3A_244 = arith.select %eq3A_236, %add3A_199, %add3A_243 : vector<16xi1>, vector<16xi32>
    %swap3A_245 = arith.constant 0 : i32
    %swap3A_246 = arith.index_cast %swap3A_245 : i32 to index
    %swap3A_247 = arith.constant 48 : index
    %swap3A_248 = tpu.vector_load %arg19[%swap3A_246, %swap3A_247] {strides = array<i32>} : memref<4x128xi32, #tpu.memory_space<vmem>>, vector<1x16xi32>,
    %swap3A_249 = vector.shape_cast %swap3A_248 : vector<1x16xi32> to vector<16xi32>
    %swap3A_250 = vector.shape_cast %select_n3A_244 : vector<16xi32> to vector<1x16xi32>
    tpu.vector_store %arg19[%swap3A_246, %swap3A_247], %swap3A_250 {strides = array<i32>} : memref<4x128xi32, #tpu.memory_space<vmem>>, vector<1x16xi32>,
    %get3A_251 = arith.constant 64 : index
    %get3A_252 = tpu.vector_load %arg11[%get3A_251] {strides = array<i32>} : memref<512xi32, #tpu.memory_space<vmem>>, vector<16xi32>,
    %get3A_253 = vector.shape_cast %get3A_252 : vector<16xi32> to vector<16xi32>
    %get3A_254 = arith.constant 64 : index
    %get3A_255 = tpu.vector_load %arg12[%get3A_254] {strides = array<i32>} : memref<512xi32, #tpu.memory_space<vmem>>, vector<16xi32>,
    %get3A_256 = vector.shape_cast %get3A_255 : vector<16xi32> to vector<16xi32>
    %add3A_257 = arith.constant 64 : i32
    %add3A_258 = arith.addi %mul3A_2, %add3A_257 : i32
    %add3A_259 = vector.broadcast %add3A_258 : i32 to vector<16xi32>
    %add3A_260 = arith.addi %add3A_259, %iota3A : vector<16xi32>
    %eq3A_261 = arith.constant 0 : i32
    %eq3A_262 = vector.broadcast %eq3A_261 : i32 to vector<16xi32>
    %eq3A_263 = arith.cmpi eq, %get3A_253, %eq3A_262 : vector<16xi32>
    %swap3A_264 = arith.constant 64 : index
    %swap3A_265 = tpu.vector_load %arg14[%swap3A_264] {strides = array<i32>} : memref<512xi32, #tpu.memory_space<vmem>>, vector<16xi32>,
    %swap3A_266 = vector.shape_cast %swap3A_265 : vector<16xi32> to vector<16xi32>
    %swap3A_267 = vector.shape_cast %get3A_256 : vector<16xi32> to vector<16xi32>
    tpu.vector_store %arg14[%swap3A_264], %swap3A_267 {strides = array<i32>} : memref<512xi32, #tpu.memory_space<vmem>>, vector<16xi32>,
    %add3A_268 = arith.constant 16384 : i32
    %add3A_269 = vector.broadcast %add3A_268 : i32 to vector<16xi32>
    %add3A_270 = arith.addi %add3A_260, %add3A_269 : vector<16xi32>
    %select_n3A_271 = arith.select %eq3A_263, %add3A_260, %add3A_270 : vector<16xi1>, vector<16xi32>
    %swap3A_272 = arith.constant 0 : i32
    %swap3A_273 = arith.index_cast %swap3A_272 : i32 to index
    %swap3A_274 = arith.constant 64 : index
    %swap3A_275 = tpu.vector_load %arg17[%swap3A_273, %swap3A_274] {strides = array<i32>} : memref<4x128xi32, #tpu.memory_space<vmem>>, vector<1x16xi32>,
    %swap3A_276 = vector.shape_cast %swap3A_275 : vector<1x16xi32> to vector<16xi32>
    %swap3A_277 = vector.shape_cast %select_n3A_271 : vector<16xi32> to vector<1x16xi32>
    tpu.vector_store %arg17[%swap3A_273, %swap3A_274], %swap3A_277 {strides = array<i32>} : memref<4x128xi32, #tpu.memory_space<vmem>>, vector<1x16xi32>,
    %eq3A_278 = arith.constant 1 : i32
    %eq3A_279 = vector.broadcast %eq3A_278 : i32 to vector<16xi32>
    %eq3A_280 = arith.cmpi eq, %get3A_253, %eq3A_279 : vector<16xi32>
    %swap3A_281 = arith.constant 64 : index
    %swap3A_282 = tpu.vector_load %arg15[%swap3A_281] {strides = array<i32>} : memref<512xi32, #tpu.memory_space<vmem>>, vector<16xi32>,
    %swap3A_283 = vector.shape_cast %swap3A_282 : vector<16xi32> to vector<16xi32>
    %swap3A_284 = vector.shape_cast %get3A_256 : vector<16xi32> to vector<16xi32>
    tpu.vector_store %arg15[%swap3A_281], %swap3A_284 {strides = array<i32>} : memref<512xi32, #tpu.memory_space<vmem>>, vector<16xi32>,
    %add3A_285 = arith.constant 16384 : i32
    %add3A_286 = vector.broadcast %add3A_285 : i32 to vector<16xi32>
    %add3A_287 = arith.addi %add3A_260, %add3A_286 : vector<16xi32>
    %select_n3A_288 = arith.select %eq3A_280, %add3A_260, %add3A_287 : vector<16xi1>, vector<16xi32>
    %swap3A_289 = arith.constant 0 : i32
    %swap3A_290 = arith.index_cast %swap3A_289 : i32 to index
    %swap3A_291 = arith.constant 64 : index
    %swap3A_292 = tpu.vector_load %arg18[%swap3A_290, %swap3A_291] {strides = array<i32>} : memref<4x128xi32, #tpu.memory_space<vmem>>, vector<1x16xi32>,
    %swap3A_293 = vector.shape_cast %swap3A_292 : vector<1x16xi32> to vector<16xi32>
    %swap3A_294 = vector.shape_cast %select_n3A_288 : vector<16xi32> to vector<1x16xi32>
    tpu.vector_store %arg18[%swap3A_290, %swap3A_291], %swap3A_294 {strides = array<i32>} : memref<4x128xi32, #tpu.memory_space<vmem>>, vector<1x16xi32>,
    %eq3A_295 = arith.constant 2 : i32
    %eq3A_296 = vector.broadcast %eq3A_295 : i32 to vector<16xi32>
    %eq3A_297 = arith.cmpi eq, %get3A_253, %eq3A_296 : vector<16xi32>
    %swap3A_298 = arith.constant 64 : index
    %swap3A_299 = tpu.vector_load %arg16[%swap3A_298] {strides = array<i32>} : memref<512xi32, #tpu.memory_space<vmem>>, vector<16xi32>,
    %swap3A_300 = vector.shape_cast %swap3A_299 : vector<16xi32> to vector<16xi32>
    %swap3A_301 = vector.shape_cast %get3A_256 : vector<16xi32> to vector<16xi32>
    tpu.vector_store %arg16[%swap3A_298], %swap3A_301 {strides = array<i32>} : memref<512xi32, #tpu.memory_space<vmem>>, vector<16xi32>,
    %add3A_302 = arith.constant 16384 : i32
    %add3A_303 = vector.broadcast %add3A_302 : i32 to vector<16xi32>
    %add3A_304 = arith.addi %add3A_260, %add3A_303 : vector<16xi32>
    %select_n3A_305 = arith.select %eq3A_297, %add3A_260, %add3A_304 : vector<16xi1>, vector<16xi32>
    %swap3A_306 = arith.constant 0 : i32
    %swap3A_307 = arith.index_cast %swap3A_306 : i32 to index
    %swap3A_308 = arith.constant 64 : index
    %swap3A_309 = tpu.vector_load %arg19[%swap3A_307, %swap3A_308] {strides = array<i32>} : memref<4x128xi32, #tpu.memory_space<vmem>>, vector<1x16xi32>,
    %swap3A_310 = vector.shape_cast %swap3A_309 : vector<1x16xi32> to vector<16xi32>
    %swap3A_311 = vector.shape_cast %select_n3A_305 : vector<16xi32> to vector<1x16xi32>
    tpu.vector_store %arg19[%swap3A_307, %swap3A_308], %swap3A_311 {strides = array<i32>} : memref<4x128xi32, #tpu.memory_space<vmem>>, vector<1x16xi32>,
    %get3A_312 = arith.constant 80 : index
    %get3A_313 = tpu.vector_load %arg11[%get3A_312] {strides = array<i32>} : memref<512xi32, #tpu.memory_space<vmem>>, vector<16xi32>,
    %get3A_314 = vector.shape_cast %get3A_313 : vector<16xi32> to vector<16xi32>
    %get3A_315 = arith.constant 80 : index
    %get3A_316 = tpu.vector_load %arg12[%get3A_315] {strides = array<i32>} : memref<512xi32, #tpu.memory_space<vmem>>, vector<16xi32>,
    %get3A_317 = vector.shape_cast %get3A_316 : vector<16xi32> to vector<16xi32>
    %add3A_318 = arith.constant 80 : i32
    %add3A_319 = arith.addi %mul3A_2, %add3A_318 : i32
    %add3A_320 = vector.broadcast %add3A_319 : i32 to vector<16xi32>
    %add3A_321 = arith.addi %add3A_320, %iota3A : vector<16xi32>
    %eq3A_322 = arith.constant 0 : i32
    %eq3A_323 = vector.broadcast %eq3A_322 : i32 to vector<16xi32>
    %eq3A_324 = arith.cmpi eq, %get3A_314, %eq3A_323 : vector<16xi32>
    %swap3A_325 = arith.constant 80 : index
    %swap3A_326 = tpu.vector_load %arg14[%swap3A_325] {strides = array<i32>} : memref<512xi32, #tpu.memory_space<vmem>>, vector<16xi32>,
    %swap3A_327 = vector.shape_cast %swap3A_326 : vector<16xi32> to vector<16xi32>
    %swap3A_328 = vector.shape_cast %get3A_317 : vector<16xi32> to vector<16xi32>
    tpu.vector_store %arg14[%swap3A_325], %swap3A_328 {strides = array<i32>} : memref<512xi32, #tpu.memory_space<vmem>>, vector<16xi32>,
    %add3A_329 = arith.constant 16384 : i32
    %add3A_330 = vector.broadcast %add3A_329 : i32 to vector<16xi32>
    %add3A_331 = arith.addi %add3A_321, %add3A_330 : vector<16xi32>
    %select_n3A_332 = arith.select %eq3A_324, %add3A_321, %add3A_331 : vector<16xi1>, vector<16xi32>
    %swap3A_333 = arith.constant 0 : i32
    %swap3A_334 = arith.index_cast %swap3A_333 : i32 to index
    %swap3A_335 = arith.constant 80 : index
    %swap3A_336 = tpu.vector_load %arg17[%swap3A_334, %swap3A_335] {strides = array<i32>} : memref<4x128xi32, #tpu.memory_space<vmem>>, vector<1x16xi32>,
    %swap3A_337 = vector.shape_cast %swap3A_336 : vector<1x16xi32> to vector<16xi32>
    %swap3A_338 = vector.shape_cast %select_n3A_332 : vector<16xi32> to vector<1x16xi32>
    tpu.vector_store %arg17[%swap3A_334, %swap3A_335], %swap3A_338 {strides = array<i32>} : memref<4x128xi32, #tpu.memory_space<vmem>>, vector<1x16xi32>,
    %eq3A_339 = arith.constant 1 : i32
    %eq3A_340 = vector.broadcast %eq3A_339 : i32 to vector<16xi32>
    %eq3A_341 = arith.cmpi eq, %get3A_314, %eq3A_340 : vector<16xi32>
    %swap3A_342 = arith.constant 80 : index
    %swap3A_343 = tpu.vector_load %arg15[%swap3A_342] {strides = array<i32>} : memref<512xi32, #tpu.memory_space<vmem>>, vector<16xi32>,
    %swap3A_344 = vector.shape_cast %swap3A_343 : vector<16xi32> to vector<16xi32>
    %swap3A_345 = vector.shape_cast %get3A_317 : vector<16xi32> to vector<16xi32>
    tpu.vector_store %arg15[%swap3A_342], %swap3A_345 {strides = array<i32>} : memref<512xi32, #tpu.memory_space<vmem>>, vector<16xi32>,
    %add3A_346 = arith.constant 16384 : i32
    %add3A_347 = vector.broadcast %add3A_346 : i32 to vector<16xi32>
    %add3A_348 = arith.addi %add3A_321, %add3A_347 : vector<16xi32>
    %select_n3A_349 = arith.select %eq3A_341, %add3A_321, %add3A_348 : vector<16xi1>, vector<16xi32>
    %swap3A_350 = arith.constant 0 : i32
    %swap3A_351 = arith.index_cast %swap3A_350 : i32 to index
    %swap3A_352 = arith.constant 80 : index
    %swap3A_353 = tpu.vector_load %arg18[%swap3A_351, %swap3A_352] {strides = array<i32>} : memref<4x128xi32, #tpu.memory_space<vmem>>, vector<1x16xi32>,
    %swap3A_354 = vector.shape_cast %swap3A_353 : vector<1x16xi32> to vector<16xi32>
    %swap3A_355 = vector.shape_cast %select_n3A_349 : vector<16xi32> to vector<1x16xi32>
    tpu.vector_store %arg18[%swap3A_351, %swap3A_352], %swap3A_355 {strides = array<i32>} : memref<4x128xi32, #tpu.memory_space<vmem>>, vector<1x16xi32>,
    %eq3A_356 = arith.constant 2 : i32
    %eq3A_357 = vector.broadcast %eq3A_356 : i32 to vector<16xi32>
    %eq3A_358 = arith.cmpi eq, %get3A_314, %eq3A_357 : vector<16xi32>
    %swap3A_359 = arith.constant 80 : index
    %swap3A_360 = tpu.vector_load %arg16[%swap3A_359] {strides = array<i32>} : memref<512xi32, #tpu.memory_space<vmem>>, vector<16xi32>,
    %swap3A_361 = vector.shape_cast %swap3A_360 : vector<16xi32> to vector<16xi32>
    %swap3A_362 = vector.shape_cast %get3A_317 : vector<16xi32> to vector<16xi32>
    tpu.vector_store %arg16[%swap3A_359], %swap3A_362 {strides = array<i32>} : memref<512xi32, #tpu.memory_space<vmem>>, vector<16xi32>,
    %add3A_363 = arith.constant 16384 : i32
    %add3A_364 = vector.broadcast %add3A_363 : i32 to vector<16xi32>
    %add3A_365 = arith.addi %add3A_321, %add3A_364 : vector<16xi32>
    %select_n3A_366 = arith.select %eq3A_358, %add3A_321, %add3A_365 : vector<16xi1>, vector<16xi32>
    %swap3A_367 = arith.constant 0 : i32
    %swap3A_368 = arith.index_cast %swap3A_367 : i32 to index
    %swap3A_369 = arith.constant 80 : index
    %swap3A_370 = tpu.vector_load %arg19[%swap3A_368, %swap3A_369] {strides = array<i32>} : memref<4x128xi32, #tpu.memory_space<vmem>>, vector<1x16xi32>,
    %swap3A_371 = vector.shape_cast %swap3A_370 : vector<1x16xi32> to vector<16xi32>
    %swap3A_372 = vector.shape_cast %select_n3A_366 : vector<16xi32> to vector<1x16xi32>
    tpu.vector_store %arg19[%swap3A_368, %swap3A_369], %swap3A_372 {strides = array<i32>} : memref<4x128xi32, #tpu.memory_space<vmem>>, vector<1x16xi32>,
    %get3A_373 = arith.constant 96 : index
    %get3A_374 = tpu.vector_load %arg11[%get3A_373] {strides = array<i32>} : memref<512xi32, #tpu.memory_space<vmem>>, vector<16xi32>,
    %get3A_375 = vector.shape_cast %get3A_374 : vector<16xi32> to vector<16xi32>
    %get3A_376 = arith.constant 96 : index
    %get3A_377 = tpu.vector_load %arg12[%get3A_376] {strides = array<i32>} : memref<512xi32, #tpu.memory_space<vmem>>, vector<16xi32>,
    %get3A_378 = vector.shape_cast %get3A_377 : vector<16xi32> to vector<16xi32>
    %add3A_379 = arith.constant 96 : i32
    %add3A_380 = arith.addi %mul3A_2, %add3A_379 : i32
    %add3A_381 = vector.broadcast %add3A_380 : i32 to vector<16xi32>
    %add3A_382 = arith.addi %add3A_381, %iota3A : vector<16xi32>
    %eq3A_383 = arith.constant 0 : i32
    %eq3A_384 = vector.broadcast %eq3A_383 : i32 to vector<16xi32>
    %eq3A_385 = arith.cmpi eq, %get3A_375, %eq3A_384 : vector<16xi32>
    %swap3A_386 = arith.constant 96 : index
    %swap3A_387 = tpu.vector_load %arg14[%swap3A_386] {strides = array<i32>} : memref<512xi32, #tpu.memory_space<vmem>>, vector<16xi32>,
    %swap3A_388 = vector.shape_cast %swap3A_387 : vector<16xi32> to vector<16xi32>
    %swap3A_389 = vector.shape_cast %get3A_378 : vector<16xi32> to vector<16xi32>
    tpu.vector_store %arg14[%swap3A_386], %swap3A_389 {strides = array<i32>} : memref<512xi32, #tpu.memory_space<vmem>>, vector<16xi32>,
    %add3A_390 = arith.constant 16384 : i32
    %add3A_391 = vector.broadcast %add3A_390 : i32 to vector<16xi32>
    %add3A_392 = arith.addi %add3A_382, %add3A_391 : vector<16xi32>
    %select_n3A_393 = arith.select %eq3A_385, %add3A_382, %add3A_392 : vector<16xi1>, vector<16xi32>
    %swap3A_394 = arith.constant 0 : i32
    %swap3A_395 = arith.index_cast %swap3A_394 : i32 to index
    %swap3A_396 = arith.constant 96 : index
    %swap3A_397 = tpu.vector_load %arg17[%swap3A_395, %swap3A_396] {strides = array<i32>} : memref<4x128xi32, #tpu.memory_space<vmem>>, vector<1x16xi32>,
    %swap3A_398 = vector.shape_cast %swap3A_397 : vector<1x16xi32> to vector<16xi32>
    %swap3A_399 = vector.shape_cast %select_n3A_393 : vector<16xi32> to vector<1x16xi32>
    tpu.vector_store %arg17[%swap3A_395, %swap3A_396], %swap3A_399 {strides = array<i32>} : memref<4x128xi32, #tpu.memory_space<vmem>>, vector<1x16xi32>,
    %eq3A_400 = arith.constant 1 : i32
    %eq3A_401 = vector.broadcast %eq3A_400 : i32 to vector<16xi32>
    %eq3A_402 = arith.cmpi eq, %get3A_375, %eq3A_401 : vector<16xi32>
    %swap3A_403 = arith.constant 96 : index
    %swap3A_404 = tpu.vector_load %arg15[%swap3A_403] {strides = array<i32>} : memref<512xi32, #tpu.memory_space<vmem>>, vector<16xi32>,
    %swap3A_405 = vector.shape_cast %swap3A_404 : vector<16xi32> to vector<16xi32>
    %swap3A_406 = vector.shape_cast %get3A_378 : vector<16xi32> to vector<16xi32>
    tpu.vector_store %arg15[%swap3A_403], %swap3A_406 {strides = array<i32>} : memref<512xi32, #tpu.memory_space<vmem>>, vector<16xi32>,
    %add3A_407 = arith.constant 16384 : i32
    %add3A_408 = vector.broadcast %add3A_407 : i32 to vector<16xi32>
    %add3A_409 = arith.addi %add3A_382, %add3A_408 : vector<16xi32>
    %select_n3A_410 = arith.select %eq3A_402, %add3A_382, %add3A_409 : vector<16xi1>, vector<16xi32>
    %swap3A_411 = arith.constant 0 : i32
    %swap3A_412 = arith.index_cast %swap3A_411 : i32 to index
    %swap3A_413 = arith.constant 96 : index
    %swap3A_414 = tpu.vector_load %arg18[%swap3A_412, %swap3A_413] {strides = array<i32>} : memref<4x128xi32, #tpu.memory_space<vmem>>, vector<1x16xi32>,
    %swap3A_415 = vector.shape_cast %swap3A_414 : vector<1x16xi32> to vector<16xi32>
    %swap3A_416 = vector.shape_cast %select_n3A_410 : vector<16xi32> to vector<1x16xi32>
    tpu.vector_store %arg18[%swap3A_412, %swap3A_413], %swap3A_416 {strides = array<i32>} : memref<4x128xi32, #tpu.memory_space<vmem>>, vector<1x16xi32>,
    %eq3A_417 = arith.constant 2 : i32
    %eq3A_418 = vector.broadcast %eq3A_417 : i32 to vector<16xi32>
    %eq3A_419 = arith.cmpi eq, %get3A_375, %eq3A_418 : vector<16xi32>
    %swap3A_420 = arith.constant 96 : index
    %swap3A_421 = tpu.vector_load %arg16[%swap3A_420] {strides = array<i32>} : memref<512xi32, #tpu.memory_space<vmem>>, vector<16xi32>,
    %swap3A_422 = vector.shape_cast %swap3A_421 : vector<16xi32> to vector<16xi32>
    %swap3A_423 = vector.shape_cast %get3A_378 : vector<16xi32> to vector<16xi32>
    tpu.vector_store %arg16[%swap3A_420], %swap3A_423 {strides = array<i32>} : memref<512xi32, #tpu.memory_space<vmem>>, vector<16xi32>,
    %add3A_424 = arith.constant 16384 : i32
    %add3A_425 = vector.broadcast %add3A_424 : i32 to vector<16xi32>
    %add3A_426 = arith.addi %add3A_382, %add3A_425 : vector<16xi32>
    %select_n3A_427 = arith.select %eq3A_419, %add3A_382, %add3A_426 : vector<16xi1>, vector<16xi32>
    %swap3A_428 = arith.constant 0 : i32
    %swap3A_429 = arith.index_cast %swap3A_428 : i32 to index
    %swap3A_430 = arith.constant 96 : index
    %swap3A_431 = tpu.vector_load %arg19[%swap3A_429, %swap3A_430] {strides = array<i32>} : memref<4x128xi32, #tpu.memory_space<vmem>>, vector<1x16xi32>,
    %swap3A_432 = vector.shape_cast %swap3A_431 : vector<1x16xi32> to vector<16xi32>
    %swap3A_433 = vector.shape_cast %select_n3A_427 : vector<16xi32> to vector<1x16xi32>
    tpu.vector_store %arg19[%swap3A_429, %swap3A_430], %swap3A_433 {strides = array<i32>} : memref<4x128xi32, #tpu.memory_space<vmem>>, vector<1x16xi32>,
    %get3A_434 = arith.constant 112 : index
    %get3A_435 = tpu.vector_load %arg11[%get3A_434] {strides = array<i32>} : memref<512xi32, #tpu.memory_space<vmem>>, vector<16xi32>,
    %get3A_436 = vector.shape_cast %get3A_435 : vector<16xi32> to vector<16xi32>
    %get3A_437 = arith.constant 112 : index
    %get3A_438 = tpu.vector_load %arg12[%get3A_437] {strides = array<i32>} : memref<512xi32, #tpu.memory_space<vmem>>, vector<16xi32>,
    %get3A_439 = vector.shape_cast %get3A_438 : vector<16xi32> to vector<16xi32>
    %add3A_440 = arith.constant 112 : i32
    %add3A_441 = arith.addi %mul3A_2, %add3A_440 : i32
    %add3A_442 = vector.broadcast %add3A_441 : i32 to vector<16xi32>
    %add3A_443 = arith.addi %add3A_442, %iota3A : vector<16xi32>
    %eq3A_444 = arith.constant 0 : i32
    %eq3A_445 = vector.broadcast %eq3A_444 : i32 to vector<16xi32>
    %eq3A_446 = arith.cmpi eq, %get3A_436, %eq3A_445 : vector<16xi32>
    %swap3A_447 = arith.constant 112 : index
    %swap3A_448 = tpu.vector_load %arg14[%swap3A_447] {strides = array<i32>} : memref<512xi32, #tpu.memory_space<vmem>>, vector<16xi32>,
    %swap3A_449 = vector.shape_cast %swap3A_448 : vector<16xi32> to vector<16xi32>
    %swap3A_450 = vector.shape_cast %get3A_439 : vector<16xi32> to vector<16xi32>
    tpu.vector_store %arg14[%swap3A_447], %swap3A_450 {strides = array<i32>} : memref<512xi32, #tpu.memory_space<vmem>>, vector<16xi32>,
    %add3A_451 = arith.constant 16384 : i32
    %add3A_452 = vector.broadcast %add3A_451 : i32 to vector<16xi32>
    %add3A_453 = arith.addi %add3A_443, %add3A_452 : vector<16xi32>
    %select_n3A_454 = arith.select %eq3A_446, %add3A_443, %add3A_453 : vector<16xi1>, vector<16xi32>
    %swap3A_455 = arith.constant 0 : i32
    %swap3A_456 = arith.index_cast %swap3A_455 : i32 to index
    %swap3A_457 = arith.constant 112 : index
    %swap3A_458 = tpu.vector_load %arg17[%swap3A_456, %swap3A_457] {strides = array<i32>} : memref<4x128xi32, #tpu.memory_space<vmem>>, vector<1x16xi32>,
    %swap3A_459 = vector.shape_cast %swap3A_458 : vector<1x16xi32> to vector<16xi32>
    %swap3A_460 = vector.shape_cast %select_n3A_454 : vector<16xi32> to vector<1x16xi32>
    tpu.vector_store %arg17[%swap3A_456, %swap3A_457], %swap3A_460 {strides = array<i32>} : memref<4x128xi32, #tpu.memory_space<vmem>>, vector<1x16xi32>,
    %eq3A_461 = arith.constant 1 : i32
    %eq3A_462 = vector.broadcast %eq3A_461 : i32 to vector<16xi32>
    %eq3A_463 = arith.cmpi eq, %get3A_436, %eq3A_462 : vector<16xi32>
    %swap3A_464 = arith.constant 112 : index
    %swap3A_465 = tpu.vector_load %arg15[%swap3A_464] {strides = array<i32>} : memref<512xi32, #tpu.memory_space<vmem>>, vector<16xi32>,
    %swap3A_466 = vector.shape_cast %swap3A_465 : vector<16xi32> to vector<16xi32>
    %swap3A_467 = vector.shape_cast %get3A_439 : vector<16xi32> to vector<16xi32>
    tpu.vector_store %arg15[%swap3A_464], %swap3A_467 {strides = array<i32>} : memref<512xi32, #tpu.memory_space<vmem>>, vector<16xi32>,
    %add3A_468 = arith.constant 16384 : i32
    %add3A_469 = vector.broadcast %add3A_468 : i32 to vector<16xi32>
    %add3A_470 = arith.addi %add3A_443, %add3A_469 : vector<16xi32>
    %select_n3A_471 = arith.select %eq3A_463, %add3A_443, %add3A_470 : vector<16xi1>, vector<16xi32>
    %swap3A_472 = arith.constant 0 : i32
    %swap3A_473 = arith.index_cast %swap3A_472 : i32 to index
    %swap3A_474 = arith.constant 112 : index
    %swap3A_475 = tpu.vector_load %arg18[%swap3A_473, %swap3A_474] {strides = array<i32>} : memref<4x128xi32, #tpu.memory_space<vmem>>, vector<1x16xi32>,
    %swap3A_476 = vector.shape_cast %swap3A_475 : vector<1x16xi32> to vector<16xi32>
    %swap3A_477 = vector.shape_cast %select_n3A_471 : vector<16xi32> to vector<1x16xi32>
    tpu.vector_store %arg18[%swap3A_473, %swap3A_474], %swap3A_477 {strides = array<i32>} : memref<4x128xi32, #tpu.memory_space<vmem>>, vector<1x16xi32>,
    %eq3A_478 = arith.constant 2 : i32
    %eq3A_479 = vector.broadcast %eq3A_478 : i32 to vector<16xi32>
    %eq3A_480 = arith.cmpi eq, %get3A_436, %eq3A_479 : vector<16xi32>
    %swap3A_481 = arith.constant 112 : index
    %swap3A_482 = tpu.vector_load %arg16[%swap3A_481] {strides = array<i32>} : memref<512xi32, #tpu.memory_space<vmem>>, vector<16xi32>,
    %swap3A_483 = vector.shape_cast %swap3A_482 : vector<16xi32> to vector<16xi32>
    %swap3A_484 = vector.shape_cast %get3A_439 : vector<16xi32> to vector<16xi32>
    tpu.vector_store %arg16[%swap3A_481], %swap3A_484 {strides = array<i32>} : memref<512xi32, #tpu.memory_space<vmem>>, vector<16xi32>,
    %add3A_485 = arith.constant 16384 : i32
    %add3A_486 = vector.broadcast %add3A_485 : i32 to vector<16xi32>
    %add3A_487 = arith.addi %add3A_443, %add3A_486 : vector<16xi32>
    %select_n3A_488 = arith.select %eq3A_480, %add3A_443, %add3A_487 : vector<16xi1>, vector<16xi32>
    %swap3A_489 = arith.constant 0 : i32
    %swap3A_490 = arith.index_cast %swap3A_489 : i32 to index
    %swap3A_491 = arith.constant 112 : index
    %swap3A_492 = tpu.vector_load %arg19[%swap3A_490, %swap3A_491] {strides = array<i32>} : memref<4x128xi32, #tpu.memory_space<vmem>>, vector<1x16xi32>,
    %swap3A_493 = vector.shape_cast %swap3A_492 : vector<1x16xi32> to vector<16xi32>
    %swap3A_494 = vector.shape_cast %select_n3A_488 : vector<16xi32> to vector<1x16xi32>
    tpu.vector_store %arg19[%swap3A_490, %swap3A_491], %swap3A_494 {strides = array<i32>} : memref<4x128xi32, #tpu.memory_space<vmem>>, vector<1x16xi32>,
    %get3A_495 = arith.constant 128 : index
    %get3A_496 = tpu.vector_load %arg11[%get3A_495] {strides = array<i32>} : memref<512xi32, #tpu.memory_space<vmem>>, vector<16xi32>,
    %get3A_497 = vector.shape_cast %get3A_496 : vector<16xi32> to vector<16xi32>
    %get3A_498 = arith.constant 128 : index
    %get3A_499 = tpu.vector_load %arg12[%get3A_498] {strides = array<i32>} : memref<512xi32, #tpu.memory_space<vmem>>, vector<16xi32>,
    %get3A_500 = vector.shape_cast %get3A_499 : vector<16xi32> to vector<16xi32>
    %add3A_501 = arith.constant 128 : i32
    %add3A_502 = arith.addi %mul3A_2, %add3A_501 : i32
    %add3A_503 = vector.broadcast %add3A_502 : i32 to vector<16xi32>
    %add3A_504 = arith.addi %add3A_503, %iota3A : vector<16xi32>
    %eq3A_505 = arith.constant 0 : i32
    %eq3A_506 = vector.broadcast %eq3A_505 : i32 to vector<16xi32>
    %eq3A_507 = arith.cmpi eq, %get3A_497, %eq3A_506 : vector<16xi32>
    %swap3A_508 = arith.constant 128 : index
    %swap3A_509 = tpu.vector_load %arg14[%swap3A_508] {strides = array<i32>} : memref<512xi32, #tpu.memory_space<vmem>>, vector<16xi32>,
    %swap3A_510 = vector.shape_cast %swap3A_509 : vector<16xi32> to vector<16xi32>
    %swap3A_511 = vector.shape_cast %get3A_500 : vector<16xi32> to vector<16xi32>
    tpu.vector_store %arg14[%swap3A_508], %swap3A_511 {strides = array<i32>} : memref<512xi32, #tpu.memory_space<vmem>>, vector<16xi32>,
    %add3A_512 = arith.constant 16384 : i32
    %add3A_513 = vector.broadcast %add3A_512 : i32 to vector<16xi32>
    %add3A_514 = arith.addi %add3A_504, %add3A_513 : vector<16xi32>
    %select_n3A_515 = arith.select %eq3A_507, %add3A_504, %add3A_514 : vector<16xi1>, vector<16xi32>
    %swap3A_516 = arith.constant 1 : i32
    %swap3A_517 = arith.index_cast %swap3A_516 : i32 to index
    %swap3A_518 = arith.constant 0 : index
    %swap3A_519 = tpu.vector_load %arg17[%swap3A_517, %swap3A_518] {strides = array<i32>} : memref<4x128xi32, #tpu.memory_space<vmem>>, vector<1x16xi32>,
    %swap3A_520 = vector.shape_cast %swap3A_519 : vector<1x16xi32> to vector<16xi32>
    %swap3A_521 = vector.shape_cast %select_n3A_515 : vector<16xi32> to vector<1x16xi32>
    tpu.vector_store %arg17[%swap3A_517, %swap3A_518], %swap3A_521 {strides = array<i32>} : memref<4x128xi32, #tpu.memory_space<vmem>>, vector<1x16xi32>,
    %eq3A_522 = arith.constant 1 : i32
    %eq3A_523 = vector.broadcast %eq3A_522 : i32 to vector<16xi32>
    %eq3A_524 = arith.cmpi eq, %get3A_497, %eq3A_523 : vector<16xi32>
    %swap3A_525 = arith.constant 128 : index
    %swap3A_526 = tpu.vector_load %arg15[%swap3A_525] {strides = array<i32>} : memref<512xi32, #tpu.memory_space<vmem>>, vector<16xi32>,
    %swap3A_527 = vector.shape_cast %swap3A_526 : vector<16xi32> to vector<16xi32>
    %swap3A_528 = vector.shape_cast %get3A_500 : vector<16xi32> to vector<16xi32>
    tpu.vector_store %arg15[%swap3A_525], %swap3A_528 {strides = array<i32>} : memref<512xi32, #tpu.memory_space<vmem>>, vector<16xi32>,
    %add3A_529 = arith.constant 16384 : i32
    %add3A_530 = vector.broadcast %add3A_529 : i32 to vector<16xi32>
    %add3A_531 = arith.addi %add3A_504, %add3A_530 : vector<16xi32>
    %select_n3A_532 = arith.select %eq3A_524, %add3A_504, %add3A_531 : vector<16xi1>, vector<16xi32>
    %swap3A_533 = arith.constant 1 : i32
    %swap3A_534 = arith.index_cast %swap3A_533 : i32 to index
    %swap3A_535 = arith.constant 0 : index
    %swap3A_536 = tpu.vector_load %arg18[%swap3A_534, %swap3A_535] {strides = array<i32>} : memref<4x128xi32, #tpu.memory_space<vmem>>, vector<1x16xi32>,
    %swap3A_537 = vector.shape_cast %swap3A_536 : vector<1x16xi32> to vector<16xi32>
    %swap3A_538 = vector.shape_cast %select_n3A_532 : vector<16xi32> to vector<1x16xi32>
    tpu.vector_store %arg18[%swap3A_534, %swap3A_535], %swap3A_538 {strides = array<i32>} : memref<4x128xi32, #tpu.memory_space<vmem>>, vector<1x16xi32>,
    %eq3A_539 = arith.constant 2 : i32
    %eq3A_540 = vector.broadcast %eq3A_539 : i32 to vector<16xi32>
    %eq3A_541 = arith.cmpi eq, %get3A_497, %eq3A_540 : vector<16xi32>
    %swap3A_542 = arith.constant 128 : index
    %swap3A_543 = tpu.vector_load %arg16[%swap3A_542] {strides = array<i32>} : memref<512xi32, #tpu.memory_space<vmem>>, vector<16xi32>,
    %swap3A_544 = vector.shape_cast %swap3A_543 : vector<16xi32> to vector<16xi32>
    %swap3A_545 = vector.shape_cast %get3A_500 : vector<16xi32> to vector<16xi32>
    tpu.vector_store %arg16[%swap3A_542], %swap3A_545 {strides = array<i32>} : memref<512xi32, #tpu.memory_space<vmem>>, vector<16xi32>,
    %add3A_546 = arith.constant 16384 : i32
    %add3A_547 = vector.broadcast %add3A_546 : i32 to vector<16xi32>
    %add3A_548 = arith.addi %add3A_504, %add3A_547 : vector<16xi32>
    %select_n3A_549 = arith.select %eq3A_541, %add3A_504, %add3A_548 : vector<16xi1>, vector<16xi32>
    %swap3A_550 = arith.constant 1 : i32
    %swap3A_551 = arith.index_cast %swap3A_550 : i32 to index
    %swap3A_552 = arith.constant 0 : index
    %swap3A_553 = tpu.vector_load %arg19[%swap3A_551, %swap3A_552] {strides = array<i32>} : memref<4x128xi32, #tpu.memory_space<vmem>>, vector<1x16xi32>,
    %swap3A_554 = vector.shape_cast %swap3A_553 : vector<1x16xi32> to vector<16xi32>
    %swap3A_555 = vector.shape_cast %select_n3A_549 : vector<16xi32> to vector<1x16xi32>
    tpu.vector_store %arg19[%swap3A_551, %swap3A_552], %swap3A_555 {strides = array<i32>} : memref<4x128xi32, #tpu.memory_space<vmem>>, vector<1x16xi32>,
    %get3A_556 = arith.constant 144 : index
    %get3A_557 = tpu.vector_load %arg11[%get3A_556] {strides = array<i32>} : memref<512xi32, #tpu.memory_space<vmem>>, vector<16xi32>,
    %get3A_558 = vector.shape_cast %get3A_557 : vector<16xi32> to vector<16xi32>
    %get3A_559 = arith.constant 144 : index
    %get3A_560 = tpu.vector_load %arg12[%get3A_559] {strides = array<i32>} : memref<512xi32, #tpu.memory_space<vmem>>, vector<16xi32>,
    %get3A_561 = vector.shape_cast %get3A_560 : vector<16xi32> to vector<16xi32>
    %add3A_562 = arith.constant 144 : i32
    %add3A_563 = arith.addi %mul3A_2, %add3A_562 : i32
    %add3A_564 = vector.broadcast %add3A_563 : i32 to vector<16xi32>
    %add3A_565 = arith.addi %add3A_564, %iota3A : vector<16xi32>
    %eq3A_566 = arith.constant 0 : i32
    %eq3A_567 = vector.broadcast %eq3A_566 : i32 to vector<16xi32>
    %eq3A_568 = arith.cmpi eq, %get3A_558, %eq3A_567 : vector<16xi32>
    %swap3A_569 = arith.constant 144 : index
    %swap3A_570 = tpu.vector_load %arg14[%swap3A_569] {strides = array<i32>} : memref<512xi32, #tpu.memory_space<vmem>>, vector<16xi32>,
    %swap3A_571 = vector.shape_cast %swap3A_570 : vector<16xi32> to vector<16xi32>
    %swap3A_572 = vector.shape_cast %get3A_561 : vector<16xi32> to vector<16xi32>
    tpu.vector_store %arg14[%swap3A_569], %swap3A_572 {strides = array<i32>} : memref<512xi32, #tpu.memory_space<vmem>>, vector<16xi32>,
    %add3A_573 = arith.constant 16384 : i32
    %add3A_574 = vector.broadcast %add3A_573 : i32 to vector<16xi32>
    %add3A_575 = arith.addi %add3A_565, %add3A_574 : vector<16xi32>
    %select_n3A_576 = arith.select %eq3A_568, %add3A_565, %add3A_575 : vector<16xi1>, vector<16xi32>
    %swap3A_577 = arith.constant 1 : i32
    %swap3A_578 = arith.index_cast %swap3A_577 : i32 to index
    %swap3A_579 = arith.constant 16 : index
    %swap3A_580 = tpu.vector_load %arg17[%swap3A_578, %swap3A_579] {strides = array<i32>} : memref<4x128xi32, #tpu.memory_space<vmem>>, vector<1x16xi32>,
    %swap3A_581 = vector.shape_cast %swap3A_580 : vector<1x16xi32> to vector<16xi32>
    %swap3A_582 = vector.shape_cast %select_n3A_576 : vector<16xi32> to vector<1x16xi32>
    tpu.vector_store %arg17[%swap3A_578, %swap3A_579], %swap3A_582 {strides = array<i32>} : memref<4x128xi32, #tpu.memory_space<vmem>>, vector<1x16xi32>,
    %eq3A_583 = arith.constant 1 : i32
    %eq3A_584 = vector.broadcast %eq3A_583 : i32 to vector<16xi32>
    %eq3A_585 = arith.cmpi eq, %get3A_558, %eq3A_584 : vector<16xi32>
    %swap3A_586 = arith.constant 144 : index
    %swap3A_587 = tpu.vector_load %arg15[%swap3A_586] {strides = array<i32>} : memref<512xi32, #tpu.memory_space<vmem>>, vector<16xi32>,
    %swap3A_588 = vector.shape_cast %swap3A_587 : vector<16xi32> to vector<16xi32>
    %swap3A_589 = vector.shape_cast %get3A_561 : vector<16xi32> to vector<16xi32>
    tpu.vector_store %arg15[%swap3A_586], %swap3A_589 {strides = array<i32>} : memref<512xi32, #tpu.memory_space<vmem>>, vector<16xi32>,
    %add3A_590 = arith.constant 16384 : i32
    %add3A_591 = vector.broadcast %add3A_590 : i32 to vector<16xi32>
    %add3A_592 = arith.addi %add3A_565, %add3A_591 : vector<16xi32>
    %select_n3A_593 = arith.select %eq3A_585, %add3A_565, %add3A_592 : vector<16xi1>, vector<16xi32>
    %swap3A_594 = arith.constant 1 : i32
    %swap3A_595 = arith.index_cast %swap3A_594 : i32 to index
    %swap3A_596 = arith.constant 16 : index
    %swap3A_597 = tpu.vector_load %arg18[%swap3A_595, %swap3A_596] {strides = array<i32>} : memref<4x128xi32, #tpu.memory_space<vmem>>, vector<1x16xi32>,
    %swap3A_598 = vector.shape_cast %swap3A_597 : vector<1x16xi32> to vector<16xi32>
    %swap3A_599 = vector.shape_cast %select_n3A_593 : vector<16xi32> to vector<1x16xi32>
    tpu.vector_store %arg18[%swap3A_595, %swap3A_596], %swap3A_599 {strides = array<i32>} : memref<4x128xi32, #tpu.memory_space<vmem>>, vector<1x16xi32>,
    %eq3A_600 = arith.constant 2 : i32
    %eq3A_601 = vector.broadcast %eq3A_600 : i32 to vector<16xi32>
    %eq3A_602 = arith.cmpi eq, %get3A_558, %eq3A_601 : vector<16xi32>
    %swap3A_603 = arith.constant 144 : index
    %swap3A_604 = tpu.vector_load %arg16[%swap3A_603] {strides = array<i32>} : memref<512xi32, #tpu.memory_space<vmem>>, vector<16xi32>,
    %swap3A_605 = vector.shape_cast %swap3A_604 : vector<16xi32> to vector<16xi32>
    %swap3A_606 = vector.shape_cast %get3A_561 : vector<16xi32> to vector<16xi32>
    tpu.vector_store %arg16[%swap3A_603], %swap3A_606 {strides = array<i32>} : memref<512xi32, #tpu.memory_space<vmem>>, vector<16xi32>,
    %add3A_607 = arith.constant 16384 : i32
    %add3A_608 = vector.broadcast %add3A_607 : i32 to vector<16xi32>
    %add3A_609 = arith.addi %add3A_565, %add3A_608 : vector<16xi32>
    %select_n3A_610 = arith.select %eq3A_602, %add3A_565, %add3A_609 : vector<16xi1>, vector<16xi32>
    %swap3A_611 = arith.constant 1 : i32
    %swap3A_612 = arith.index_cast %swap3A_611 : i32 to index
    %swap3A_613 = arith.constant 16 : index
    %swap3A_614 = tpu.vector_load %arg19[%swap3A_612, %swap3A_613] {strides = array<i32>} : memref<4x128xi32, #tpu.memory_space<vmem>>, vector<1x16xi32>,
    %swap3A_615 = vector.shape_cast %swap3A_614 : vector<1x16xi32> to vector<16xi32>
    %swap3A_616 = vector.shape_cast %select_n3A_610 : vector<16xi32> to vector<1x16xi32>
    tpu.vector_store %arg19[%swap3A_612, %swap3A_613], %swap3A_616 {strides = array<i32>} : memref<4x128xi32, #tpu.memory_space<vmem>>, vector<1x16xi32>,
    %get3A_617 = arith.constant 160 : index
    %get3A_618 = tpu.vector_load %arg11[%get3A_617] {strides = array<i32>} : memref<512xi32, #tpu.memory_space<vmem>>, vector<16xi32>,
    %get3A_619 = vector.shape_cast %get3A_618 : vector<16xi32> to vector<16xi32>
    %get3A_620 = arith.constant 160 : index
    %get3A_621 = tpu.vector_load %arg12[%get3A_620] {strides = array<i32>} : memref<512xi32, #tpu.memory_space<vmem>>, vector<16xi32>,
    %get3A_622 = vector.shape_cast %get3A_621 : vector<16xi32> to vector<16xi32>
    %add3A_623 = arith.constant 160 : i32
    %add3A_624 = arith.addi %mul3A_2, %add3A_623 : i32
    %add3A_625 = vector.broadcast %add3A_624 : i32 to vector<16xi32>
    %add3A_626 = arith.addi %add3A_625, %iota3A : vector<16xi32>
    %eq3A_627 = arith.constant 0 : i32
    %eq3A_628 = vector.broadcast %eq3A_627 : i32 to vector<16xi32>
    %eq3A_629 = arith.cmpi eq, %get3A_619, %eq3A_628 : vector<16xi32>
    %swap3A_630 = arith.constant 160 : index
    %swap3A_631 = tpu.vector_load %arg14[%swap3A_630] {strides = array<i32>} : memref<512xi32, #tpu.memory_space<vmem>>, vector<16xi32>,
    %swap3A_632 = vector.shape_cast %swap3A_631 : vector<16xi32> to vector<16xi32>
    %swap3A_633 = vector.shape_cast %get3A_622 : vector<16xi32> to vector<16xi32>
    tpu.vector_store %arg14[%swap3A_630], %swap3A_633 {strides = array<i32>} : memref<512xi32, #tpu.memory_space<vmem>>, vector<16xi32>,
    %add3A_634 = arith.constant 16384 : i32
    %add3A_635 = vector.broadcast %add3A_634 : i32 to vector<16xi32>
    %add3A_636 = arith.addi %add3A_626, %add3A_635 : vector<16xi32>
    %select_n3A_637 = arith.select %eq3A_629, %add3A_626, %add3A_636 : vector<16xi1>, vector<16xi32>
    %swap3A_638 = arith.constant 1 : i32
    %swap3A_639 = arith.index_cast %swap3A_638 : i32 to index
    %swap3A_640 = arith.constant 32 : index
    %swap3A_641 = tpu.vector_load %arg17[%swap3A_639, %swap3A_640] {strides = array<i32>} : memref<4x128xi32, #tpu.memory_space<vmem>>, vector<1x16xi32>,
    %swap3A_642 = vector.shape_cast %swap3A_641 : vector<1x16xi32> to vector<16xi32>
    %swap3A_643 = vector.shape_cast %select_n3A_637 : vector<16xi32> to vector<1x16xi32>
    tpu.vector_store %arg17[%swap3A_639, %swap3A_640], %swap3A_643 {strides = array<i32>} : memref<4x128xi32, #tpu.memory_space<vmem>>, vector<1x16xi32>,
    %eq3A_644 = arith.constant 1 : i32
    %eq3A_645 = vector.broadcast %eq3A_644 : i32 to vector<16xi32>
    %eq3A_646 = arith.cmpi eq, %get3A_619, %eq3A_645 : vector<16xi32>
    %swap3A_647 = arith.constant 160 : index
    %swap3A_648 = tpu.vector_load %arg15[%swap3A_647] {strides = array<i32>} : memref<512xi32, #tpu.memory_space<vmem>>, vector<16xi32>,
    %swap3A_649 = vector.shape_cast %swap3A_648 : vector<16xi32> to vector<16xi32>
    %swap3A_650 = vector.shape_cast %get3A_622 : vector<16xi32> to vector<16xi32>
    tpu.vector_store %arg15[%swap3A_647], %swap3A_650 {strides = array<i32>} : memref<512xi32, #tpu.memory_space<vmem>>, vector<16xi32>,
    %add3A_651 = arith.constant 16384 : i32
    %add3A_652 = vector.broadcast %add3A_651 : i32 to vector<16xi32>
    %add3A_653 = arith.addi %add3A_626, %add3A_652 : vector<16xi32>
    %select_n3A_654 = arith.select %eq3A_646, %add3A_626, %add3A_653 : vector<16xi1>, vector<16xi32>
    %swap3A_655 = arith.constant 1 : i32
    %swap3A_656 = arith.index_cast %swap3A_655 : i32 to index
    %swap3A_657 = arith.constant 32 : index
    %swap3A_658 = tpu.vector_load %arg18[%swap3A_656, %swap3A_657] {strides = array<i32>} : memref<4x128xi32, #tpu.memory_space<vmem>>, vector<1x16xi32>,
    %swap3A_659 = vector.shape_cast %swap3A_658 : vector<1x16xi32> to vector<16xi32>
    %swap3A_660 = vector.shape_cast %select_n3A_654 : vector<16xi32> to vector<1x16xi32>
    tpu.vector_store %arg18[%swap3A_656, %swap3A_657], %swap3A_660 {strides = array<i32>} : memref<4x128xi32, #tpu.memory_space<vmem>>, vector<1x16xi32>,
    %eq3A_661 = arith.constant 2 : i32
    %eq3A_662 = vector.broadcast %eq3A_661 : i32 to vector<16xi32>
    %eq3A_663 = arith.cmpi eq, %get3A_619, %eq3A_662 : vector<16xi32>
    %swap3A_664 = arith.constant 160 : index
    %swap3A_665 = tpu.vector_load %arg16[%swap3A_664] {strides = array<i32>} : memref<512xi32, #tpu.memory_space<vmem>>, vector<16xi32>,
    %swap3A_666 = vector.shape_cast %swap3A_665 : vector<16xi32> to vector<16xi32>
    %swap3A_667 = vector.shape_cast %get3A_622 : vector<16xi32> to vector<16xi32>
    tpu.vector_store %arg16[%swap3A_664], %swap3A_667 {strides = array<i32>} : memref<512xi32, #tpu.memory_space<vmem>>, vector<16xi32>,
    %add3A_668 = arith.constant 16384 : i32
    %add3A_669 = vector.broadcast %add3A_668 : i32 to vector<16xi32>
    %add3A_670 = arith.addi %add3A_626, %add3A_669 : vector<16xi32>
    %select_n3A_671 = arith.select %eq3A_663, %add3A_626, %add3A_670 : vector<16xi1>, vector<16xi32>
    %swap3A_672 = arith.constant 1 : i32
    %swap3A_673 = arith.index_cast %swap3A_672 : i32 to index
    %swap3A_674 = arith.constant 32 : index
    %swap3A_675 = tpu.vector_load %arg19[%swap3A_673, %swap3A_674] {strides = array<i32>} : memref<4x128xi32, #tpu.memory_space<vmem>>, vector<1x16xi32>,
    %swap3A_676 = vector.shape_cast %swap3A_675 : vector<1x16xi32> to vector<16xi32>
    %swap3A_677 = vector.shape_cast %select_n3A_671 : vector<16xi32> to vector<1x16xi32>
    tpu.vector_store %arg19[%swap3A_673, %swap3A_674], %swap3A_677 {strides = array<i32>} : memref<4x128xi32, #tpu.memory_space<vmem>>, vector<1x16xi32>,
    %get3A_678 = arith.constant 176 : index
    %get3A_679 = tpu.vector_load %arg11[%get3A_678] {strides = array<i32>} : memref<512xi32, #tpu.memory_space<vmem>>, vector<16xi32>,
    %get3A_680 = vector.shape_cast %get3A_679 : vector<16xi32> to vector<16xi32>
    %get3A_681 = arith.constant 176 : index
    %get3A_682 = tpu.vector_load %arg12[%get3A_681] {strides = array<i32>} : memref<512xi32, #tpu.memory_space<vmem>>, vector<16xi32>,
    %get3A_683 = vector.shape_cast %get3A_682 : vector<16xi32> to vector<16xi32>
    %add3A_684 = arith.constant 176 : i32
    %add3A_685 = arith.addi %mul3A_2, %add3A_684 : i32
    %add3A_686 = vector.broadcast %add3A_685 : i32 to vector<16xi32>
    %add3A_687 = arith.addi %add3A_686, %iota3A : vector<16xi32>
    %eq3A_688 = arith.constant 0 : i32
    %eq3A_689 = vector.broadcast %eq3A_688 : i32 to vector<16xi32>
    %eq3A_690 = arith.cmpi eq, %get3A_680, %eq3A_689 : vector<16xi32>
    %swap3A_691 = arith.constant 176 : index
    %swap3A_692 = tpu.vector_load %arg14[%swap3A_691] {strides = array<i32>} : memref<512xi32, #tpu.memory_space<vmem>>, vector<16xi32>,
    %swap3A_693 = vector.shape_cast %swap3A_692 : vector<16xi32> to vector<16xi32>
    %swap3A_694 = vector.shape_cast %get3A_683 : vector<16xi32> to vector<16xi32>
    tpu.vector_store %arg14[%swap3A_691], %swap3A_694 {strides = array<i32>} : memref<512xi32, #tpu.memory_space<vmem>>, vector<16xi32>,
    %add3A_695 = arith.constant 16384 : i32
    %add3A_696 = vector.broadcast %add3A_695 : i32 to vector<16xi32>
    %add3A_697 = arith.addi %add3A_687, %add3A_696 : vector<16xi32>
    %select_n3A_698 = arith.select %eq3A_690, %add3A_687, %add3A_697 : vector<16xi1>, vector<16xi32>
    %swap3A_699 = arith.constant 1 : i32
    %swap3A_700 = arith.index_cast %swap3A_699 : i32 to index
    %swap3A_701 = arith.constant 48 : index
    %swap3A_702 = tpu.vector_load %arg17[%swap3A_700, %swap3A_701] {strides = array<i32>} : memref<4x128xi32, #tpu.memory_space<vmem>>, vector<1x16xi32>,
    %swap3A_703 = vector.shape_cast %swap3A_702 : vector<1x16xi32> to vector<16xi32>
    %swap3A_704 = vector.shape_cast %select_n3A_698 : vector<16xi32> to vector<1x16xi32>
    tpu.vector_store %arg17[%swap3A_700, %swap3A_701], %swap3A_704 {strides = array<i32>} : memref<4x128xi32, #tpu.memory_space<vmem>>, vector<1x16xi32>,
    %eq3A_705 = arith.constant 1 : i32
    %eq3A_706 = vector.broadcast %eq3A_705 : i32 to vector<16xi32>
    %eq3A_707 = arith.cmpi eq, %get3A_680, %eq3A_706 : vector<16xi32>
    %swap3A_708 = arith.constant 176 : index
    %swap3A_709 = tpu.vector_load %arg15[%swap3A_708] {strides = array<i32>} : memref<512xi32, #tpu.memory_space<vmem>>, vector<16xi32>,
    %swap3A_710 = vector.shape_cast %swap3A_709 : vector<16xi32> to vector<16xi32>
    %swap3A_711 = vector.shape_cast %get3A_683 : vector<16xi32> to vector<16xi32>
    tpu.vector_store %arg15[%swap3A_708], %swap3A_711 {strides = array<i32>} : memref<512xi32, #tpu.memory_space<vmem>>, vector<16xi32>,
    %add3A_712 = arith.constant 16384 : i32
    %add3A_713 = vector.broadcast %add3A_712 : i32 to vector<16xi32>
    %add3A_714 = arith.addi %add3A_687, %add3A_713 : vector<16xi32>
    %select_n3A_715 = arith.select %eq3A_707, %add3A_687, %add3A_714 : vector<16xi1>, vector<16xi32>
    %swap3A_716 = arith.constant 1 : i32
    %swap3A_717 = arith.index_cast %swap3A_716 : i32 to index
    %swap3A_718 = arith.constant 48 : index
    %swap3A_719 = tpu.vector_load %arg18[%swap3A_717, %swap3A_718] {strides = array<i32>} : memref<4x128xi32, #tpu.memory_space<vmem>>, vector<1x16xi32>,
    %swap3A_720 = vector.shape_cast %swap3A_719 : vector<1x16xi32> to vector<16xi32>
    %swap3A_721 = vector.shape_cast %select_n3A_715 : vector<16xi32> to vector<1x16xi32>
    tpu.vector_store %arg18[%swap3A_717, %swap3A_718], %swap3A_721 {strides = array<i32>} : memref<4x128xi32, #tpu.memory_space<vmem>>, vector<1x16xi32>,
    %eq3A_722 = arith.constant 2 : i32
    %eq3A_723 = vector.broadcast %eq3A_722 : i32 to vector<16xi32>
    %eq3A_724 = arith.cmpi eq, %get3A_680, %eq3A_723 : vector<16xi32>
    %swap3A_725 = arith.constant 176 : index
    %swap3A_726 = tpu.vector_load %arg16[%swap3A_725] {strides = array<i32>} : memref<512xi32, #tpu.memory_space<vmem>>, vector<16xi32>,
    %swap3A_727 = vector.shape_cast %swap3A_726 : vector<16xi32> to vector<16xi32>
    %swap3A_728 = vector.shape_cast %get3A_683 : vector<16xi32> to vector<16xi32>
    tpu.vector_store %arg16[%swap3A_725], %swap3A_728 {strides = array<i32>} : memref<512xi32, #tpu.memory_space<vmem>>, vector<16xi32>,
    %add3A_729 = arith.constant 16384 : i32
    %add3A_730 = vector.broadcast %add3A_729 : i32 to vector<16xi32>
    %add3A_731 = arith.addi %add3A_687, %add3A_730 : vector<16xi32>
    %select_n3A_732 = arith.select %eq3A_724, %add3A_687, %add3A_731 : vector<16xi1>, vector<16xi32>
    %swap3A_733 = arith.constant 1 : i32
    %swap3A_734 = arith.index_cast %swap3A_733 : i32 to index
    %swap3A_735 = arith.constant 48 : index
    %swap3A_736 = tpu.vector_load %arg19[%swap3A_734, %swap3A_735] {strides = array<i32>} : memref<4x128xi32, #tpu.memory_space<vmem>>, vector<1x16xi32>,
    %swap3A_737 = vector.shape_cast %swap3A_736 : vector<1x16xi32> to vector<16xi32>
    %swap3A_738 = vector.shape_cast %select_n3A_732 : vector<16xi32> to vector<1x16xi32>
    tpu.vector_store %arg19[%swap3A_734, %swap3A_735], %swap3A_738 {strides = array<i32>} : memref<4x128xi32, #tpu.memory_space<vmem>>, vector<1x16xi32>,
    %get3A_739 = arith.constant 192 : index
    %get3A_740 = tpu.vector_load %arg11[%get3A_739] {strides = array<i32>} : memref<512xi32, #tpu.memory_space<vmem>>, vector<16xi32>,
    %get3A_741 = vector.shape_cast %get3A_740 : vector<16xi32> to vector<16xi32>
    %get3A_742 = arith.constant 192 : index
    %get3A_743 = tpu.vector_load %arg12[%get3A_742] {strides = array<i32>} : memref<512xi32, #tpu.memory_space<vmem>>, vector<16xi32>,
    %get3A_744 = vector.shape_cast %get3A_743 : vector<16xi32> to vector<16xi32>
    %add3A_745 = arith.constant 192 : i32
    %add3A_746 = arith.addi %mul3A_2, %add3A_745 : i32
    %add3A_747 = vector.broadcast %add3A_746 : i32 to vector<16xi32>
    %add3A_748 = arith.addi %add3A_747, %iota3A : vector<16xi32>
    %eq3A_749 = arith.constant 0 : i32
    %eq3A_750 = vector.broadcast %eq3A_749 : i32 to vector<16xi32>
    %eq3A_751 = arith.cmpi eq, %get3A_741, %eq3A_750 : vector<16xi32>
    %swap3A_752 = arith.constant 192 : index
    %swap3A_753 = tpu.vector_load %arg14[%swap3A_752] {strides = array<i32>} : memref<512xi32, #tpu.memory_space<vmem>>, vector<16xi32>,
    %swap3A_754 = vector.shape_cast %swap3A_753 : vector<16xi32> to vector<16xi32>
    %swap3A_755 = vector.shape_cast %get3A_744 : vector<16xi32> to vector<16xi32>
    tpu.vector_store %arg14[%swap3A_752], %swap3A_755 {strides = array<i32>} : memref<512xi32, #tpu.memory_space<vmem>>, vector<16xi32>,
    %add3A_756 = arith.constant 16384 : i32
    %add3A_757 = vector.broadcast %add3A_756 : i32 to vector<16xi32>
    %add3A_758 = arith.addi %add3A_748, %add3A_757 : vector<16xi32>
    %select_n3A_759 = arith.select %eq3A_751, %add3A_748, %add3A_758 : vector<16xi1>, vector<16xi32>
    %swap3A_760 = arith.constant 1 : i32
    %swap3A_761 = arith.index_cast %swap3A_760 : i32 to index
    %swap3A_762 = arith.constant 64 : index
    %swap3A_763 = tpu.vector_load %arg17[%swap3A_761, %swap3A_762] {strides = array<i32>} : memref<4x128xi32, #tpu.memory_space<vmem>>, vector<1x16xi32>,
    %swap3A_764 = vector.shape_cast %swap3A_763 : vector<1x16xi32> to vector<16xi32>
    %swap3A_765 = vector.shape_cast %select_n3A_759 : vector<16xi32> to vector<1x16xi32>
    tpu.vector_store %arg17[%swap3A_761, %swap3A_762], %swap3A_765 {strides = array<i32>} : memref<4x128xi32, #tpu.memory_space<vmem>>, vector<1x16xi32>,
    %eq3A_766 = arith.constant 1 : i32
    %eq3A_767 = vector.broadcast %eq3A_766 : i32 to vector<16xi32>
    %eq3A_768 = arith.cmpi eq, %get3A_741, %eq3A_767 : vector<16xi32>
    %swap3A_769 = arith.constant 192 : index
    %swap3A_770 = tpu.vector_load %arg15[%swap3A_769] {strides = array<i32>} : memref<512xi32, #tpu.memory_space<vmem>>, vector<16xi32>,
    %swap3A_771 = vector.shape_cast %swap3A_770 : vector<16xi32> to vector<16xi32>
    %swap3A_772 = vector.shape_cast %get3A_744 : vector<16xi32> to vector<16xi32>
    tpu.vector_store %arg15[%swap3A_769], %swap3A_772 {strides = array<i32>} : memref<512xi32, #tpu.memory_space<vmem>>, vector<16xi32>,
    %add3A_773 = arith.constant 16384 : i32
    %add3A_774 = vector.broadcast %add3A_773 : i32 to vector<16xi32>
    %add3A_775 = arith.addi %add3A_748, %add3A_774 : vector<16xi32>
    %select_n3A_776 = arith.select %eq3A_768, %add3A_748, %add3A_775 : vector<16xi1>, vector<16xi32>
    %swap3A_777 = arith.constant 1 : i32
    %swap3A_778 = arith.index_cast %swap3A_777 : i32 to index
    %swap3A_779 = arith.constant 64 : index
    %swap3A_780 = tpu.vector_load %arg18[%swap3A_778, %swap3A_779] {strides = array<i32>} : memref<4x128xi32, #tpu.memory_space<vmem>>, vector<1x16xi32>,
    %swap3A_781 = vector.shape_cast %swap3A_780 : vector<1x16xi32> to vector<16xi32>
    %swap3A_782 = vector.shape_cast %select_n3A_776 : vector<16xi32> to vector<1x16xi32>
    tpu.vector_store %arg18[%swap3A_778, %swap3A_779], %swap3A_782 {strides = array<i32>} : memref<4x128xi32, #tpu.memory_space<vmem>>, vector<1x16xi32>,
    %eq3A_783 = arith.constant 2 : i32
    %eq3A_784 = vector.broadcast %eq3A_783 : i32 to vector<16xi32>
    %eq3A_785 = arith.cmpi eq, %get3A_741, %eq3A_784 : vector<16xi32>
    %swap3A_786 = arith.constant 192 : index
    %swap3A_787 = tpu.vector_load %arg16[%swap3A_786] {strides = array<i32>} : memref<512xi32, #tpu.memory_space<vmem>>, vector<16xi32>,
    %swap3A_788 = vector.shape_cast %swap3A_787 : vector<16xi32> to vector<16xi32>
    %swap3A_789 = vector.shape_cast %get3A_744 : vector<16xi32> to vector<16xi32>
    tpu.vector_store %arg16[%swap3A_786], %swap3A_789 {strides = array<i32>} : memref<512xi32, #tpu.memory_space<vmem>>, vector<16xi32>,
    %add3A_790 = arith.constant 16384 : i32
    %add3A_791 = vector.broadcast %add3A_790 : i32 to vector<16xi32>
    %add3A_792 = arith.addi %add3A_748, %add3A_791 : vector<16xi32>
    %select_n3A_793 = arith.select %eq3A_785, %add3A_748, %add3A_792 : vector<16xi1>, vector<16xi32>
    %swap3A_794 = arith.constant 1 : i32
    %swap3A_795 = arith.index_cast %swap3A_794 : i32 to index
    %swap3A_796 = arith.constant 64 : index
    %swap3A_797 = tpu.vector_load %arg19[%swap3A_795, %swap3A_796] {strides = array<i32>} : memref<4x128xi32, #tpu.memory_space<vmem>>, vector<1x16xi32>,
    %swap3A_798 = vector.shape_cast %swap3A_797 : vector<1x16xi32> to vector<16xi32>
    %swap3A_799 = vector.shape_cast %select_n3A_793 : vector<16xi32> to vector<1x16xi32>
    tpu.vector_store %arg19[%swap3A_795, %swap3A_796], %swap3A_799 {strides = array<i32>} : memref<4x128xi32, #tpu.memory_space<vmem>>, vector<1x16xi32>,
    %get3A_800 = arith.constant 208 : index
    %get3A_801 = tpu.vector_load %arg11[%get3A_800] {strides = array<i32>} : memref<512xi32, #tpu.memory_space<vmem>>, vector<16xi32>,
    %get3A_802 = vector.shape_cast %get3A_801 : vector<16xi32> to vector<16xi32>
    %get3A_803 = arith.constant 208 : index
    %get3A_804 = tpu.vector_load %arg12[%get3A_803] {strides = array<i32>} : memref<512xi32, #tpu.memory_space<vmem>>, vector<16xi32>,
    %get3A_805 = vector.shape_cast %get3A_804 : vector<16xi32> to vector<16xi32>
    %add3A_806 = arith.constant 208 : i32
    %add3A_807 = arith.addi %mul3A_2, %add3A_806 : i32
    %add3A_808 = vector.broadcast %add3A_807 : i32 to vector<16xi32>
    %add3A_809 = arith.addi %add3A_808, %iota3A : vector<16xi32>
    %eq3A_810 = arith.constant 0 : i32
    %eq3A_811 = vector.broadcast %eq3A_810 : i32 to vector<16xi32>
    %eq3A_812 = arith.cmpi eq, %get3A_802, %eq3A_811 : vector<16xi32>
    %swap3A_813 = arith.constant 208 : index
    %swap3A_814 = tpu.vector_load %arg14[%swap3A_813] {strides = array<i32>} : memref<512xi32, #tpu.memory_space<vmem>>, vector<16xi32>,
    %swap3A_815 = vector.shape_cast %swap3A_814 : vector<16xi32> to vector<16xi32>
    %swap3A_816 = vector.shape_cast %get3A_805 : vector<16xi32> to vector<16xi32>
    tpu.vector_store %arg14[%swap3A_813], %swap3A_816 {strides = array<i32>} : memref<512xi32, #tpu.memory_space<vmem>>, vector<16xi32>,
    %add3A_817 = arith.constant 16384 : i32
    %add3A_818 = vector.broadcast %add3A_817 : i32 to vector<16xi32>
    %add3A_819 = arith.addi %add3A_809, %add3A_818 : vector<16xi32>
    %select_n3A_820 = arith.select %eq3A_812, %add3A_809, %add3A_819 : vector<16xi1>, vector<16xi32>
    %swap3A_821 = arith.constant 1 : i32
    %swap3A_822 = arith.index_cast %swap3A_821 : i32 to index
    %swap3A_823 = arith.constant 80 : index
    %swap3A_824 = tpu.vector_load %arg17[%swap3A_822, %swap3A_823] {strides = array<i32>} : memref<4x128xi32, #tpu.memory_space<vmem>>, vector<1x16xi32>,
    %swap3A_825 = vector.shape_cast %swap3A_824 : vector<1x16xi32> to vector<16xi32>
    %swap3A_826 = vector.shape_cast %select_n3A_820 : vector<16xi32> to vector<1x16xi32>
    tpu.vector_store %arg17[%swap3A_822, %swap3A_823], %swap3A_826 {strides = array<i32>} : memref<4x128xi32, #tpu.memory_space<vmem>>, vector<1x16xi32>,
    %eq3A_827 = arith.constant 1 : i32
    %eq3A_828 = vector.broadcast %eq3A_827 : i32 to vector<16xi32>
    %eq3A_829 = arith.cmpi eq, %get3A_802, %eq3A_828 : vector<16xi32>
    %swap3A_830 = arith.constant 208 : index
    %swap3A_831 = tpu.vector_load %arg15[%swap3A_830] {strides = array<i32>} : memref<512xi32, #tpu.memory_space<vmem>>, vector<16xi32>,
    %swap3A_832 = vector.shape_cast %swap3A_831 : vector<16xi32> to vector<16xi32>
    %swap3A_833 = vector.shape_cast %get3A_805 : vector<16xi32> to vector<16xi32>
    tpu.vector_store %arg15[%swap3A_830], %swap3A_833 {strides = array<i32>} : memref<512xi32, #tpu.memory_space<vmem>>, vector<16xi32>,
    %add3A_834 = arith.constant 16384 : i32
    %add3A_835 = vector.broadcast %add3A_834 : i32 to vector<16xi32>
    %add3A_836 = arith.addi %add3A_809, %add3A_835 : vector<16xi32>
    %select_n3A_837 = arith.select %eq3A_829, %add3A_809, %add3A_836 : vector<16xi1>, vector<16xi32>
    %swap3A_838 = arith.constant 1 : i32
    %swap3A_839 = arith.index_cast %swap3A_838 : i32 to index
    %swap3A_840 = arith.constant 80 : index
    %swap3A_841 = tpu.vector_load %arg18[%swap3A_839, %swap3A_840] {strides = array<i32>} : memref<4x128xi32, #tpu.memory_space<vmem>>, vector<1x16xi32>,
    %swap3A_842 = vector.shape_cast %swap3A_841 : vector<1x16xi32> to vector<16xi32>
    %swap3A_843 = vector.shape_cast %select_n3A_837 : vector<16xi32> to vector<1x16xi32>
    tpu.vector_store %arg18[%swap3A_839, %swap3A_840], %swap3A_843 {strides = array<i32>} : memref<4x128xi32, #tpu.memory_space<vmem>>, vector<1x16xi32>,
    %eq3A_844 = arith.constant 2 : i32
    %eq3A_845 = vector.broadcast %eq3A_844 : i32 to vector<16xi32>
    %eq3A_846 = arith.cmpi eq, %get3A_802, %eq3A_845 : vector<16xi32>
    %swap3A_847 = arith.constant 208 : index
    %swap3A_848 = tpu.vector_load %arg16[%swap3A_847] {strides = array<i32>} : memref<512xi32, #tpu.memory_space<vmem>>, vector<16xi32>,
    %swap3A_849 = vector.shape_cast %swap3A_848 : vector<16xi32> to vector<16xi32>
    %swap3A_850 = vector.shape_cast %get3A_805 : vector<16xi32> to vector<16xi32>
    tpu.vector_store %arg16[%swap3A_847], %swap3A_850 {strides = array<i32>} : memref<512xi32, #tpu.memory_space<vmem>>, vector<16xi32>,
    %add3A_851 = arith.constant 16384 : i32
    %add3A_852 = vector.broadcast %add3A_851 : i32 to vector<16xi32>
    %add3A_853 = arith.addi %add3A_809, %add3A_852 : vector<16xi32>
    %select_n3A_854 = arith.select %eq3A_846, %add3A_809, %add3A_853 : vector<16xi1>, vector<16xi32>
    %swap3A_855 = arith.constant 1 : i32
    %swap3A_856 = arith.index_cast %swap3A_855 : i32 to index
    %swap3A_857 = arith.constant 80 : index
    %swap3A_858 = tpu.vector_load %arg19[%swap3A_856, %swap3A_857] {strides = array<i32>} : memref<4x128xi32, #tpu.memory_space<vmem>>, vector<1x16xi32>,
    %swap3A_859 = vector.shape_cast %swap3A_858 : vector<1x16xi32> to vector<16xi32>
    %swap3A_860 = vector.shape_cast %select_n3A_854 : vector<16xi32> to vector<1x16xi32>
    tpu.vector_store %arg19[%swap3A_856, %swap3A_857], %swap3A_860 {strides = array<i32>} : memref<4x128xi32, #tpu.memory_space<vmem>>, vector<1x16xi32>,
    %get3A_861 = arith.constant 224 : index
    %get3A_862 = tpu.vector_load %arg11[%get3A_861] {strides = array<i32>} : memref<512xi32, #tpu.memory_space<vmem>>, vector<16xi32>,
    %get3A_863 = vector.shape_cast %get3A_862 : vector<16xi32> to vector<16xi32>
    %get3A_864 = arith.constant 224 : index
    %get3A_865 = tpu.vector_load %arg12[%get3A_864] {strides = array<i32>} : memref<512xi32, #tpu.memory_space<vmem>>, vector<16xi32>,
    %get3A_866 = vector.shape_cast %get3A_865 : vector<16xi32> to vector<16xi32>
    %add3A_867 = arith.constant 224 : i32
    %add3A_868 = arith.addi %mul3A_2, %add3A_867 : i32
    %add3A_869 = vector.broadcast %add3A_868 : i32 to vector<16xi32>
    %add3A_870 = arith.addi %add3A_869, %iota3A : vector<16xi32>
    %eq3A_871 = arith.constant 0 : i32
    %eq3A_872 = vector.broadcast %eq3A_871 : i32 to vector<16xi32>
    %eq3A_873 = arith.cmpi eq, %get3A_863, %eq3A_872 : vector<16xi32>
    %swap3A_874 = arith.constant 224 : index
    %swap3A_875 = tpu.vector_load %arg14[%swap3A_874] {strides = array<i32>} : memref<512xi32, #tpu.memory_space<vmem>>, vector<16xi32>,
    %swap3A_876 = vector.shape_cast %swap3A_875 : vector<16xi32> to vector<16xi32>
    %swap3A_877 = vector.shape_cast %get3A_866 : vector<16xi32> to vector<16xi32>
    tpu.vector_store %arg14[%swap3A_874], %swap3A_877 {strides = array<i32>} : memref<512xi32, #tpu.memory_space<vmem>>, vector<16xi32>,
    %add3A_878 = arith.constant 16384 : i32
    %add3A_879 = vector.broadcast %add3A_878 : i32 to vector<16xi32>
    %add3A_880 = arith.addi %add3A_870, %add3A_879 : vector<16xi32>
    %select_n3A_881 = arith.select %eq3A_873, %add3A_870, %add3A_880 : vector<16xi1>, vector<16xi32>
    %swap3A_882 = arith.constant 1 : i32
    %swap3A_883 = arith.index_cast %swap3A_882 : i32 to index
    %swap3A_884 = arith.constant 96 : index
    %swap3A_885 = tpu.vector_load %arg17[%swap3A_883, %swap3A_884] {strides = array<i32>} : memref<4x128xi32, #tpu.memory_space<vmem>>, vector<1x16xi32>,
    %swap3A_886 = vector.shape_cast %swap3A_885 : vector<1x16xi32> to vector<16xi32>
    %swap3A_887 = vector.shape_cast %select_n3A_881 : vector<16xi32> to vector<1x16xi32>
    tpu.vector_store %arg17[%swap3A_883, %swap3A_884], %swap3A_887 {strides = array<i32>} : memref<4x128xi32, #tpu.memory_space<vmem>>, vector<1x16xi32>,
    %eq3A_888 = arith.constant 1 : i32
    %eq3A_889 = vector.broadcast %eq3A_888 : i32 to vector<16xi32>
    %eq3A_890 = arith.cmpi eq, %get3A_863, %eq3A_889 : vector<16xi32>
    %swap3A_891 = arith.constant 224 : index
    %swap3A_892 = tpu.vector_load %arg15[%swap3A_891] {strides = array<i32>} : memref<512xi32, #tpu.memory_space<vmem>>, vector<16xi32>,
    %swap3A_893 = vector.shape_cast %swap3A_892 : vector<16xi32> to vector<16xi32>
    %swap3A_894 = vector.shape_cast %get3A_866 : vector<16xi32> to vector<16xi32>
    tpu.vector_store %arg15[%swap3A_891], %swap3A_894 {strides = array<i32>} : memref<512xi32, #tpu.memory_space<vmem>>, vector<16xi32>,
    %add3A_895 = arith.constant 16384 : i32
    %add3A_896 = vector.broadcast %add3A_895 : i32 to vector<16xi32>
    %add3A_897 = arith.addi %add3A_870, %add3A_896 : vector<16xi32>
    %select_n3A_898 = arith.select %eq3A_890, %add3A_870, %add3A_897 : vector<16xi1>, vector<16xi32>
    %swap3A_899 = arith.constant 1 : i32
    %swap3A_900 = arith.index_cast %swap3A_899 : i32 to index
    %swap3A_901 = arith.constant 96 : index
    %swap3A_902 = tpu.vector_load %arg18[%swap3A_900, %swap3A_901] {strides = array<i32>} : memref<4x128xi32, #tpu.memory_space<vmem>>, vector<1x16xi32>,
    %swap3A_903 = vector.shape_cast %swap3A_902 : vector<1x16xi32> to vector<16xi32>
    %swap3A_904 = vector.shape_cast %select_n3A_898 : vector<16xi32> to vector<1x16xi32>
    tpu.vector_store %arg18[%swap3A_900, %swap3A_901], %swap3A_904 {strides = array<i32>} : memref<4x128xi32, #tpu.memory_space<vmem>>, vector<1x16xi32>,
    %eq3A_905 = arith.constant 2 : i32
    %eq3A_906 = vector.broadcast %eq3A_905 : i32 to vector<16xi32>
    %eq3A_907 = arith.cmpi eq, %get3A_863, %eq3A_906 : vector<16xi32>
    %swap3A_908 = arith.constant 224 : index
    %swap3A_909 = tpu.vector_load %arg16[%swap3A_908] {strides = array<i32>} : memref<512xi32, #tpu.memory_space<vmem>>, vector<16xi32>,
    %swap3A_910 = vector.shape_cast %swap3A_909 : vector<16xi32> to vector<16xi32>
    %swap3A_911 = vector.shape_cast %get3A_866 : vector<16xi32> to vector<16xi32>
    tpu.vector_store %arg16[%swap3A_908], %swap3A_911 {strides = array<i32>} : memref<512xi32, #tpu.memory_space<vmem>>, vector<16xi32>,
    %add3A_912 = arith.constant 16384 : i32
    %add3A_913 = vector.broadcast %add3A_912 : i32 to vector<16xi32>
    %add3A_914 = arith.addi %add3A_870, %add3A_913 : vector<16xi32>
    %select_n3A_915 = arith.select %eq3A_907, %add3A_870, %add3A_914 : vector<16xi1>, vector<16xi32>
    %swap3A_916 = arith.constant 1 : i32
    %swap3A_917 = arith.index_cast %swap3A_916 : i32 to index
    %swap3A_918 = arith.constant 96 : index
    %swap3A_919 = tpu.vector_load %arg19[%swap3A_917, %swap3A_918] {strides = array<i32>} : memref<4x128xi32, #tpu.memory_space<vmem>>, vector<1x16xi32>,
    %swap3A_920 = vector.shape_cast %swap3A_919 : vector<1x16xi32> to vector<16xi32>
    %swap3A_921 = vector.shape_cast %select_n3A_915 : vector<16xi32> to vector<1x16xi32>
    tpu.vector_store %arg19[%swap3A_917, %swap3A_918], %swap3A_921 {strides = array<i32>} : memref<4x128xi32, #tpu.memory_space<vmem>>, vector<1x16xi32>,
    %get3A_922 = arith.constant 240 : index
    %get3A_923 = tpu.vector_load %arg11[%get3A_922] {strides = array<i32>} : memref<512xi32, #tpu.memory_space<vmem>>, vector<16xi32>,
    %get3A_924 = vector.shape_cast %get3A_923 : vector<16xi32> to vector<16xi32>
    %get3A_925 = arith.constant 240 : index
    %get3A_926 = tpu.vector_load %arg12[%get3A_925] {strides = array<i32>} : memref<512xi32, #tpu.memory_space<vmem>>, vector<16xi32>,
    %get3A_927 = vector.shape_cast %get3A_926 : vector<16xi32> to vector<16xi32>
    %add3A_928 = arith.constant 240 : i32
    %add3A_929 = arith.addi %mul3A_2, %add3A_928 : i32
    %add3A_930 = vector.broadcast %add3A_929 : i32 to vector<16xi32>
    %add3A_931 = arith.addi %add3A_930, %iota3A : vector<16xi32>
    %eq3A_932 = arith.constant 0 : i32
    %eq3A_933 = vector.broadcast %eq3A_932 : i32 to vector<16xi32>
    %eq3A_934 = arith.cmpi eq, %get3A_924, %eq3A_933 : vector<16xi32>
    %swap3A_935 = arith.constant 240 : index
    %swap3A_936 = tpu.vector_load %arg14[%swap3A_935] {strides = array<i32>} : memref<512xi32, #tpu.memory_space<vmem>>, vector<16xi32>,
    %swap3A_937 = vector.shape_cast %swap3A_936 : vector<16xi32> to vector<16xi32>
    %swap3A_938 = vector.shape_cast %get3A_927 : vector<16xi32> to vector<16xi32>
    tpu.vector_store %arg14[%swap3A_935], %swap3A_938 {strides = array<i32>} : memref<512xi32, #tpu.memory_space<vmem>>, vector<16xi32>,
    %add3A_939 = arith.constant 16384 : i32
    %add3A_940 = vector.broadcast %add3A_939 : i32 to vector<16xi32>
    %add3A_941 = arith.addi %add3A_931, %add3A_940 : vector<16xi32>
    %select_n3A_942 = arith.select %eq3A_934, %add3A_931, %add3A_941 : vector<16xi1>, vector<16xi32>
    %swap3A_943 = arith.constant 1 : i32
    %swap3A_944 = arith.index_cast %swap3A_943 : i32 to index
    %swap3A_945 = arith.constant 112 : index
    %swap3A_946 = tpu.vector_load %arg17[%swap3A_944, %swap3A_945] {strides = array<i32>} : memref<4x128xi32, #tpu.memory_space<vmem>>, vector<1x16xi32>,
    %swap3A_947 = vector.shape_cast %swap3A_946 : vector<1x16xi32> to vector<16xi32>
    %swap3A_948 = vector.shape_cast %select_n3A_942 : vector<16xi32> to vector<1x16xi32>
    tpu.vector_store %arg17[%swap3A_944, %swap3A_945], %swap3A_948 {strides = array<i32>} : memref<4x128xi32, #tpu.memory_space<vmem>>, vector<1x16xi32>,
    %eq3A_949 = arith.constant 1 : i32
    %eq3A_950 = vector.broadcast %eq3A_949 : i32 to vector<16xi32>
    %eq3A_951 = arith.cmpi eq, %get3A_924, %eq3A_950 : vector<16xi32>
    %swap3A_952 = arith.constant 240 : index
    %swap3A_953 = tpu.vector_load %arg15[%swap3A_952] {strides = array<i32>} : memref<512xi32, #tpu.memory_space<vmem>>, vector<16xi32>,
    %swap3A_954 = vector.shape_cast %swap3A_953 : vector<16xi32> to vector<16xi32>
    %swap3A_955 = vector.shape_cast %get3A_927 : vector<16xi32> to vector<16xi32>
    tpu.vector_store %arg15[%swap3A_952], %swap3A_955 {strides = array<i32>} : memref<512xi32, #tpu.memory_space<vmem>>, vector<16xi32>,
    %add3A_956 = arith.constant 16384 : i32
    %add3A_957 = vector.broadcast %add3A_956 : i32 to vector<16xi32>
    %add3A_958 = arith.addi %add3A_931, %add3A_957 : vector<16xi32>
    %select_n3A_959 = arith.select %eq3A_951, %add3A_931, %add3A_958 : vector<16xi1>, vector<16xi32>
    %swap3A_960 = arith.constant 1 : i32
    %swap3A_961 = arith.index_cast %swap3A_960 : i32 to index
    %swap3A_962 = arith.constant 112 : index
    %swap3A_963 = tpu.vector_load %arg18[%swap3A_961, %swap3A_962] {strides = array<i32>} : memref<4x128xi32, #tpu.memory_space<vmem>>, vector<1x16xi32>,
    %swap3A_964 = vector.shape_cast %swap3A_963 : vector<1x16xi32> to vector<16xi32>
    %swap3A_965 = vector.shape_cast %select_n3A_959 : vector<16xi32> to vector<1x16xi32>
    tpu.vector_store %arg18[%swap3A_961, %swap3A_962], %swap3A_965 {strides = array<i32>} : memref<4x128xi32, #tpu.memory_space<vmem>>, vector<1x16xi32>,
    %eq3A_966 = arith.constant 2 : i32
    %eq3A_967 = vector.broadcast %eq3A_966 : i32 to vector<16xi32>
    %eq3A_968 = arith.cmpi eq, %get3A_924, %eq3A_967 : vector<16xi32>
    %swap3A_969 = arith.constant 240 : index
    %swap3A_970 = tpu.vector_load %arg16[%swap3A_969] {strides = array<i32>} : memref<512xi32, #tpu.memory_space<vmem>>, vector<16xi32>,
    %swap3A_971 = vector.shape_cast %swap3A_970 : vector<16xi32> to vector<16xi32>
    %swap3A_972 = vector.shape_cast %get3A_927 : vector<16xi32> to vector<16xi32>
    tpu.vector_store %arg16[%swap3A_969], %swap3A_972 {strides = array<i32>} : memref<512xi32, #tpu.memory_space<vmem>>, vector<16xi32>,
    %add3A_973 = arith.constant 16384 : i32
    %add3A_974 = vector.broadcast %add3A_973 : i32 to vector<16xi32>
    %add3A_975 = arith.addi %add3A_931, %add3A_974 : vector<16xi32>
    %select_n3A_976 = arith.select %eq3A_968, %add3A_931, %add3A_975 : vector<16xi1>, vector<16xi32>
    %swap3A_977 = arith.constant 1 : i32
    %swap3A_978 = arith.index_cast %swap3A_977 : i32 to index
    %swap3A_979 = arith.constant 112 : index
    %swap3A_980 = tpu.vector_load %arg19[%swap3A_978, %swap3A_979] {strides = array<i32>} : memref<4x128xi32, #tpu.memory_space<vmem>>, vector<1x16xi32>,
    %swap3A_981 = vector.shape_cast %swap3A_980 : vector<1x16xi32> to vector<16xi32>
    %swap3A_982 = vector.shape_cast %select_n3A_976 : vector<16xi32> to vector<1x16xi32>
    tpu.vector_store %arg19[%swap3A_978, %swap3A_979], %swap3A_982 {strides = array<i32>} : memref<4x128xi32, #tpu.memory_space<vmem>>, vector<1x16xi32>,
    %get3A_983 = arith.constant 256 : index
    %get3A_984 = tpu.vector_load %arg11[%get3A_983] {strides = array<i32>} : memref<512xi32, #tpu.memory_space<vmem>>, vector<16xi32>,
    %get3A_985 = vector.shape_cast %get3A_984 : vector<16xi32> to vector<16xi32>
    %get3A_986 = arith.constant 256 : index
    %get3A_987 = tpu.vector_load %arg12[%get3A_986] {strides = array<i32>} : memref<512xi32, #tpu.memory_space<vmem>>, vector<16xi32>,
    %get3A_988 = vector.shape_cast %get3A_987 : vector<16xi32> to vector<16xi32>
    %add3A_989 = arith.constant 256 : i32
    %add3A_990 = arith.addi %mul3A_2, %add3A_989 : i32
    %add3A_991 = vector.broadcast %add3A_990 : i32 to vector<16xi32>
    %add3A_992 = arith.addi %add3A_991, %iota3A : vector<16xi32>
    %eq3A_993 = arith.constant 0 : i32
    %eq3A_994 = vector.broadcast %eq3A_993 : i32 to vector<16xi32>
    %eq3A_995 = arith.cmpi eq, %get3A_985, %eq3A_994 : vector<16xi32>
    %swap3A_996 = arith.constant 256 : index
    %swap3A_997 = tpu.vector_load %arg14[%swap3A_996] {strides = array<i32>} : memref<512xi32, #tpu.memory_space<vmem>>, vector<16xi32>,
    %swap3A_998 = vector.shape_cast %swap3A_997 : vector<16xi32> to vector<16xi32>
    %swap3A_999 = vector.shape_cast %get3A_988 : vector<16xi32> to vector<16xi32>
    tpu.vector_store %arg14[%swap3A_996], %swap3A_999 {strides = array<i32>} : memref<512xi32, #tpu.memory_space<vmem>>, vector<16xi32>,
    %add3A_1000 = arith.constant 16384 : i32
    %add3A_1001 = vector.broadcast %add3A_1000 : i32 to vector<16xi32>
    %add3A_1002 = arith.addi %add3A_992, %add3A_1001 : vector<16xi32>
    %select_n3A_1003 = arith.select %eq3A_995, %add3A_992, %add3A_1002 : vector<16xi1>, vector<16xi32>
    %swap3A_1004 = arith.constant 2 : i32
    %swap3A_1005 = arith.index_cast %swap3A_1004 : i32 to index
    %swap3A_1006 = arith.constant 0 : index
    %swap3A_1007 = tpu.vector_load %arg17[%swap3A_1005, %swap3A_1006] {strides = array<i32>} : memref<4x128xi32, #tpu.memory_space<vmem>>, vector<1x16xi32>,
    %swap3A_1008 = vector.shape_cast %swap3A_1007 : vector<1x16xi32> to vector<16xi32>
    %swap3A_1009 = vector.shape_cast %select_n3A_1003 : vector<16xi32> to vector<1x16xi32>
    tpu.vector_store %arg17[%swap3A_1005, %swap3A_1006], %swap3A_1009 {strides = array<i32>} : memref<4x128xi32, #tpu.memory_space<vmem>>, vector<1x16xi32>,
    %eq3A_1010 = arith.constant 1 : i32
    %eq3A_1011 = vector.broadcast %eq3A_1010 : i32 to vector<16xi32>
    %eq3A_1012 = arith.cmpi eq, %get3A_985, %eq3A_1011 : vector<16xi32>
    %swap3A_1013 = arith.constant 256 : index
    %swap3A_1014 = tpu.vector_load %arg15[%swap3A_1013] {strides = array<i32>} : memref<512xi32, #tpu.memory_space<vmem>>, vector<16xi32>,
    %swap3A_1015 = vector.shape_cast %swap3A_1014 : vector<16xi32> to vector<16xi32>
    %swap3A_1016 = vector.shape_cast %get3A_988 : vector<16xi32> to vector<16xi32>
    tpu.vector_store %arg15[%swap3A_1013], %swap3A_1016 {strides = array<i32>} : memref<512xi32, #tpu.memory_space<vmem>>, vector<16xi32>,
    %add3A_1017 = arith.constant 16384 : i32
    %add3A_1018 = vector.broadcast %add3A_1017 : i32 to vector<16xi32>
    %add3A_1019 = arith.addi %add3A_992, %add3A_1018 : vector<16xi32>
    %select_n3A_1020 = arith.select %eq3A_1012, %add3A_992, %add3A_1019 : vector<16xi1>, vector<16xi32>
    %swap3A_1021 = arith.constant 2 : i32
    %swap3A_1022 = arith.index_cast %swap3A_1021 : i32 to index
    %swap3A_1023 = arith.constant 0 : index
    %swap3A_1024 = tpu.vector_load %arg18[%swap3A_1022, %swap3A_1023] {strides = array<i32>} : memref<4x128xi32, #tpu.memory_space<vmem>>, vector<1x16xi32>,
    %swap3A_1025 = vector.shape_cast %swap3A_1024 : vector<1x16xi32> to vector<16xi32>
    %swap3A_1026 = vector.shape_cast %select_n3A_1020 : vector<16xi32> to vector<1x16xi32>
    tpu.vector_store %arg18[%swap3A_1022, %swap3A_1023], %swap3A_1026 {strides = array<i32>} : memref<4x128xi32, #tpu.memory_space<vmem>>, vector<1x16xi32>,
    %eq3A_1027 = arith.constant 2 : i32
    %eq3A_1028 = vector.broadcast %eq3A_1027 : i32 to vector<16xi32>
    %eq3A_1029 = arith.cmpi eq, %get3A_985, %eq3A_1028 : vector<16xi32>
    %swap3A_1030 = arith.constant 256 : index
    %swap3A_1031 = tpu.vector_load %arg16[%swap3A_1030] {strides = array<i32>} : memref<512xi32, #tpu.memory_space<vmem>>, vector<16xi32>,
    %swap3A_1032 = vector.shape_cast %swap3A_1031 : vector<16xi32> to vector<16xi32>
    %swap3A_1033 = vector.shape_cast %get3A_988 : vector<16xi32> to vector<16xi32>
    tpu.vector_store %arg16[%swap3A_1030], %swap3A_1033 {strides = array<i32>} : memref<512xi32, #tpu.memory_space<vmem>>, vector<16xi32>,
    %add3A_1034 = arith.constant 16384 : i32
    %add3A_1035 = vector.broadcast %add3A_1034 : i32 to vector<16xi32>
    %add3A_1036 = arith.addi %add3A_992, %add3A_1035 : vector<16xi32>
    %select_n3A_1037 = arith.select %eq3A_1029, %add3A_992, %add3A_1036 : vector<16xi1>, vector<16xi32>
    %swap3A_1038 = arith.constant 2 : i32
    %swap3A_1039 = arith.index_cast %swap3A_1038 : i32 to index
    %swap3A_1040 = arith.constant 0 : index
    %swap3A_1041 = tpu.vector_load %arg19[%swap3A_1039, %swap3A_1040] {strides = array<i32>} : memref<4x128xi32, #tpu.memory_space<vmem>>, vector<1x16xi32>,
    %swap3A_1042 = vector.shape_cast %swap3A_1041 : vector<1x16xi32> to vector<16xi32>
    %swap3A_1043 = vector.shape_cast %select_n3A_1037 : vector<16xi32> to vector<1x16xi32>
    tpu.vector_store %arg19[%swap3A_1039, %swap3A_1040], %swap3A_1043 {strides = array<i32>} : memref<4x128xi32, #tpu.memory_space<vmem>>, vector<1x16xi32>,
    %get3A_1044 = arith.constant 272 : index
    %get3A_1045 = tpu.vector_load %arg11[%get3A_1044] {strides = array<i32>} : memref<512xi32, #tpu.memory_space<vmem>>, vector<16xi32>,
    %get3A_1046 = vector.shape_cast %get3A_1045 : vector<16xi32> to vector<16xi32>
    %get3A_1047 = arith.constant 272 : index
    %get3A_1048 = tpu.vector_load %arg12[%get3A_1047] {strides = array<i32>} : memref<512xi32, #tpu.memory_space<vmem>>, vector<16xi32>,
    %get3A_1049 = vector.shape_cast %get3A_1048 : vector<16xi32> to vector<16xi32>
    %add3A_1050 = arith.constant 272 : i32
    %add3A_1051 = arith.addi %mul3A_2, %add3A_1050 : i32
    %add3A_1052 = vector.broadcast %add3A_1051 : i32 to vector<16xi32>
    %add3A_1053 = arith.addi %add3A_1052, %iota3A : vector<16xi32>
    %eq3A_1054 = arith.constant 0 : i32
    %eq3A_1055 = vector.broadcast %eq3A_1054 : i32 to vector<16xi32>
    %eq3A_1056 = arith.cmpi eq, %get3A_1046, %eq3A_1055 : vector<16xi32>
    %swap3A_1057 = arith.constant 272 : index
    %swap3A_1058 = tpu.vector_load %arg14[%swap3A_1057] {strides = array<i32>} : memref<512xi32, #tpu.memory_space<vmem>>, vector<16xi32>,
    %swap3A_1059 = vector.shape_cast %swap3A_1058 : vector<16xi32> to vector<16xi32>
    %swap3A_1060 = vector.shape_cast %get3A_1049 : vector<16xi32> to vector<16xi32>
    tpu.vector_store %arg14[%swap3A_1057], %swap3A_1060 {strides = array<i32>} : memref<512xi32, #tpu.memory_space<vmem>>, vector<16xi32>,
    %add3A_1061 = arith.constant 16384 : i32
    %add3A_1062 = vector.broadcast %add3A_1061 : i32 to vector<16xi32>
    %add3A_1063 = arith.addi %add3A_1053, %add3A_1062 : vector<16xi32>
    %select_n3A_1064 = arith.select %eq3A_1056, %add3A_1053, %add3A_1063 : vector<16xi1>, vector<16xi32>
    %swap3A_1065 = arith.constant 2 : i32
    %swap3A_1066 = arith.index_cast %swap3A_1065 : i32 to index
    %swap3A_1067 = arith.constant 16 : index
    %swap3A_1068 = tpu.vector_load %arg17[%swap3A_1066, %swap3A_1067] {strides = array<i32>} : memref<4x128xi32, #tpu.memory_space<vmem>>, vector<1x16xi32>,
    %swap3A_1069 = vector.shape_cast %swap3A_1068 : vector<1x16xi32> to vector<16xi32>
    %swap3A_1070 = vector.shape_cast %select_n3A_1064 : vector<16xi32> to vector<1x16xi32>
    tpu.vector_store %arg17[%swap3A_1066, %swap3A_1067], %swap3A_1070 {strides = array<i32>} : memref<4x128xi32, #tpu.memory_space<vmem>>, vector<1x16xi32>,
    %eq3A_1071 = arith.constant 1 : i32
    %eq3A_1072 = vector.broadcast %eq3A_1071 : i32 to vector<16xi32>
    %eq3A_1073 = arith.cmpi eq, %get3A_1046, %eq3A_1072 : vector<16xi32>
    %swap3A_1074 = arith.constant 272 : index
    %swap3A_1075 = tpu.vector_load %arg15[%swap3A_1074] {strides = array<i32>} : memref<512xi32, #tpu.memory_space<vmem>>, vector<16xi32>,
    %swap3A_1076 = vector.shape_cast %swap3A_1075 : vector<16xi32> to vector<16xi32>
    %swap3A_1077 = vector.shape_cast %get3A_1049 : vector<16xi32> to vector<16xi32>
    tpu.vector_store %arg15[%swap3A_1074], %swap3A_1077 {strides = array<i32>} : memref<512xi32, #tpu.memory_space<vmem>>, vector<16xi32>,
    %add3A_1078 = arith.constant 16384 : i32
    %add3A_1079 = vector.broadcast %add3A_1078 : i32 to vector<16xi32>
    %add3A_1080 = arith.addi %add3A_1053, %add3A_1079 : vector<16xi32>
    %select_n3A_1081 = arith.select %eq3A_1073, %add3A_1053, %add3A_1080 : vector<16xi1>, vector<16xi32>
    %swap3A_1082 = arith.constant 2 : i32
    %swap3A_1083 = arith.index_cast %swap3A_1082 : i32 to index
    %swap3A_1084 = arith.constant 16 : index
    %swap3A_1085 = tpu.vector_load %arg18[%swap3A_1083, %swap3A_1084] {strides = array<i32>} : memref<4x128xi32, #tpu.memory_space<vmem>>, vector<1x16xi32>,
    %swap3A_1086 = vector.shape_cast %swap3A_1085 : vector<1x16xi32> to vector<16xi32>
    %swap3A_1087 = vector.shape_cast %select_n3A_1081 : vector<16xi32> to vector<1x16xi32>
    tpu.vector_store %arg18[%swap3A_1083, %swap3A_1084], %swap3A_1087 {strides = array<i32>} : memref<4x128xi32, #tpu.memory_space<vmem>>, vector<1x16xi32>,
    %eq3A_1088 = arith.constant 2 : i32
    %eq3A_1089 = vector.broadcast %eq3A_1088 : i32 to vector<16xi32>
    %eq3A_1090 = arith.cmpi eq, %get3A_1046, %eq3A_1089 : vector<16xi32>
    %swap3A_1091 = arith.constant 272 : index
    %swap3A_1092 = tpu.vector_load %arg16[%swap3A_1091] {strides = array<i32>} : memref<512xi32, #tpu.memory_space<vmem>>, vector<16xi32>,
    %swap3A_1093 = vector.shape_cast %swap3A_1092 : vector<16xi32> to vector<16xi32>
    %swap3A_1094 = vector.shape_cast %get3A_1049 : vector<16xi32> to vector<16xi32>
    tpu.vector_store %arg16[%swap3A_1091], %swap3A_1094 {strides = array<i32>} : memref<512xi32, #tpu.memory_space<vmem>>, vector<16xi32>,
    %add3A_1095 = arith.constant 16384 : i32
    %add3A_1096 = vector.broadcast %add3A_1095 : i32 to vector<16xi32>
    %add3A_1097 = arith.addi %add3A_1053, %add3A_1096 : vector<16xi32>
    %select_n3A_1098 = arith.select %eq3A_1090, %add3A_1053, %add3A_1097 : vector<16xi1>, vector<16xi32>
    %swap3A_1099 = arith.constant 2 : i32
    %swap3A_1100 = arith.index_cast %swap3A_1099 : i32 to index
    %swap3A_1101 = arith.constant 16 : index
    %swap3A_1102 = tpu.vector_load %arg19[%swap3A_1100, %swap3A_1101] {strides = array<i32>} : memref<4x128xi32, #tpu.memory_space<vmem>>, vector<1x16xi32>,
    %swap3A_1103 = vector.shape_cast %swap3A_1102 : vector<1x16xi32> to vector<16xi32>
    %swap3A_1104 = vector.shape_cast %select_n3A_1098 : vector<16xi32> to vector<1x16xi32>
    tpu.vector_store %arg19[%swap3A_1100, %swap3A_1101], %swap3A_1104 {strides = array<i32>} : memref<4x128xi32, #tpu.memory_space<vmem>>, vector<1x16xi32>,
    %get3A_1105 = arith.constant 288 : index
    %get3A_1106 = tpu.vector_load %arg11[%get3A_1105] {strides = array<i32>} : memref<512xi32, #tpu.memory_space<vmem>>, vector<16xi32>,
    %get3A_1107 = vector.shape_cast %get3A_1106 : vector<16xi32> to vector<16xi32>
    %get3A_1108 = arith.constant 288 : index
    %get3A_1109 = tpu.vector_load %arg12[%get3A_1108] {strides = array<i32>} : memref<512xi32, #tpu.memory_space<vmem>>, vector<16xi32>,
    %get3A_1110 = vector.shape_cast %get3A_1109 : vector<16xi32> to vector<16xi32>
    %add3A_1111 = arith.constant 288 : i32
    %add3A_1112 = arith.addi %mul3A_2, %add3A_1111 : i32
    %add3A_1113 = vector.broadcast %add3A_1112 : i32 to vector<16xi32>
    %add3A_1114 = arith.addi %add3A_1113, %iota3A : vector<16xi32>
    %eq3A_1115 = arith.constant 0 : i32
    %eq3A_1116 = vector.broadcast %eq3A_1115 : i32 to vector<16xi32>
    %eq3A_1117 = arith.cmpi eq, %get3A_1107, %eq3A_1116 : vector<16xi32>
    %swap3A_1118 = arith.constant 288 : index
    %swap3A_1119 = tpu.vector_load %arg14[%swap3A_1118] {strides = array<i32>} : memref<512xi32, #tpu.memory_space<vmem>>, vector<16xi32>,
    %swap3A_1120 = vector.shape_cast %swap3A_1119 : vector<16xi32> to vector<16xi32>
    %swap3A_1121 = vector.shape_cast %get3A_1110 : vector<16xi32> to vector<16xi32>
    tpu.vector_store %arg14[%swap3A_1118], %swap3A_1121 {strides = array<i32>} : memref<512xi32, #tpu.memory_space<vmem>>, vector<16xi32>,
    %add3A_1122 = arith.constant 16384 : i32
    %add3A_1123 = vector.broadcast %add3A_1122 : i32 to vector<16xi32>
    %add3A_1124 = arith.addi %add3A_1114, %add3A_1123 : vector<16xi32>
    %select_n3A_1125 = arith.select %eq3A_1117, %add3A_1114, %add3A_1124 : vector<16xi1>, vector<16xi32>
    %swap3A_1126 = arith.constant 2 : i32
    %swap3A_1127 = arith.index_cast %swap3A_1126 : i32 to index
    %swap3A_1128 = arith.constant 32 : index
    %swap3A_1129 = tpu.vector_load %arg17[%swap3A_1127, %swap3A_1128] {strides = array<i32>} : memref<4x128xi32, #tpu.memory_space<vmem>>, vector<1x16xi32>,
    %swap3A_1130 = vector.shape_cast %swap3A_1129 : vector<1x16xi32> to vector<16xi32>
    %swap3A_1131 = vector.shape_cast %select_n3A_1125 : vector<16xi32> to vector<1x16xi32>
    tpu.vector_store %arg17[%swap3A_1127, %swap3A_1128], %swap3A_1131 {strides = array<i32>} : memref<4x128xi32, #tpu.memory_space<vmem>>, vector<1x16xi32>,
    %eq3A_1132 = arith.constant 1 : i32
    %eq3A_1133 = vector.broadcast %eq3A_1132 : i32 to vector<16xi32>
    %eq3A_1134 = arith.cmpi eq, %get3A_1107, %eq3A_1133 : vector<16xi32>
    %swap3A_1135 = arith.constant 288 : index
    %swap3A_1136 = tpu.vector_load %arg15[%swap3A_1135] {strides = array<i32>} : memref<512xi32, #tpu.memory_space<vmem>>, vector<16xi32>,
    %swap3A_1137 = vector.shape_cast %swap3A_1136 : vector<16xi32> to vector<16xi32>
    %swap3A_1138 = vector.shape_cast %get3A_1110 : vector<16xi32> to vector<16xi32>
    tpu.vector_store %arg15[%swap3A_1135], %swap3A_1138 {strides = array<i32>} : memref<512xi32, #tpu.memory_space<vmem>>, vector<16xi32>,
    %add3A_1139 = arith.constant 16384 : i32
    %add3A_1140 = vector.broadcast %add3A_1139 : i32 to vector<16xi32>
    %add3A_1141 = arith.addi %add3A_1114, %add3A_1140 : vector<16xi32>
    %select_n3A_1142 = arith.select %eq3A_1134, %add3A_1114, %add3A_1141 : vector<16xi1>, vector<16xi32>
    %swap3A_1143 = arith.constant 2 : i32
    %swap3A_1144 = arith.index_cast %swap3A_1143 : i32 to index
    %swap3A_1145 = arith.constant 32 : index
    %swap3A_1146 = tpu.vector_load %arg18[%swap3A_1144, %swap3A_1145] {strides = array<i32>} : memref<4x128xi32, #tpu.memory_space<vmem>>, vector<1x16xi32>,
    %swap3A_1147 = vector.shape_cast %swap3A_1146 : vector<1x16xi32> to vector<16xi32>
    %swap3A_1148 = vector.shape_cast %select_n3A_1142 : vector<16xi32> to vector<1x16xi32>
    tpu.vector_store %arg18[%swap3A_1144, %swap3A_1145], %swap3A_1148 {strides = array<i32>} : memref<4x128xi32, #tpu.memory_space<vmem>>, vector<1x16xi32>,
    %eq3A_1149 = arith.constant 2 : i32
    %eq3A_1150 = vector.broadcast %eq3A_1149 : i32 to vector<16xi32>
    %eq3A_1151 = arith.cmpi eq, %get3A_1107, %eq3A_1150 : vector<16xi32>
    %swap3A_1152 = arith.constant 288 : index
    %swap3A_1153 = tpu.vector_load %arg16[%swap3A_1152] {strides = array<i32>} : memref<512xi32, #tpu.memory_space<vmem>>, vector<16xi32>,
    %swap3A_1154 = vector.shape_cast %swap3A_1153 : vector<16xi32> to vector<16xi32>
    %swap3A_1155 = vector.shape_cast %get3A_1110 : vector<16xi32> to vector<16xi32>
    tpu.vector_store %arg16[%swap3A_1152], %swap3A_1155 {strides = array<i32>} : memref<512xi32, #tpu.memory_space<vmem>>, vector<16xi32>,
    %add3A_1156 = arith.constant 16384 : i32
    %add3A_1157 = vector.broadcast %add3A_1156 : i32 to vector<16xi32>
    %add3A_1158 = arith.addi %add3A_1114, %add3A_1157 : vector<16xi32>
    %select_n3A_1159 = arith.select %eq3A_1151, %add3A_1114, %add3A_1158 : vector<16xi1>, vector<16xi32>
    %swap3A_1160 = arith.constant 2 : i32
    %swap3A_1161 = arith.index_cast %swap3A_1160 : i32 to index
    %swap3A_1162 = arith.constant 32 : index
    %swap3A_1163 = tpu.vector_load %arg19[%swap3A_1161, %swap3A_1162] {strides = array<i32>} : memref<4x128xi32, #tpu.memory_space<vmem>>, vector<1x16xi32>,
    %swap3A_1164 = vector.shape_cast %swap3A_1163 : vector<1x16xi32> to vector<16xi32>
    %swap3A_1165 = vector.shape_cast %select_n3A_1159 : vector<16xi32> to vector<1x16xi32>
    tpu.vector_store %arg19[%swap3A_1161, %swap3A_1162], %swap3A_1165 {strides = array<i32>} : memref<4x128xi32, #tpu.memory_space<vmem>>, vector<1x16xi32>,
    %get3A_1166 = arith.constant 304 : index
    %get3A_1167 = tpu.vector_load %arg11[%get3A_1166] {strides = array<i32>} : memref<512xi32, #tpu.memory_space<vmem>>, vector<16xi32>,
    %get3A_1168 = vector.shape_cast %get3A_1167 : vector<16xi32> to vector<16xi32>
    %get3A_1169 = arith.constant 304 : index
    %get3A_1170 = tpu.vector_load %arg12[%get3A_1169] {strides = array<i32>} : memref<512xi32, #tpu.memory_space<vmem>>, vector<16xi32>,
    %get3A_1171 = vector.shape_cast %get3A_1170 : vector<16xi32> to vector<16xi32>
    %add3A_1172 = arith.constant 304 : i32
    %add3A_1173 = arith.addi %mul3A_2, %add3A_1172 : i32
    %add3A_1174 = vector.broadcast %add3A_1173 : i32 to vector<16xi32>
    %add3A_1175 = arith.addi %add3A_1174, %iota3A : vector<16xi32>
    %eq3A_1176 = arith.constant 0 : i32
    %eq3A_1177 = vector.broadcast %eq3A_1176 : i32 to vector<16xi32>
    %eq3A_1178 = arith.cmpi eq, %get3A_1168, %eq3A_1177 : vector<16xi32>
    %swap3A_1179 = arith.constant 304 : index
    %swap3A_1180 = tpu.vector_load %arg14[%swap3A_1179] {strides = array<i32>} : memref<512xi32, #tpu.memory_space<vmem>>, vector<16xi32>,
    %swap3A_1181 = vector.shape_cast %swap3A_1180 : vector<16xi32> to vector<16xi32>
    %swap3A_1182 = vector.shape_cast %get3A_1171 : vector<16xi32> to vector<16xi32>
    tpu.vector_store %arg14[%swap3A_1179], %swap3A_1182 {strides = array<i32>} : memref<512xi32, #tpu.memory_space<vmem>>, vector<16xi32>,
    %add3A_1183 = arith.constant 16384 : i32
    %add3A_1184 = vector.broadcast %add3A_1183 : i32 to vector<16xi32>
    %add3A_1185 = arith.addi %add3A_1175, %add3A_1184 : vector<16xi32>
    %select_n3A_1186 = arith.select %eq3A_1178, %add3A_1175, %add3A_1185 : vector<16xi1>, vector<16xi32>
    %swap3A_1187 = arith.constant 2 : i32
    %swap3A_1188 = arith.index_cast %swap3A_1187 : i32 to index
    %swap3A_1189 = arith.constant 48 : index
    %swap3A_1190 = tpu.vector_load %arg17[%swap3A_1188, %swap3A_1189] {strides = array<i32>} : memref<4x128xi32, #tpu.memory_space<vmem>>, vector<1x16xi32>,
    %swap3A_1191 = vector.shape_cast %swap3A_1190 : vector<1x16xi32> to vector<16xi32>
    %swap3A_1192 = vector.shape_cast %select_n3A_1186 : vector<16xi32> to vector<1x16xi32>
    tpu.vector_store %arg17[%swap3A_1188, %swap3A_1189], %swap3A_1192 {strides = array<i32>} : memref<4x128xi32, #tpu.memory_space<vmem>>, vector<1x16xi32>,
    %eq3A_1193 = arith.constant 1 : i32
    %eq3A_1194 = vector.broadcast %eq3A_1193 : i32 to vector<16xi32>
    %eq3A_1195 = arith.cmpi eq, %get3A_1168, %eq3A_1194 : vector<16xi32>
    %swap3A_1196 = arith.constant 304 : index
    %swap3A_1197 = tpu.vector_load %arg15[%swap3A_1196] {strides = array<i32>} : memref<512xi32, #tpu.memory_space<vmem>>, vector<16xi32>,
    %swap3A_1198 = vector.shape_cast %swap3A_1197 : vector<16xi32> to vector<16xi32>
    %swap3A_1199 = vector.shape_cast %get3A_1171 : vector<16xi32> to vector<16xi32>
    tpu.vector_store %arg15[%swap3A_1196], %swap3A_1199 {strides = array<i32>} : memref<512xi32, #tpu.memory_space<vmem>>, vector<16xi32>,
    %add3A_1200 = arith.constant 16384 : i32
    %add3A_1201 = vector.broadcast %add3A_1200 : i32 to vector<16xi32>
    %add3A_1202 = arith.addi %add3A_1175, %add3A_1201 : vector<16xi32>
    %select_n3A_1203 = arith.select %eq3A_1195, %add3A_1175, %add3A_1202 : vector<16xi1>, vector<16xi32>
    %swap3A_1204 = arith.constant 2 : i32
    %swap3A_1205 = arith.index_cast %swap3A_1204 : i32 to index
    %swap3A_1206 = arith.constant 48 : index
    %swap3A_1207 = tpu.vector_load %arg18[%swap3A_1205, %swap3A_1206] {strides = array<i32>} : memref<4x128xi32, #tpu.memory_space<vmem>>, vector<1x16xi32>,
    %swap3A_1208 = vector.shape_cast %swap3A_1207 : vector<1x16xi32> to vector<16xi32>
    %swap3A_1209 = vector.shape_cast %select_n3A_1203 : vector<16xi32> to vector<1x16xi32>
    tpu.vector_store %arg18[%swap3A_1205, %swap3A_1206], %swap3A_1209 {strides = array<i32>} : memref<4x128xi32, #tpu.memory_space<vmem>>, vector<1x16xi32>,
    %eq3A_1210 = arith.constant 2 : i32
    %eq3A_1211 = vector.broadcast %eq3A_1210 : i32 to vector<16xi32>
    %eq3A_1212 = arith.cmpi eq, %get3A_1168, %eq3A_1211 : vector<16xi32>
    %swap3A_1213 = arith.constant 304 : index
    %swap3A_1214 = tpu.vector_load %arg16[%swap3A_1213] {strides = array<i32>} : memref<512xi32, #tpu.memory_space<vmem>>, vector<16xi32>,
    %swap3A_1215 = vector.shape_cast %swap3A_1214 : vector<16xi32> to vector<16xi32>
    %swap3A_1216 = vector.shape_cast %get3A_1171 : vector<16xi32> to vector<16xi32>
    tpu.vector_store %arg16[%swap3A_1213], %swap3A_1216 {strides = array<i32>} : memref<512xi32, #tpu.memory_space<vmem>>, vector<16xi32>,
    %add3A_1217 = arith.constant 16384 : i32
    %add3A_1218 = vector.broadcast %add3A_1217 : i32 to vector<16xi32>
    %add3A_1219 = arith.addi %add3A_1175, %add3A_1218 : vector<16xi32>
    %select_n3A_1220 = arith.select %eq3A_1212, %add3A_1175, %add3A_1219 : vector<16xi1>, vector<16xi32>
    %swap3A_1221 = arith.constant 2 : i32
    %swap3A_1222 = arith.index_cast %swap3A_1221 : i32 to index
    %swap3A_1223 = arith.constant 48 : index
    %swap3A_1224 = tpu.vector_load %arg19[%swap3A_1222, %swap3A_1223] {strides = array<i32>} : memref<4x128xi32, #tpu.memory_space<vmem>>, vector<1x16xi32>,
    %swap3A_1225 = vector.shape_cast %swap3A_1224 : vector<1x16xi32> to vector<16xi32>
    %swap3A_1226 = vector.shape_cast %select_n3A_1220 : vector<16xi32> to vector<1x16xi32>
    tpu.vector_store %arg19[%swap3A_1222, %swap3A_1223], %swap3A_1226 {strides = array<i32>} : memref<4x128xi32, #tpu.memory_space<vmem>>, vector<1x16xi32>,
    %get3A_1227 = arith.constant 320 : index
    %get3A_1228 = tpu.vector_load %arg11[%get3A_1227] {strides = array<i32>} : memref<512xi32, #tpu.memory_space<vmem>>, vector<16xi32>,
    %get3A_1229 = vector.shape_cast %get3A_1228 : vector<16xi32> to vector<16xi32>
    %get3A_1230 = arith.constant 320 : index
    %get3A_1231 = tpu.vector_load %arg12[%get3A_1230] {strides = array<i32>} : memref<512xi32, #tpu.memory_space<vmem>>, vector<16xi32>,
    %get3A_1232 = vector.shape_cast %get3A_1231 : vector<16xi32> to vector<16xi32>
    %add3A_1233 = arith.constant 320 : i32
    %add3A_1234 = arith.addi %mul3A_2, %add3A_1233 : i32
    %add3A_1235 = vector.broadcast %add3A_1234 : i32 to vector<16xi32>
    %add3A_1236 = arith.addi %add3A_1235, %iota3A : vector<16xi32>
    %eq3A_1237 = arith.constant 0 : i32
    %eq3A_1238 = vector.broadcast %eq3A_1237 : i32 to vector<16xi32>
    %eq3A_1239 = arith.cmpi eq, %get3A_1229, %eq3A_1238 : vector<16xi32>
    %swap3A_1240 = arith.constant 320 : index
    %swap3A_1241 = tpu.vector_load %arg14[%swap3A_1240] {strides = array<i32>} : memref<512xi32, #tpu.memory_space<vmem>>, vector<16xi32>,
    %swap3A_1242 = vector.shape_cast %swap3A_1241 : vector<16xi32> to vector<16xi32>
    %swap3A_1243 = vector.shape_cast %get3A_1232 : vector<16xi32> to vector<16xi32>
    tpu.vector_store %arg14[%swap3A_1240], %swap3A_1243 {strides = array<i32>} : memref<512xi32, #tpu.memory_space<vmem>>, vector<16xi32>,
    %add3A_1244 = arith.constant 16384 : i32
    %add3A_1245 = vector.broadcast %add3A_1244 : i32 to vector<16xi32>
    %add3A_1246 = arith.addi %add3A_1236, %add3A_1245 : vector<16xi32>
    %select_n3A_1247 = arith.select %eq3A_1239, %add3A_1236, %add3A_1246 : vector<16xi1>, vector<16xi32>
    %swap3A_1248 = arith.constant 2 : i32
    %swap3A_1249 = arith.index_cast %swap3A_1248 : i32 to index
    %swap3A_1250 = arith.constant 64 : index
    %swap3A_1251 = tpu.vector_load %arg17[%swap3A_1249, %swap3A_1250] {strides = array<i32>} : memref<4x128xi32, #tpu.memory_space<vmem>>, vector<1x16xi32>,
    %swap3A_1252 = vector.shape_cast %swap3A_1251 : vector<1x16xi32> to vector<16xi32>
    %swap3A_1253 = vector.shape_cast %select_n3A_1247 : vector<16xi32> to vector<1x16xi32>
    tpu.vector_store %arg17[%swap3A_1249, %swap3A_1250], %swap3A_1253 {strides = array<i32>} : memref<4x128xi32, #tpu.memory_space<vmem>>, vector<1x16xi32>,
    %eq3A_1254 = arith.constant 1 : i32
    %eq3A_1255 = vector.broadcast %eq3A_1254 : i32 to vector<16xi32>
    %eq3A_1256 = arith.cmpi eq, %get3A_1229, %eq3A_1255 : vector<16xi32>
    %swap3A_1257 = arith.constant 320 : index
    %swap3A_1258 = tpu.vector_load %arg15[%swap3A_1257] {strides = array<i32>} : memref<512xi32, #tpu.memory_space<vmem>>, vector<16xi32>,
    %swap3A_1259 = vector.shape_cast %swap3A_1258 : vector<16xi32> to vector<16xi32>
    %swap3A_1260 = vector.shape_cast %get3A_1232 : vector<16xi32> to vector<16xi32>
    tpu.vector_store %arg15[%swap3A_1257], %swap3A_1260 {strides = array<i32>} : memref<512xi32, #tpu.memory_space<vmem>>, vector<16xi32>,
    %add3A_1261 = arith.constant 16384 : i32
    %add3A_1262 = vector.broadcast %add3A_1261 : i32 to vector<16xi32>
    %add3A_1263 = arith.addi %add3A_1236, %add3A_1262 : vector<16xi32>
    %select_n3A_1264 = arith.select %eq3A_1256, %add3A_1236, %add3A_1263 : vector<16xi1>, vector<16xi32>
    %swap3A_1265 = arith.constant 2 : i32
    %swap3A_1266 = arith.index_cast %swap3A_1265 : i32 to index
    %swap3A_1267 = arith.constant 64 : index
    %swap3A_1268 = tpu.vector_load %arg18[%swap3A_1266, %swap3A_1267] {strides = array<i32>} : memref<4x128xi32, #tpu.memory_space<vmem>>, vector<1x16xi32>,
    %swap3A_1269 = vector.shape_cast %swap3A_1268 : vector<1x16xi32> to vector<16xi32>
    %swap3A_1270 = vector.shape_cast %select_n3A_1264 : vector<16xi32> to vector<1x16xi32>
    tpu.vector_store %arg18[%swap3A_1266, %swap3A_1267], %swap3A_1270 {strides = array<i32>} : memref<4x128xi32, #tpu.memory_space<vmem>>, vector<1x16xi32>,
    %eq3A_1271 = arith.constant 2 : i32
    %eq3A_1272 = vector.broadcast %eq3A_1271 : i32 to vector<16xi32>
    %eq3A_1273 = arith.cmpi eq, %get3A_1229, %eq3A_1272 : vector<16xi32>
    %swap3A_1274 = arith.constant 320 : index
    %swap3A_1275 = tpu.vector_load %arg16[%swap3A_1274] {strides = array<i32>} : memref<512xi32, #tpu.memory_space<vmem>>, vector<16xi32>,
    %swap3A_1276 = vector.shape_cast %swap3A_1275 : vector<16xi32> to vector<16xi32>
    %swap3A_1277 = vector.shape_cast %get3A_1232 : vector<16xi32> to vector<16xi32>
    tpu.vector_store %arg16[%swap3A_1274], %swap3A_1277 {strides = array<i32>} : memref<512xi32, #tpu.memory_space<vmem>>, vector<16xi32>,
    %add3A_1278 = arith.constant 16384 : i32
    %add3A_1279 = vector.broadcast %add3A_1278 : i32 to vector<16xi32>
    %add3A_1280 = arith.addi %add3A_1236, %add3A_1279 : vector<16xi32>
    %select_n3A_1281 = arith.select %eq3A_1273, %add3A_1236, %add3A_1280 : vector<16xi1>, vector<16xi32>
    %swap3A_1282 = arith.constant 2 : i32
    %swap3A_1283 = arith.index_cast %swap3A_1282 : i32 to index
    %swap3A_1284 = arith.constant 64 : index
    %swap3A_1285 = tpu.vector_load %arg19[%swap3A_1283, %swap3A_1284] {strides = array<i32>} : memref<4x128xi32, #tpu.memory_space<vmem>>, vector<1x16xi32>,
    %swap3A_1286 = vector.shape_cast %swap3A_1285 : vector<1x16xi32> to vector<16xi32>
    %swap3A_1287 = vector.shape_cast %select_n3A_1281 : vector<16xi32> to vector<1x16xi32>
    tpu.vector_store %arg19[%swap3A_1283, %swap3A_1284], %swap3A_1287 {strides = array<i32>} : memref<4x128xi32, #tpu.memory_space<vmem>>, vector<1x16xi32>,
    %get3A_1288 = arith.constant 336 : index
    %get3A_1289 = tpu.vector_load %arg11[%get3A_1288] {strides = array<i32>} : memref<512xi32, #tpu.memory_space<vmem>>, vector<16xi32>,
    %get3A_1290 = vector.shape_cast %get3A_1289 : vector<16xi32> to vector<16xi32>
    %get3A_1291 = arith.constant 336 : index
    %get3A_1292 = tpu.vector_load %arg12[%get3A_1291] {strides = array<i32>} : memref<512xi32, #tpu.memory_space<vmem>>, vector<16xi32>,
    %get3A_1293 = vector.shape_cast %get3A_1292 : vector<16xi32> to vector<16xi32>
    %add3A_1294 = arith.constant 336 : i32
    %add3A_1295 = arith.addi %mul3A_2, %add3A_1294 : i32
    %add3A_1296 = vector.broadcast %add3A_1295 : i32 to vector<16xi32>
    %add3A_1297 = arith.addi %add3A_1296, %iota3A : vector<16xi32>
    %eq3A_1298 = arith.constant 0 : i32
    %eq3A_1299 = vector.broadcast %eq3A_1298 : i32 to vector<16xi32>
    %eq3A_1300 = arith.cmpi eq, %get3A_1290, %eq3A_1299 : vector<16xi32>
    %swap3A_1301 = arith.constant 336 : index
    %swap3A_1302 = tpu.vector_load %arg14[%swap3A_1301] {strides = array<i32>} : memref<512xi32, #tpu.memory_space<vmem>>, vector<16xi32>,
    %swap3A_1303 = vector.shape_cast %swap3A_1302 : vector<16xi32> to vector<16xi32>
    %swap3A_1304 = vector.shape_cast %get3A_1293 : vector<16xi32> to vector<16xi32>
    tpu.vector_store %arg14[%swap3A_1301], %swap3A_1304 {strides = array<i32>} : memref<512xi32, #tpu.memory_space<vmem>>, vector<16xi32>,
    %add3A_1305 = arith.constant 16384 : i32
    %add3A_1306 = vector.broadcast %add3A_1305 : i32 to vector<16xi32>
    %add3A_1307 = arith.addi %add3A_1297, %add3A_1306 : vector<16xi32>
    %select_n3A_1308 = arith.select %eq3A_1300, %add3A_1297, %add3A_1307 : vector<16xi1>, vector<16xi32>
    %swap3A_1309 = arith.constant 2 : i32
    %swap3A_1310 = arith.index_cast %swap3A_1309 : i32 to index
    %swap3A_1311 = arith.constant 80 : index
    %swap3A_1312 = tpu.vector_load %arg17[%swap3A_1310, %swap3A_1311] {strides = array<i32>} : memref<4x128xi32, #tpu.memory_space<vmem>>, vector<1x16xi32>,
    %swap3A_1313 = vector.shape_cast %swap3A_1312 : vector<1x16xi32> to vector<16xi32>
    %swap3A_1314 = vector.shape_cast %select_n3A_1308 : vector<16xi32> to vector<1x16xi32>
    tpu.vector_store %arg17[%swap3A_1310, %swap3A_1311], %swap3A_1314 {strides = array<i32>} : memref<4x128xi32, #tpu.memory_space<vmem>>, vector<1x16xi32>,
    %eq3A_1315 = arith.constant 1 : i32
    %eq3A_1316 = vector.broadcast %eq3A_1315 : i32 to vector<16xi32>
    %eq3A_1317 = arith.cmpi eq, %get3A_1290, %eq3A_1316 : vector<16xi32>
    %swap3A_1318 = arith.constant 336 : index
    %swap3A_1319 = tpu.vector_load %arg15[%swap3A_1318] {strides = array<i32>} : memref<512xi32, #tpu.memory_space<vmem>>, vector<16xi32>,
    %swap3A_1320 = vector.shape_cast %swap3A_1319 : vector<16xi32> to vector<16xi32>
    %swap3A_1321 = vector.shape_cast %get3A_1293 : vector<16xi32> to vector<16xi32>
    tpu.vector_store %arg15[%swap3A_1318], %swap3A_1321 {strides = array<i32>} : memref<512xi32, #tpu.memory_space<vmem>>, vector<16xi32>,
    %add3A_1322 = arith.constant 16384 : i32
    %add3A_1323 = vector.broadcast %add3A_1322 : i32 to vector<16xi32>
    %add3A_1324 = arith.addi %add3A_1297, %add3A_1323 : vector<16xi32>
    %select_n3A_1325 = arith.select %eq3A_1317, %add3A_1297, %add3A_1324 : vector<16xi1>, vector<16xi32>
    %swap3A_1326 = arith.constant 2 : i32
    %swap3A_1327 = arith.index_cast %swap3A_1326 : i32 to index
    %swap3A_1328 = arith.constant 80 : index
    %swap3A_1329 = tpu.vector_load %arg18[%swap3A_1327, %swap3A_1328] {strides = array<i32>} : memref<4x128xi32, #tpu.memory_space<vmem>>, vector<1x16xi32>,
    %swap3A_1330 = vector.shape_cast %swap3A_1329 : vector<1x16xi32> to vector<16xi32>
    %swap3A_1331 = vector.shape_cast %select_n3A_1325 : vector<16xi32> to vector<1x16xi32>
    tpu.vector_store %arg18[%swap3A_1327, %swap3A_1328], %swap3A_1331 {strides = array<i32>} : memref<4x128xi32, #tpu.memory_space<vmem>>, vector<1x16xi32>,
    %eq3A_1332 = arith.constant 2 : i32
    %eq3A_1333 = vector.broadcast %eq3A_1332 : i32 to vector<16xi32>
    %eq3A_1334 = arith.cmpi eq, %get3A_1290, %eq3A_1333 : vector<16xi32>
    %swap3A_1335 = arith.constant 336 : index
    %swap3A_1336 = tpu.vector_load %arg16[%swap3A_1335] {strides = array<i32>} : memref<512xi32, #tpu.memory_space<vmem>>, vector<16xi32>,
    %swap3A_1337 = vector.shape_cast %swap3A_1336 : vector<16xi32> to vector<16xi32>
    %swap3A_1338 = vector.shape_cast %get3A_1293 : vector<16xi32> to vector<16xi32>
    tpu.vector_store %arg16[%swap3A_1335], %swap3A_1338 {strides = array<i32>} : memref<512xi32, #tpu.memory_space<vmem>>, vector<16xi32>,
    %add3A_1339 = arith.constant 16384 : i32
    %add3A_1340 = vector.broadcast %add3A_1339 : i32 to vector<16xi32>
    %add3A_1341 = arith.addi %add3A_1297, %add3A_1340 : vector<16xi32>
    %select_n3A_1342 = arith.select %eq3A_1334, %add3A_1297, %add3A_1341 : vector<16xi1>, vector<16xi32>
    %swap3A_1343 = arith.constant 2 : i32
    %swap3A_1344 = arith.index_cast %swap3A_1343 : i32 to index
    %swap3A_1345 = arith.constant 80 : index
    %swap3A_1346 = tpu.vector_load %arg19[%swap3A_1344, %swap3A_1345] {strides = array<i32>} : memref<4x128xi32, #tpu.memory_space<vmem>>, vector<1x16xi32>,
    %swap3A_1347 = vector.shape_cast %swap3A_1346 : vector<1x16xi32> to vector<16xi32>
    %swap3A_1348 = vector.shape_cast %select_n3A_1342 : vector<16xi32> to vector<1x16xi32>
    tpu.vector_store %arg19[%swap3A_1344, %swap3A_1345], %swap3A_1348 {strides = array<i32>} : memref<4x128xi32, #tpu.memory_space<vmem>>, vector<1x16xi32>,
    %get3A_1349 = arith.constant 352 : index
    %get3A_1350 = tpu.vector_load %arg11[%get3A_1349] {strides = array<i32>} : memref<512xi32, #tpu.memory_space<vmem>>, vector<16xi32>,
    %get3A_1351 = vector.shape_cast %get3A_1350 : vector<16xi32> to vector<16xi32>
    %get3A_1352 = arith.constant 352 : index
    %get3A_1353 = tpu.vector_load %arg12[%get3A_1352] {strides = array<i32>} : memref<512xi32, #tpu.memory_space<vmem>>, vector<16xi32>,
    %get3A_1354 = vector.shape_cast %get3A_1353 : vector<16xi32> to vector<16xi32>
    %add3A_1355 = arith.constant 352 : i32
    %add3A_1356 = arith.addi %mul3A_2, %add3A_1355 : i32
    %add3A_1357 = vector.broadcast %add3A_1356 : i32 to vector<16xi32>
    %add3A_1358 = arith.addi %add3A_1357, %iota3A : vector<16xi32>
    %eq3A_1359 = arith.constant 0 : i32
    %eq3A_1360 = vector.broadcast %eq3A_1359 : i32 to vector<16xi32>
    %eq3A_1361 = arith.cmpi eq, %get3A_1351, %eq3A_1360 : vector<16xi32>
    %swap3A_1362 = arith.constant 352 : index
    %swap3A_1363 = tpu.vector_load %arg14[%swap3A_1362] {strides = array<i32>} : memref<512xi32, #tpu.memory_space<vmem>>, vector<16xi32>,
    %swap3A_1364 = vector.shape_cast %swap3A_1363 : vector<16xi32> to vector<16xi32>
    %swap3A_1365 = vector.shape_cast %get3A_1354 : vector<16xi32> to vector<16xi32>
    tpu.vector_store %arg14[%swap3A_1362], %swap3A_1365 {strides = array<i32>} : memref<512xi32, #tpu.memory_space<vmem>>, vector<16xi32>,
    %add3A_1366 = arith.constant 16384 : i32
    %add3A_1367 = vector.broadcast %add3A_1366 : i32 to vector<16xi32>
    %add3A_1368 = arith.addi %add3A_1358, %add3A_1367 : vector<16xi32>
    %select_n3A_1369 = arith.select %eq3A_1361, %add3A_1358, %add3A_1368 : vector<16xi1>, vector<16xi32>
    %swap3A_1370 = arith.constant 2 : i32
    %swap3A_1371 = arith.index_cast %swap3A_1370 : i32 to index
    %swap3A_1372 = arith.constant 96 : index
    %swap3A_1373 = tpu.vector_load %arg17[%swap3A_1371, %swap3A_1372] {strides = array<i32>} : memref<4x128xi32, #tpu.memory_space<vmem>>, vector<1x16xi32>,
    %swap3A_1374 = vector.shape_cast %swap3A_1373 : vector<1x16xi32> to vector<16xi32>
    %swap3A_1375 = vector.shape_cast %select_n3A_1369 : vector<16xi32> to vector<1x16xi32>
    tpu.vector_store %arg17[%swap3A_1371, %swap3A_1372], %swap3A_1375 {strides = array<i32>} : memref<4x128xi32, #tpu.memory_space<vmem>>, vector<1x16xi32>,
    %eq3A_1376 = arith.constant 1 : i32
    %eq3A_1377 = vector.broadcast %eq3A_1376 : i32 to vector<16xi32>
    %eq3A_1378 = arith.cmpi eq, %get3A_1351, %eq3A_1377 : vector<16xi32>
    %swap3A_1379 = arith.constant 352 : index
    %swap3A_1380 = tpu.vector_load %arg15[%swap3A_1379] {strides = array<i32>} : memref<512xi32, #tpu.memory_space<vmem>>, vector<16xi32>,
    %swap3A_1381 = vector.shape_cast %swap3A_1380 : vector<16xi32> to vector<16xi32>
    %swap3A_1382 = vector.shape_cast %get3A_1354 : vector<16xi32> to vector<16xi32>
    tpu.vector_store %arg15[%swap3A_1379], %swap3A_1382 {strides = array<i32>} : memref<512xi32, #tpu.memory_space<vmem>>, vector<16xi32>,
    %add3A_1383 = arith.constant 16384 : i32
    %add3A_1384 = vector.broadcast %add3A_1383 : i32 to vector<16xi32>
    %add3A_1385 = arith.addi %add3A_1358, %add3A_1384 : vector<16xi32>
    %select_n3A_1386 = arith.select %eq3A_1378, %add3A_1358, %add3A_1385 : vector<16xi1>, vector<16xi32>
    %swap3A_1387 = arith.constant 2 : i32
    %swap3A_1388 = arith.index_cast %swap3A_1387 : i32 to index
    %swap3A_1389 = arith.constant 96 : index
    %swap3A_1390 = tpu.vector_load %arg18[%swap3A_1388, %swap3A_1389] {strides = array<i32>} : memref<4x128xi32, #tpu.memory_space<vmem>>, vector<1x16xi32>,
    %swap3A_1391 = vector.shape_cast %swap3A_1390 : vector<1x16xi32> to vector<16xi32>
    %swap3A_1392 = vector.shape_cast %select_n3A_1386 : vector<16xi32> to vector<1x16xi32>
    tpu.vector_store %arg18[%swap3A_1388, %swap3A_1389], %swap3A_1392 {strides = array<i32>} : memref<4x128xi32, #tpu.memory_space<vmem>>, vector<1x16xi32>,
    %eq3A_1393 = arith.constant 2 : i32
    %eq3A_1394 = vector.broadcast %eq3A_1393 : i32 to vector<16xi32>
    %eq3A_1395 = arith.cmpi eq, %get3A_1351, %eq3A_1394 : vector<16xi32>
    %swap3A_1396 = arith.constant 352 : index
    %swap3A_1397 = tpu.vector_load %arg16[%swap3A_1396] {strides = array<i32>} : memref<512xi32, #tpu.memory_space<vmem>>, vector<16xi32>,
    %swap3A_1398 = vector.shape_cast %swap3A_1397 : vector<16xi32> to vector<16xi32>
    %swap3A_1399 = vector.shape_cast %get3A_1354 : vector<16xi32> to vector<16xi32>
    tpu.vector_store %arg16[%swap3A_1396], %swap3A_1399 {strides = array<i32>} : memref<512xi32, #tpu.memory_space<vmem>>, vector<16xi32>,
    %add3A_1400 = arith.constant 16384 : i32
    %add3A_1401 = vector.broadcast %add3A_1400 : i32 to vector<16xi32>
    %add3A_1402 = arith.addi %add3A_1358, %add3A_1401 : vector<16xi32>
    %select_n3A_1403 = arith.select %eq3A_1395, %add3A_1358, %add3A_1402 : vector<16xi1>, vector<16xi32>
    %swap3A_1404 = arith.constant 2 : i32
    %swap3A_1405 = arith.index_cast %swap3A_1404 : i32 to index
    %swap3A_1406 = arith.constant 96 : index
    %swap3A_1407 = tpu.vector_load %arg19[%swap3A_1405, %swap3A_1406] {strides = array<i32>} : memref<4x128xi32, #tpu.memory_space<vmem>>, vector<1x16xi32>,
    %swap3A_1408 = vector.shape_cast %swap3A_1407 : vector<1x16xi32> to vector<16xi32>
    %swap3A_1409 = vector.shape_cast %select_n3A_1403 : vector<16xi32> to vector<1x16xi32>
    tpu.vector_store %arg19[%swap3A_1405, %swap3A_1406], %swap3A_1409 {strides = array<i32>} : memref<4x128xi32, #tpu.memory_space<vmem>>, vector<1x16xi32>,
    %get3A_1410 = arith.constant 368 : index
    %get3A_1411 = tpu.vector_load %arg11[%get3A_1410] {strides = array<i32>} : memref<512xi32, #tpu.memory_space<vmem>>, vector<16xi32>,
    %get3A_1412 = vector.shape_cast %get3A_1411 : vector<16xi32> to vector<16xi32>
    %get3A_1413 = arith.constant 368 : index
    %get3A_1414 = tpu.vector_load %arg12[%get3A_1413] {strides = array<i32>} : memref<512xi32, #tpu.memory_space<vmem>>, vector<16xi32>,
    %get3A_1415 = vector.shape_cast %get3A_1414 : vector<16xi32> to vector<16xi32>
    %add3A_1416 = arith.constant 368 : i32
    %add3A_1417 = arith.addi %mul3A_2, %add3A_1416 : i32
    %add3A_1418 = vector.broadcast %add3A_1417 : i32 to vector<16xi32>
    %add3A_1419 = arith.addi %add3A_1418, %iota3A : vector<16xi32>
    %eq3A_1420 = arith.constant 0 : i32
    %eq3A_1421 = vector.broadcast %eq3A_1420 : i32 to vector<16xi32>
    %eq3A_1422 = arith.cmpi eq, %get3A_1412, %eq3A_1421 : vector<16xi32>
    %swap3A_1423 = arith.constant 368 : index
    %swap3A_1424 = tpu.vector_load %arg14[%swap3A_1423] {strides = array<i32>} : memref<512xi32, #tpu.memory_space<vmem>>, vector<16xi32>,
    %swap3A_1425 = vector.shape_cast %swap3A_1424 : vector<16xi32> to vector<16xi32>
    %swap3A_1426 = vector.shape_cast %get3A_1415 : vector<16xi32> to vector<16xi32>
    tpu.vector_store %arg14[%swap3A_1423], %swap3A_1426 {strides = array<i32>} : memref<512xi32, #tpu.memory_space<vmem>>, vector<16xi32>,
    %add3A_1427 = arith.constant 16384 : i32
    %add3A_1428 = vector.broadcast %add3A_1427 : i32 to vector<16xi32>
    %add3A_1429 = arith.addi %add3A_1419, %add3A_1428 : vector<16xi32>
    %select_n3A_1430 = arith.select %eq3A_1422, %add3A_1419, %add3A_1429 : vector<16xi1>, vector<16xi32>
    %swap3A_1431 = arith.constant 2 : i32
    %swap3A_1432 = arith.index_cast %swap3A_1431 : i32 to index
    %swap3A_1433 = arith.constant 112 : index
    %swap3A_1434 = tpu.vector_load %arg17[%swap3A_1432, %swap3A_1433] {strides = array<i32>} : memref<4x128xi32, #tpu.memory_space<vmem>>, vector<1x16xi32>,
    %swap3A_1435 = vector.shape_cast %swap3A_1434 : vector<1x16xi32> to vector<16xi32>
    %swap3A_1436 = vector.shape_cast %select_n3A_1430 : vector<16xi32> to vector<1x16xi32>
    tpu.vector_store %arg17[%swap3A_1432, %swap3A_1433], %swap3A_1436 {strides = array<i32>} : memref<4x128xi32, #tpu.memory_space<vmem>>, vector<1x16xi32>,
    %eq3A_1437 = arith.constant 1 : i32
    %eq3A_1438 = vector.broadcast %eq3A_1437 : i32 to vector<16xi32>
    %eq3A_1439 = arith.cmpi eq, %get3A_1412, %eq3A_1438 : vector<16xi32>
    %swap3A_1440 = arith.constant 368 : index
    %swap3A_1441 = tpu.vector_load %arg15[%swap3A_1440] {strides = array<i32>} : memref<512xi32, #tpu.memory_space<vmem>>, vector<16xi32>,
    %swap3A_1442 = vector.shape_cast %swap3A_1441 : vector<16xi32> to vector<16xi32>
    %swap3A_1443 = vector.shape_cast %get3A_1415 : vector<16xi32> to vector<16xi32>
    tpu.vector_store %arg15[%swap3A_1440], %swap3A_1443 {strides = array<i32>} : memref<512xi32, #tpu.memory_space<vmem>>, vector<16xi32>,
    %add3A_1444 = arith.constant 16384 : i32
    %add3A_1445 = vector.broadcast %add3A_1444 : i32 to vector<16xi32>
    %add3A_1446 = arith.addi %add3A_1419, %add3A_1445 : vector<16xi32>
    %select_n3A_1447 = arith.select %eq3A_1439, %add3A_1419, %add3A_1446 : vector<16xi1>, vector<16xi32>
    %swap3A_1448 = arith.constant 2 : i32
    %swap3A_1449 = arith.index_cast %swap3A_1448 : i32 to index
    %swap3A_1450 = arith.constant 112 : index
    %swap3A_1451 = tpu.vector_load %arg18[%swap3A_1449, %swap3A_1450] {strides = array<i32>} : memref<4x128xi32, #tpu.memory_space<vmem>>, vector<1x16xi32>,
    %swap3A_1452 = vector.shape_cast %swap3A_1451 : vector<1x16xi32> to vector<16xi32>
    %swap3A_1453 = vector.shape_cast %select_n3A_1447 : vector<16xi32> to vector<1x16xi32>
    tpu.vector_store %arg18[%swap3A_1449, %swap3A_1450], %swap3A_1453 {strides = array<i32>} : memref<4x128xi32, #tpu.memory_space<vmem>>, vector<1x16xi32>,
    %eq3A_1454 = arith.constant 2 : i32
    %eq3A_1455 = vector.broadcast %eq3A_1454 : i32 to vector<16xi32>
    %eq3A_1456 = arith.cmpi eq, %get3A_1412, %eq3A_1455 : vector<16xi32>
    %swap3A_1457 = arith.constant 368 : index
    %swap3A_1458 = tpu.vector_load %arg16[%swap3A_1457] {strides = array<i32>} : memref<512xi32, #tpu.memory_space<vmem>>, vector<16xi32>,
    %swap3A_1459 = vector.shape_cast %swap3A_1458 : vector<16xi32> to vector<16xi32>
    %swap3A_1460 = vector.shape_cast %get3A_1415 : vector<16xi32> to vector<16xi32>
    tpu.vector_store %arg16[%swap3A_1457], %swap3A_1460 {strides = array<i32>} : memref<512xi32, #tpu.memory_space<vmem>>, vector<16xi32>,
    %add3A_1461 = arith.constant 16384 : i32
    %add3A_1462 = vector.broadcast %add3A_1461 : i32 to vector<16xi32>
    %add3A_1463 = arith.addi %add3A_1419, %add3A_1462 : vector<16xi32>
    %select_n3A_1464 = arith.select %eq3A_1456, %add3A_1419, %add3A_1463 : vector<16xi1>, vector<16xi32>
    %swap3A_1465 = arith.constant 2 : i32
    %swap3A_1466 = arith.index_cast %swap3A_1465 : i32 to index
    %swap3A_1467 = arith.constant 112 : index
    %swap3A_1468 = tpu.vector_load %arg19[%swap3A_1466, %swap3A_1467] {strides = array<i32>} : memref<4x128xi32, #tpu.memory_space<vmem>>, vector<1x16xi32>,
    %swap3A_1469 = vector.shape_cast %swap3A_1468 : vector<1x16xi32> to vector<16xi32>
    %swap3A_1470 = vector.shape_cast %select_n3A_1464 : vector<16xi32> to vector<1x16xi32>
    tpu.vector_store %arg19[%swap3A_1466, %swap3A_1467], %swap3A_1470 {strides = array<i32>} : memref<4x128xi32, #tpu.memory_space<vmem>>, vector<1x16xi32>,
    %get3A_1471 = arith.constant 384 : index
    %get3A_1472 = tpu.vector_load %arg11[%get3A_1471] {strides = array<i32>} : memref<512xi32, #tpu.memory_space<vmem>>, vector<16xi32>,
    %get3A_1473 = vector.shape_cast %get3A_1472 : vector<16xi32> to vector<16xi32>
    %get3A_1474 = arith.constant 384 : index
    %get3A_1475 = tpu.vector_load %arg12[%get3A_1474] {strides = array<i32>} : memref<512xi32, #tpu.memory_space<vmem>>, vector<16xi32>,
    %get3A_1476 = vector.shape_cast %get3A_1475 : vector<16xi32> to vector<16xi32>
    %add3A_1477 = arith.constant 384 : i32
    %add3A_1478 = arith.addi %mul3A_2, %add3A_1477 : i32
    %add3A_1479 = vector.broadcast %add3A_1478 : i32 to vector<16xi32>
    %add3A_1480 = arith.addi %add3A_1479, %iota3A : vector<16xi32>
    %eq3A_1481 = arith.constant 0 : i32
    %eq3A_1482 = vector.broadcast %eq3A_1481 : i32 to vector<16xi32>
    %eq3A_1483 = arith.cmpi eq, %get3A_1473, %eq3A_1482 : vector<16xi32>
    %swap3A_1484 = arith.constant 384 : index
    %swap3A_1485 = tpu.vector_load %arg14[%swap3A_1484] {strides = array<i32>} : memref<512xi32, #tpu.memory_space<vmem>>, vector<16xi32>,
    %swap3A_1486 = vector.shape_cast %swap3A_1485 : vector<16xi32> to vector<16xi32>
    %swap3A_1487 = vector.shape_cast %get3A_1476 : vector<16xi32> to vector<16xi32>
    tpu.vector_store %arg14[%swap3A_1484], %swap3A_1487 {strides = array<i32>} : memref<512xi32, #tpu.memory_space<vmem>>, vector<16xi32>,
    %add3A_1488 = arith.constant 16384 : i32
    %add3A_1489 = vector.broadcast %add3A_1488 : i32 to vector<16xi32>
    %add3A_1490 = arith.addi %add3A_1480, %add3A_1489 : vector<16xi32>
    %select_n3A_1491 = arith.select %eq3A_1483, %add3A_1480, %add3A_1490 : vector<16xi1>, vector<16xi32>
    %swap3A_1492 = arith.constant 3 : i32
    %swap3A_1493 = arith.index_cast %swap3A_1492 : i32 to index
    %swap3A_1494 = arith.constant 0 : index
    %swap3A_1495 = tpu.vector_load %arg17[%swap3A_1493, %swap3A_1494] {strides = array<i32>} : memref<4x128xi32, #tpu.memory_space<vmem>>, vector<1x16xi32>,
    %swap3A_1496 = vector.shape_cast %swap3A_1495 : vector<1x16xi32> to vector<16xi32>
    %swap3A_1497 = vector.shape_cast %select_n3A_1491 : vector<16xi32> to vector<1x16xi32>
    tpu.vector_store %arg17[%swap3A_1493, %swap3A_1494], %swap3A_1497 {strides = array<i32>} : memref<4x128xi32, #tpu.memory_space<vmem>>, vector<1x16xi32>,
    %eq3A_1498 = arith.constant 1 : i32
    %eq3A_1499 = vector.broadcast %eq3A_1498 : i32 to vector<16xi32>
    %eq3A_1500 = arith.cmpi eq, %get3A_1473, %eq3A_1499 : vector<16xi32>
    %swap3A_1501 = arith.constant 384 : index
    %swap3A_1502 = tpu.vector_load %arg15[%swap3A_1501] {strides = array<i32>} : memref<512xi32, #tpu.memory_space<vmem>>, vector<16xi32>,
    %swap3A_1503 = vector.shape_cast %swap3A_1502 : vector<16xi32> to vector<16xi32>
    %swap3A_1504 = vector.shape_cast %get3A_1476 : vector<16xi32> to vector<16xi32>
    tpu.vector_store %arg15[%swap3A_1501], %swap3A_1504 {strides = array<i32>} : memref<512xi32, #tpu.memory_space<vmem>>, vector<16xi32>,
    %add3A_1505 = arith.constant 16384 : i32
    %add3A_1506 = vector.broadcast %add3A_1505 : i32 to vector<16xi32>
    %add3A_1507 = arith.addi %add3A_1480, %add3A_1506 : vector<16xi32>
    %select_n3A_1508 = arith.select %eq3A_1500, %add3A_1480, %add3A_1507 : vector<16xi1>, vector<16xi32>
    %swap3A_1509 = arith.constant 3 : i32
    %swap3A_1510 = arith.index_cast %swap3A_1509 : i32 to index
    %swap3A_1511 = arith.constant 0 : index
    %swap3A_1512 = tpu.vector_load %arg18[%swap3A_1510, %swap3A_1511] {strides = array<i32>} : memref<4x128xi32, #tpu.memory_space<vmem>>, vector<1x16xi32>,
    %swap3A_1513 = vector.shape_cast %swap3A_1512 : vector<1x16xi32> to vector<16xi32>
    %swap3A_1514 = vector.shape_cast %select_n3A_1508 : vector<16xi32> to vector<1x16xi32>
    tpu.vector_store %arg18[%swap3A_1510, %swap3A_1511], %swap3A_1514 {strides = array<i32>} : memref<4x128xi32, #tpu.memory_space<vmem>>, vector<1x16xi32>,
    %eq3A_1515 = arith.constant 2 : i32
    %eq3A_1516 = vector.broadcast %eq3A_1515 : i32 to vector<16xi32>
    %eq3A_1517 = arith.cmpi eq, %get3A_1473, %eq3A_1516 : vector<16xi32>
    %swap3A_1518 = arith.constant 384 : index
    %swap3A_1519 = tpu.vector_load %arg16[%swap3A_1518] {strides = array<i32>} : memref<512xi32, #tpu.memory_space<vmem>>, vector<16xi32>,
    %swap3A_1520 = vector.shape_cast %swap3A_1519 : vector<16xi32> to vector<16xi32>
    %swap3A_1521 = vector.shape_cast %get3A_1476 : vector<16xi32> to vector<16xi32>
    tpu.vector_store %arg16[%swap3A_1518], %swap3A_1521 {strides = array<i32>} : memref<512xi32, #tpu.memory_space<vmem>>, vector<16xi32>,
    %add3A_1522 = arith.constant 16384 : i32
    %add3A_1523 = vector.broadcast %add3A_1522 : i32 to vector<16xi32>
    %add3A_1524 = arith.addi %add3A_1480, %add3A_1523 : vector<16xi32>
    %select_n3A_1525 = arith.select %eq3A_1517, %add3A_1480, %add3A_1524 : vector<16xi1>, vector<16xi32>
    %swap3A_1526 = arith.constant 3 : i32
    %swap3A_1527 = arith.index_cast %swap3A_1526 : i32 to index
    %swap3A_1528 = arith.constant 0 : index
    %swap3A_1529 = tpu.vector_load %arg19[%swap3A_1527, %swap3A_1528] {strides = array<i32>} : memref<4x128xi32, #tpu.memory_space<vmem>>, vector<1x16xi32>,
    %swap3A_1530 = vector.shape_cast %swap3A_1529 : vector<1x16xi32> to vector<16xi32>
    %swap3A_1531 = vector.shape_cast %select_n3A_1525 : vector<16xi32> to vector<1x16xi32>
    tpu.vector_store %arg19[%swap3A_1527, %swap3A_1528], %swap3A_1531 {strides = array<i32>} : memref<4x128xi32, #tpu.memory_space<vmem>>, vector<1x16xi32>,
    %get3A_1532 = arith.constant 400 : index
    %get3A_1533 = tpu.vector_load %arg11[%get3A_1532] {strides = array<i32>} : memref<512xi32, #tpu.memory_space<vmem>>, vector<16xi32>,
    %get3A_1534 = vector.shape_cast %get3A_1533 : vector<16xi32> to vector<16xi32>
    %get3A_1535 = arith.constant 400 : index
    %get3A_1536 = tpu.vector_load %arg12[%get3A_1535] {strides = array<i32>} : memref<512xi32, #tpu.memory_space<vmem>>, vector<16xi32>,
    %get3A_1537 = vector.shape_cast %get3A_1536 : vector<16xi32> to vector<16xi32>
    %add3A_1538 = arith.constant 400 : i32
    %add3A_1539 = arith.addi %mul3A_2, %add3A_1538 : i32
    %add3A_1540 = vector.broadcast %add3A_1539 : i32 to vector<16xi32>
    %add3A_1541 = arith.addi %add3A_1540, %iota3A : vector<16xi32>
    %eq3A_1542 = arith.constant 0 : i32
    %eq3A_1543 = vector.broadcast %eq3A_1542 : i32 to vector<16xi32>
    %eq3A_1544 = arith.cmpi eq, %get3A_1534, %eq3A_1543 : vector<16xi32>
    %swap3A_1545 = arith.constant 400 : index
    %swap3A_1546 = tpu.vector_load %arg14[%swap3A_1545] {strides = array<i32>} : memref<512xi32, #tpu.memory_space<vmem>>, vector<16xi32>,
    %swap3A_1547 = vector.shape_cast %swap3A_1546 : vector<16xi32> to vector<16xi32>
    %swap3A_1548 = vector.shape_cast %get3A_1537 : vector<16xi32> to vector<16xi32>
    tpu.vector_store %arg14[%swap3A_1545], %swap3A_1548 {strides = array<i32>} : memref<512xi32, #tpu.memory_space<vmem>>, vector<16xi32>,
    %add3A_1549 = arith.constant 16384 : i32
    %add3A_1550 = vector.broadcast %add3A_1549 : i32 to vector<16xi32>
    %add3A_1551 = arith.addi %add3A_1541, %add3A_1550 : vector<16xi32>
    %select_n3A_1552 = arith.select %eq3A_1544, %add3A_1541, %add3A_1551 : vector<16xi1>, vector<16xi32>
    %swap3A_1553 = arith.constant 3 : i32
    %swap3A_1554 = arith.index_cast %swap3A_1553 : i32 to index
    %swap3A_1555 = arith.constant 16 : index
    %swap3A_1556 = tpu.vector_load %arg17[%swap3A_1554, %swap3A_1555] {strides = array<i32>} : memref<4x128xi32, #tpu.memory_space<vmem>>, vector<1x16xi32>,
    %swap3A_1557 = vector.shape_cast %swap3A_1556 : vector<1x16xi32> to vector<16xi32>
    %swap3A_1558 = vector.shape_cast %select_n3A_1552 : vector<16xi32> to vector<1x16xi32>
    tpu.vector_store %arg17[%swap3A_1554, %swap3A_1555], %swap3A_1558 {strides = array<i32>} : memref<4x128xi32, #tpu.memory_space<vmem>>, vector<1x16xi32>,
    %eq3A_1559 = arith.constant 1 : i32
    %eq3A_1560 = vector.broadcast %eq3A_1559 : i32 to vector<16xi32>
    %eq3A_1561 = arith.cmpi eq, %get3A_1534, %eq3A_1560 : vector<16xi32>
    %swap3A_1562 = arith.constant 400 : index
    %swap3A_1563 = tpu.vector_load %arg15[%swap3A_1562] {strides = array<i32>} : memref<512xi32, #tpu.memory_space<vmem>>, vector<16xi32>,
    %swap3A_1564 = vector.shape_cast %swap3A_1563 : vector<16xi32> to vector<16xi32>
    %swap3A_1565 = vector.shape_cast %get3A_1537 : vector<16xi32> to vector<16xi32>
    tpu.vector_store %arg15[%swap3A_1562], %swap3A_1565 {strides = array<i32>} : memref<512xi32, #tpu.memory_space<vmem>>, vector<16xi32>,
    %add3A_1566 = arith.constant 16384 : i32
    %add3A_1567 = vector.broadcast %add3A_1566 : i32 to vector<16xi32>
    %add3A_1568 = arith.addi %add3A_1541, %add3A_1567 : vector<16xi32>
    %select_n3A_1569 = arith.select %eq3A_1561, %add3A_1541, %add3A_1568 : vector<16xi1>, vector<16xi32>
    %swap3A_1570 = arith.constant 3 : i32
    %swap3A_1571 = arith.index_cast %swap3A_1570 : i32 to index
    %swap3A_1572 = arith.constant 16 : index
    %swap3A_1573 = tpu.vector_load %arg18[%swap3A_1571, %swap3A_1572] {strides = array<i32>} : memref<4x128xi32, #tpu.memory_space<vmem>>, vector<1x16xi32>,
    %swap3A_1574 = vector.shape_cast %swap3A_1573 : vector<1x16xi32> to vector<16xi32>
    %swap3A_1575 = vector.shape_cast %select_n3A_1569 : vector<16xi32> to vector<1x16xi32>
    tpu.vector_store %arg18[%swap3A_1571, %swap3A_1572], %swap3A_1575 {strides = array<i32>} : memref<4x128xi32, #tpu.memory_space<vmem>>, vector<1x16xi32>,
    %eq3A_1576 = arith.constant 2 : i32
    %eq3A_1577 = vector.broadcast %eq3A_1576 : i32 to vector<16xi32>
    %eq3A_1578 = arith.cmpi eq, %get3A_1534, %eq3A_1577 : vector<16xi32>
    %swap3A_1579 = arith.constant 400 : index
    %swap3A_1580 = tpu.vector_load %arg16[%swap3A_1579] {strides = array<i32>} : memref<512xi32, #tpu.memory_space<vmem>>, vector<16xi32>,
    %swap3A_1581 = vector.shape_cast %swap3A_1580 : vector<16xi32> to vector<16xi32>
    %swap3A_1582 = vector.shape_cast %get3A_1537 : vector<16xi32> to vector<16xi32>
    tpu.vector_store %arg16[%swap3A_1579], %swap3A_1582 {strides = array<i32>} : memref<512xi32, #tpu.memory_space<vmem>>, vector<16xi32>,
    %add3A_1583 = arith.constant 16384 : i32
    %add3A_1584 = vector.broadcast %add3A_1583 : i32 to vector<16xi32>
    %add3A_1585 = arith.addi %add3A_1541, %add3A_1584 : vector<16xi32>
    %select_n3A_1586 = arith.select %eq3A_1578, %add3A_1541, %add3A_1585 : vector<16xi1>, vector<16xi32>
    %swap3A_1587 = arith.constant 3 : i32
    %swap3A_1588 = arith.index_cast %swap3A_1587 : i32 to index
    %swap3A_1589 = arith.constant 16 : index
    %swap3A_1590 = tpu.vector_load %arg19[%swap3A_1588, %swap3A_1589] {strides = array<i32>} : memref<4x128xi32, #tpu.memory_space<vmem>>, vector<1x16xi32>,
    %swap3A_1591 = vector.shape_cast %swap3A_1590 : vector<1x16xi32> to vector<16xi32>
    %swap3A_1592 = vector.shape_cast %select_n3A_1586 : vector<16xi32> to vector<1x16xi32>
    tpu.vector_store %arg19[%swap3A_1588, %swap3A_1589], %swap3A_1592 {strides = array<i32>} : memref<4x128xi32, #tpu.memory_space<vmem>>, vector<1x16xi32>,
    %get3A_1593 = arith.constant 416 : index
    %get3A_1594 = tpu.vector_load %arg11[%get3A_1593] {strides = array<i32>} : memref<512xi32, #tpu.memory_space<vmem>>, vector<16xi32>,
    %get3A_1595 = vector.shape_cast %get3A_1594 : vector<16xi32> to vector<16xi32>
    %get3A_1596 = arith.constant 416 : index
    %get3A_1597 = tpu.vector_load %arg12[%get3A_1596] {strides = array<i32>} : memref<512xi32, #tpu.memory_space<vmem>>, vector<16xi32>,
    %get3A_1598 = vector.shape_cast %get3A_1597 : vector<16xi32> to vector<16xi32>
    %add3A_1599 = arith.constant 416 : i32
    %add3A_1600 = arith.addi %mul3A_2, %add3A_1599 : i32
    %add3A_1601 = vector.broadcast %add3A_1600 : i32 to vector<16xi32>
    %add3A_1602 = arith.addi %add3A_1601, %iota3A : vector<16xi32>
    %eq3A_1603 = arith.constant 0 : i32
    %eq3A_1604 = vector.broadcast %eq3A_1603 : i32 to vector<16xi32>
    %eq3A_1605 = arith.cmpi eq, %get3A_1595, %eq3A_1604 : vector<16xi32>
    %swap3A_1606 = arith.constant 416 : index
    %swap3A_1607 = tpu.vector_load %arg14[%swap3A_1606] {strides = array<i32>} : memref<512xi32, #tpu.memory_space<vmem>>, vector<16xi32>,
    %swap3A_1608 = vector.shape_cast %swap3A_1607 : vector<16xi32> to vector<16xi32>
    %swap3A_1609 = vector.shape_cast %get3A_1598 : vector<16xi32> to vector<16xi32>
    tpu.vector_store %arg14[%swap3A_1606], %swap3A_1609 {strides = array<i32>} : memref<512xi32, #tpu.memory_space<vmem>>, vector<16xi32>,
    %add3A_1610 = arith.constant 16384 : i32
    %add3A_1611 = vector.broadcast %add3A_1610 : i32 to vector<16xi32>
    %add3A_1612 = arith.addi %add3A_1602, %add3A_1611 : vector<16xi32>
    %select_n3A_1613 = arith.select %eq3A_1605, %add3A_1602, %add3A_1612 : vector<16xi1>, vector<16xi32>
    %swap3A_1614 = arith.constant 3 : i32
    %swap3A_1615 = arith.index_cast %swap3A_1614 : i32 to index
    %swap3A_1616 = arith.constant 32 : index
    %swap3A_1617 = tpu.vector_load %arg17[%swap3A_1615, %swap3A_1616] {strides = array<i32>} : memref<4x128xi32, #tpu.memory_space<vmem>>, vector<1x16xi32>,
    %swap3A_1618 = vector.shape_cast %swap3A_1617 : vector<1x16xi32> to vector<16xi32>
    %swap3A_1619 = vector.shape_cast %select_n3A_1613 : vector<16xi32> to vector<1x16xi32>
    tpu.vector_store %arg17[%swap3A_1615, %swap3A_1616], %swap3A_1619 {strides = array<i32>} : memref<4x128xi32, #tpu.memory_space<vmem>>, vector<1x16xi32>,
    %eq3A_1620 = arith.constant 1 : i32
    %eq3A_1621 = vector.broadcast %eq3A_1620 : i32 to vector<16xi32>
    %eq3A_1622 = arith.cmpi eq, %get3A_1595, %eq3A_1621 : vector<16xi32>
    %swap3A_1623 = arith.constant 416 : index
    %swap3A_1624 = tpu.vector_load %arg15[%swap3A_1623] {strides = array<i32>} : memref<512xi32, #tpu.memory_space<vmem>>, vector<16xi32>,
    %swap3A_1625 = vector.shape_cast %swap3A_1624 : vector<16xi32> to vector<16xi32>
    %swap3A_1626 = vector.shape_cast %get3A_1598 : vector<16xi32> to vector<16xi32>
    tpu.vector_store %arg15[%swap3A_1623], %swap3A_1626 {strides = array<i32>} : memref<512xi32, #tpu.memory_space<vmem>>, vector<16xi32>,
    %add3A_1627 = arith.constant 16384 : i32
    %add3A_1628 = vector.broadcast %add3A_1627 : i32 to vector<16xi32>
    %add3A_1629 = arith.addi %add3A_1602, %add3A_1628 : vector<16xi32>
    %select_n3A_1630 = arith.select %eq3A_1622, %add3A_1602, %add3A_1629 : vector<16xi1>, vector<16xi32>
    %swap3A_1631 = arith.constant 3 : i32
    %swap3A_1632 = arith.index_cast %swap3A_1631 : i32 to index
    %swap3A_1633 = arith.constant 32 : index
    %swap3A_1634 = tpu.vector_load %arg18[%swap3A_1632, %swap3A_1633] {strides = array<i32>} : memref<4x128xi32, #tpu.memory_space<vmem>>, vector<1x16xi32>,
    %swap3A_1635 = vector.shape_cast %swap3A_1634 : vector<1x16xi32> to vector<16xi32>
    %swap3A_1636 = vector.shape_cast %select_n3A_1630 : vector<16xi32> to vector<1x16xi32>
    tpu.vector_store %arg18[%swap3A_1632, %swap3A_1633], %swap3A_1636 {strides = array<i32>} : memref<4x128xi32, #tpu.memory_space<vmem>>, vector<1x16xi32>,
    %eq3A_1637 = arith.constant 2 : i32
    %eq3A_1638 = vector.broadcast %eq3A_1637 : i32 to vector<16xi32>
    %eq3A_1639 = arith.cmpi eq, %get3A_1595, %eq3A_1638 : vector<16xi32>
    %swap3A_1640 = arith.constant 416 : index
    %swap3A_1641 = tpu.vector_load %arg16[%swap3A_1640] {strides = array<i32>} : memref<512xi32, #tpu.memory_space<vmem>>, vector<16xi32>,
    %swap3A_1642 = vector.shape_cast %swap3A_1641 : vector<16xi32> to vector<16xi32>
    %swap3A_1643 = vector.shape_cast %get3A_1598 : vector<16xi32> to vector<16xi32>
    tpu.vector_store %arg16[%swap3A_1640], %swap3A_1643 {strides = array<i32>} : memref<512xi32, #tpu.memory_space<vmem>>, vector<16xi32>,
    %add3A_1644 = arith.constant 16384 : i32
    %add3A_1645 = vector.broadcast %add3A_1644 : i32 to vector<16xi32>
    %add3A_1646 = arith.addi %add3A_1602, %add3A_1645 : vector<16xi32>
    %select_n3A_1647 = arith.select %eq3A_1639, %add3A_1602, %add3A_1646 : vector<16xi1>, vector<16xi32>
    %swap3A_1648 = arith.constant 3 : i32
    %swap3A_1649 = arith.index_cast %swap3A_1648 : i32 to index
    %swap3A_1650 = arith.constant 32 : index
    %swap3A_1651 = tpu.vector_load %arg19[%swap3A_1649, %swap3A_1650] {strides = array<i32>} : memref<4x128xi32, #tpu.memory_space<vmem>>, vector<1x16xi32>,
    %swap3A_1652 = vector.shape_cast %swap3A_1651 : vector<1x16xi32> to vector<16xi32>
    %swap3A_1653 = vector.shape_cast %select_n3A_1647 : vector<16xi32> to vector<1x16xi32>
    tpu.vector_store %arg19[%swap3A_1649, %swap3A_1650], %swap3A_1653 {strides = array<i32>} : memref<4x128xi32, #tpu.memory_space<vmem>>, vector<1x16xi32>,
    %get3A_1654 = arith.constant 432 : index
    %get3A_1655 = tpu.vector_load %arg11[%get3A_1654] {strides = array<i32>} : memref<512xi32, #tpu.memory_space<vmem>>, vector<16xi32>,
    %get3A_1656 = vector.shape_cast %get3A_1655 : vector<16xi32> to vector<16xi32>
    %get3A_1657 = arith.constant 432 : index
    %get3A_1658 = tpu.vector_load %arg12[%get3A_1657] {strides = array<i32>} : memref<512xi32, #tpu.memory_space<vmem>>, vector<16xi32>,
    %get3A_1659 = vector.shape_cast %get3A_1658 : vector<16xi32> to vector<16xi32>
    %add3A_1660 = arith.constant 432 : i32
    %add3A_1661 = arith.addi %mul3A_2, %add3A_1660 : i32
    %add3A_1662 = vector.broadcast %add3A_1661 : i32 to vector<16xi32>
    %add3A_1663 = arith.addi %add3A_1662, %iota3A : vector<16xi32>
    %eq3A_1664 = arith.constant 0 : i32
    %eq3A_1665 = vector.broadcast %eq3A_1664 : i32 to vector<16xi32>
    %eq3A_1666 = arith.cmpi eq, %get3A_1656, %eq3A_1665 : vector<16xi32>
    %swap3A_1667 = arith.constant 432 : index
    %swap3A_1668 = tpu.vector_load %arg14[%swap3A_1667] {strides = array<i32>} : memref<512xi32, #tpu.memory_space<vmem>>, vector<16xi32>,
    %swap3A_1669 = vector.shape_cast %swap3A_1668 : vector<16xi32> to vector<16xi32>
    %swap3A_1670 = vector.shape_cast %get3A_1659 : vector<16xi32> to vector<16xi32>
    tpu.vector_store %arg14[%swap3A_1667], %swap3A_1670 {strides = array<i32>} : memref<512xi32, #tpu.memory_space<vmem>>, vector<16xi32>,
    %add3A_1671 = arith.constant 16384 : i32
    %add3A_1672 = vector.broadcast %add3A_1671 : i32 to vector<16xi32>
    %add3A_1673 = arith.addi %add3A_1663, %add3A_1672 : vector<16xi32>
    %select_n3A_1674 = arith.select %eq3A_1666, %add3A_1663, %add3A_1673 : vector<16xi1>, vector<16xi32>
    %swap3A_1675 = arith.constant 3 : i32
    %swap3A_1676 = arith.index_cast %swap3A_1675 : i32 to index
    %swap3A_1677 = arith.constant 48 : index
    %swap3A_1678 = tpu.vector_load %arg17[%swap3A_1676, %swap3A_1677] {strides = array<i32>} : memref<4x128xi32, #tpu.memory_space<vmem>>, vector<1x16xi32>,
    %swap3A_1679 = vector.shape_cast %swap3A_1678 : vector<1x16xi32> to vector<16xi32>
    %swap3A_1680 = vector.shape_cast %select_n3A_1674 : vector<16xi32> to vector<1x16xi32>
    tpu.vector_store %arg17[%swap3A_1676, %swap3A_1677], %swap3A_1680 {strides = array<i32>} : memref<4x128xi32, #tpu.memory_space<vmem>>, vector<1x16xi32>,
    %eq3A_1681 = arith.constant 1 : i32
    %eq3A_1682 = vector.broadcast %eq3A_1681 : i32 to vector<16xi32>
    %eq3A_1683 = arith.cmpi eq, %get3A_1656, %eq3A_1682 : vector<16xi32>
    %swap3A_1684 = arith.constant 432 : index
    %swap3A_1685 = tpu.vector_load %arg15[%swap3A_1684] {strides = array<i32>} : memref<512xi32, #tpu.memory_space<vmem>>, vector<16xi32>,
    %swap3A_1686 = vector.shape_cast %swap3A_1685 : vector<16xi32> to vector<16xi32>
    %swap3A_1687 = vector.shape_cast %get3A_1659 : vector<16xi32> to vector<16xi32>
    tpu.vector_store %arg15[%swap3A_1684], %swap3A_1687 {strides = array<i32>} : memref<512xi32, #tpu.memory_space<vmem>>, vector<16xi32>,
    %add3A_1688 = arith.constant 16384 : i32
    %add3A_1689 = vector.broadcast %add3A_1688 : i32 to vector<16xi32>
    %add3A_1690 = arith.addi %add3A_1663, %add3A_1689 : vector<16xi32>
    %select_n3A_1691 = arith.select %eq3A_1683, %add3A_1663, %add3A_1690 : vector<16xi1>, vector<16xi32>
    %swap3A_1692 = arith.constant 3 : i32
    %swap3A_1693 = arith.index_cast %swap3A_1692 : i32 to index
    %swap3A_1694 = arith.constant 48 : index
    %swap3A_1695 = tpu.vector_load %arg18[%swap3A_1693, %swap3A_1694] {strides = array<i32>} : memref<4x128xi32, #tpu.memory_space<vmem>>, vector<1x16xi32>,
    %swap3A_1696 = vector.shape_cast %swap3A_1695 : vector<1x16xi32> to vector<16xi32>
    %swap3A_1697 = vector.shape_cast %select_n3A_1691 : vector<16xi32> to vector<1x16xi32>
    tpu.vector_store %arg18[%swap3A_1693, %swap3A_1694], %swap3A_1697 {strides = array<i32>} : memref<4x128xi32, #tpu.memory_space<vmem>>, vector<1x16xi32>,
    %eq3A_1698 = arith.constant 2 : i32
    %eq3A_1699 = vector.broadcast %eq3A_1698 : i32 to vector<16xi32>
    %eq3A_1700 = arith.cmpi eq, %get3A_1656, %eq3A_1699 : vector<16xi32>
    %swap3A_1701 = arith.constant 432 : index
    %swap3A_1702 = tpu.vector_load %arg16[%swap3A_1701] {strides = array<i32>} : memref<512xi32, #tpu.memory_space<vmem>>, vector<16xi32>,
    %swap3A_1703 = vector.shape_cast %swap3A_1702 : vector<16xi32> to vector<16xi32>
    %swap3A_1704 = vector.shape_cast %get3A_1659 : vector<16xi32> to vector<16xi32>
    tpu.vector_store %arg16[%swap3A_1701], %swap3A_1704 {strides = array<i32>} : memref<512xi32, #tpu.memory_space<vmem>>, vector<16xi32>,
    %add3A_1705 = arith.constant 16384 : i32
    %add3A_1706 = vector.broadcast %add3A_1705 : i32 to vector<16xi32>
    %add3A_1707 = arith.addi %add3A_1663, %add3A_1706 : vector<16xi32>
    %select_n3A_1708 = arith.select %eq3A_1700, %add3A_1663, %add3A_1707 : vector<16xi1>, vector<16xi32>
    %swap3A_1709 = arith.constant 3 : i32
    %swap3A_1710 = arith.index_cast %swap3A_1709 : i32 to index
    %swap3A_1711 = arith.constant 48 : index
    %swap3A_1712 = tpu.vector_load %arg19[%swap3A_1710, %swap3A_1711] {strides = array<i32>} : memref<4x128xi32, #tpu.memory_space<vmem>>, vector<1x16xi32>,
    %swap3A_1713 = vector.shape_cast %swap3A_1712 : vector<1x16xi32> to vector<16xi32>
    %swap3A_1714 = vector.shape_cast %select_n3A_1708 : vector<16xi32> to vector<1x16xi32>
    tpu.vector_store %arg19[%swap3A_1710, %swap3A_1711], %swap3A_1714 {strides = array<i32>} : memref<4x128xi32, #tpu.memory_space<vmem>>, vector<1x16xi32>,
    %get3A_1715 = arith.constant 448 : index
    %get3A_1716 = tpu.vector_load %arg11[%get3A_1715] {strides = array<i32>} : memref<512xi32, #tpu.memory_space<vmem>>, vector<16xi32>,
    %get3A_1717 = vector.shape_cast %get3A_1716 : vector<16xi32> to vector<16xi32>
    %get3A_1718 = arith.constant 448 : index
    %get3A_1719 = tpu.vector_load %arg12[%get3A_1718] {strides = array<i32>} : memref<512xi32, #tpu.memory_space<vmem>>, vector<16xi32>,
    %get3A_1720 = vector.shape_cast %get3A_1719 : vector<16xi32> to vector<16xi32>
    %add3A_1721 = arith.constant 448 : i32
    %add3A_1722 = arith.addi %mul3A_2, %add3A_1721 : i32
    %add3A_1723 = vector.broadcast %add3A_1722 : i32 to vector<16xi32>
    %add3A_1724 = arith.addi %add3A_1723, %iota3A : vector<16xi32>
    %eq3A_1725 = arith.constant 0 : i32
    %eq3A_1726 = vector.broadcast %eq3A_1725 : i32 to vector<16xi32>
    %eq3A_1727 = arith.cmpi eq, %get3A_1717, %eq3A_1726 : vector<16xi32>
    %swap3A_1728 = arith.constant 448 : index
    %swap3A_1729 = tpu.vector_load %arg14[%swap3A_1728] {strides = array<i32>} : memref<512xi32, #tpu.memory_space<vmem>>, vector<16xi32>,
    %swap3A_1730 = vector.shape_cast %swap3A_1729 : vector<16xi32> to vector<16xi32>
    %swap3A_1731 = vector.shape_cast %get3A_1720 : vector<16xi32> to vector<16xi32>
    tpu.vector_store %arg14[%swap3A_1728], %swap3A_1731 {strides = array<i32>} : memref<512xi32, #tpu.memory_space<vmem>>, vector<16xi32>,
    %add3A_1732 = arith.constant 16384 : i32
    %add3A_1733 = vector.broadcast %add3A_1732 : i32 to vector<16xi32>
    %add3A_1734 = arith.addi %add3A_1724, %add3A_1733 : vector<16xi32>
    %select_n3A_1735 = arith.select %eq3A_1727, %add3A_1724, %add3A_1734 : vector<16xi1>, vector<16xi32>
    %swap3A_1736 = arith.constant 3 : i32
    %swap3A_1737 = arith.index_cast %swap3A_1736 : i32 to index
    %swap3A_1738 = arith.constant 64 : index
    %swap3A_1739 = tpu.vector_load %arg17[%swap3A_1737, %swap3A_1738] {strides = array<i32>} : memref<4x128xi32, #tpu.memory_space<vmem>>, vector<1x16xi32>,
    %swap3A_1740 = vector.shape_cast %swap3A_1739 : vector<1x16xi32> to vector<16xi32>
    %swap3A_1741 = vector.shape_cast %select_n3A_1735 : vector<16xi32> to vector<1x16xi32>
    tpu.vector_store %arg17[%swap3A_1737, %swap3A_1738], %swap3A_1741 {strides = array<i32>} : memref<4x128xi32, #tpu.memory_space<vmem>>, vector<1x16xi32>,
    %eq3A_1742 = arith.constant 1 : i32
    %eq3A_1743 = vector.broadcast %eq3A_1742 : i32 to vector<16xi32>
    %eq3A_1744 = arith.cmpi eq, %get3A_1717, %eq3A_1743 : vector<16xi32>
    %swap3A_1745 = arith.constant 448 : index
    %swap3A_1746 = tpu.vector_load %arg15[%swap3A_1745] {strides = array<i32>} : memref<512xi32, #tpu.memory_space<vmem>>, vector<16xi32>,
    %swap3A_1747 = vector.shape_cast %swap3A_1746 : vector<16xi32> to vector<16xi32>
    %swap3A_1748 = vector.shape_cast %get3A_1720 : vector<16xi32> to vector<16xi32>
    tpu.vector_store %arg15[%swap3A_1745], %swap3A_1748 {strides = array<i32>} : memref<512xi32, #tpu.memory_space<vmem>>, vector<16xi32>,
    %add3A_1749 = arith.constant 16384 : i32
    %add3A_1750 = vector.broadcast %add3A_1749 : i32 to vector<16xi32>
    %add3A_1751 = arith.addi %add3A_1724, %add3A_1750 : vector<16xi32>
    %select_n3A_1752 = arith.select %eq3A_1744, %add3A_1724, %add3A_1751 : vector<16xi1>, vector<16xi32>
    %swap3A_1753 = arith.constant 3 : i32
    %swap3A_1754 = arith.index_cast %swap3A_1753 : i32 to index
    %swap3A_1755 = arith.constant 64 : index
    %swap3A_1756 = tpu.vector_load %arg18[%swap3A_1754, %swap3A_1755] {strides = array<i32>} : memref<4x128xi32, #tpu.memory_space<vmem>>, vector<1x16xi32>,
    %swap3A_1757 = vector.shape_cast %swap3A_1756 : vector<1x16xi32> to vector<16xi32>
    %swap3A_1758 = vector.shape_cast %select_n3A_1752 : vector<16xi32> to vector<1x16xi32>
    tpu.vector_store %arg18[%swap3A_1754, %swap3A_1755], %swap3A_1758 {strides = array<i32>} : memref<4x128xi32, #tpu.memory_space<vmem>>, vector<1x16xi32>,
    %eq3A_1759 = arith.constant 2 : i32
    %eq3A_1760 = vector.broadcast %eq3A_1759 : i32 to vector<16xi32>
    %eq3A_1761 = arith.cmpi eq, %get3A_1717, %eq3A_1760 : vector<16xi32>
    %swap3A_1762 = arith.constant 448 : index
    %swap3A_1763 = tpu.vector_load %arg16[%swap3A_1762] {strides = array<i32>} : memref<512xi32, #tpu.memory_space<vmem>>, vector<16xi32>,
    %swap3A_1764 = vector.shape_cast %swap3A_1763 : vector<16xi32> to vector<16xi32>
    %swap3A_1765 = vector.shape_cast %get3A_1720 : vector<16xi32> to vector<16xi32>
    tpu.vector_store %arg16[%swap3A_1762], %swap3A_1765 {strides = array<i32>} : memref<512xi32, #tpu.memory_space<vmem>>, vector<16xi32>,
    %add3A_1766 = arith.constant 16384 : i32
    %add3A_1767 = vector.broadcast %add3A_1766 : i32 to vector<16xi32>
    %add3A_1768 = arith.addi %add3A_1724, %add3A_1767 : vector<16xi32>
    %select_n3A_1769 = arith.select %eq3A_1761, %add3A_1724, %add3A_1768 : vector<16xi1>, vector<16xi32>
    %swap3A_1770 = arith.constant 3 : i32
    %swap3A_1771 = arith.index_cast %swap3A_1770 : i32 to index
    %swap3A_1772 = arith.constant 64 : index
    %swap3A_1773 = tpu.vector_load %arg19[%swap3A_1771, %swap3A_1772] {strides = array<i32>} : memref<4x128xi32, #tpu.memory_space<vmem>>, vector<1x16xi32>,
    %swap3A_1774 = vector.shape_cast %swap3A_1773 : vector<1x16xi32> to vector<16xi32>
    %swap3A_1775 = vector.shape_cast %select_n3A_1769 : vector<16xi32> to vector<1x16xi32>
    tpu.vector_store %arg19[%swap3A_1771, %swap3A_1772], %swap3A_1775 {strides = array<i32>} : memref<4x128xi32, #tpu.memory_space<vmem>>, vector<1x16xi32>,
    %get3A_1776 = arith.constant 464 : index
    %get3A_1777 = tpu.vector_load %arg11[%get3A_1776] {strides = array<i32>} : memref<512xi32, #tpu.memory_space<vmem>>, vector<16xi32>,
    %get3A_1778 = vector.shape_cast %get3A_1777 : vector<16xi32> to vector<16xi32>
    %get3A_1779 = arith.constant 464 : index
    %get3A_1780 = tpu.vector_load %arg12[%get3A_1779] {strides = array<i32>} : memref<512xi32, #tpu.memory_space<vmem>>, vector<16xi32>,
    %get3A_1781 = vector.shape_cast %get3A_1780 : vector<16xi32> to vector<16xi32>
    %add3A_1782 = arith.constant 464 : i32
    %add3A_1783 = arith.addi %mul3A_2, %add3A_1782 : i32
    %add3A_1784 = vector.broadcast %add3A_1783 : i32 to vector<16xi32>
    %add3A_1785 = arith.addi %add3A_1784, %iota3A : vector<16xi32>
    %eq3A_1786 = arith.constant 0 : i32
    %eq3A_1787 = vector.broadcast %eq3A_1786 : i32 to vector<16xi32>
    %eq3A_1788 = arith.cmpi eq, %get3A_1778, %eq3A_1787 : vector<16xi32>
    %swap3A_1789 = arith.constant 464 : index
    %swap3A_1790 = tpu.vector_load %arg14[%swap3A_1789] {strides = array<i32>} : memref<512xi32, #tpu.memory_space<vmem>>, vector<16xi32>,
    %swap3A_1791 = vector.shape_cast %swap3A_1790 : vector<16xi32> to vector<16xi32>
    %swap3A_1792 = vector.shape_cast %get3A_1781 : vector<16xi32> to vector<16xi32>
    tpu.vector_store %arg14[%swap3A_1789], %swap3A_1792 {strides = array<i32>} : memref<512xi32, #tpu.memory_space<vmem>>, vector<16xi32>,
    %add3A_1793 = arith.constant 16384 : i32
    %add3A_1794 = vector.broadcast %add3A_1793 : i32 to vector<16xi32>
    %add3A_1795 = arith.addi %add3A_1785, %add3A_1794 : vector<16xi32>
    %select_n3A_1796 = arith.select %eq3A_1788, %add3A_1785, %add3A_1795 : vector<16xi1>, vector<16xi32>
    %swap3A_1797 = arith.constant 3 : i32
    %swap3A_1798 = arith.index_cast %swap3A_1797 : i32 to index
    %swap3A_1799 = arith.constant 80 : index
    %swap3A_1800 = tpu.vector_load %arg17[%swap3A_1798, %swap3A_1799] {strides = array<i32>} : memref<4x128xi32, #tpu.memory_space<vmem>>, vector<1x16xi32>,
    %swap3A_1801 = vector.shape_cast %swap3A_1800 : vector<1x16xi32> to vector<16xi32>
    %swap3A_1802 = vector.shape_cast %select_n3A_1796 : vector<16xi32> to vector<1x16xi32>
    tpu.vector_store %arg17[%swap3A_1798, %swap3A_1799], %swap3A_1802 {strides = array<i32>} : memref<4x128xi32, #tpu.memory_space<vmem>>, vector<1x16xi32>,
    %eq3A_1803 = arith.constant 1 : i32
    %eq3A_1804 = vector.broadcast %eq3A_1803 : i32 to vector<16xi32>
    %eq3A_1805 = arith.cmpi eq, %get3A_1778, %eq3A_1804 : vector<16xi32>
    %swap3A_1806 = arith.constant 464 : index
    %swap3A_1807 = tpu.vector_load %arg15[%swap3A_1806] {strides = array<i32>} : memref<512xi32, #tpu.memory_space<vmem>>, vector<16xi32>,
    %swap3A_1808 = vector.shape_cast %swap3A_1807 : vector<16xi32> to vector<16xi32>
    %swap3A_1809 = vector.shape_cast %get3A_1781 : vector<16xi32> to vector<16xi32>
    tpu.vector_store %arg15[%swap3A_1806], %swap3A_1809 {strides = array<i32>} : memref<512xi32, #tpu.memory_space<vmem>>, vector<16xi32>,
    %add3A_1810 = arith.constant 16384 : i32
    %add3A_1811 = vector.broadcast %add3A_1810 : i32 to vector<16xi32>
    %add3A_1812 = arith.addi %add3A_1785, %add3A_1811 : vector<16xi32>
    %select_n3A_1813 = arith.select %eq3A_1805, %add3A_1785, %add3A_1812 : vector<16xi1>, vector<16xi32>
    %swap3A_1814 = arith.constant 3 : i32
    %swap3A_1815 = arith.index_cast %swap3A_1814 : i32 to index
    %swap3A_1816 = arith.constant 80 : index
    %swap3A_1817 = tpu.vector_load %arg18[%swap3A_1815, %swap3A_1816] {strides = array<i32>} : memref<4x128xi32, #tpu.memory_space<vmem>>, vector<1x16xi32>,
    %swap3A_1818 = vector.shape_cast %swap3A_1817 : vector<1x16xi32> to vector<16xi32>
    %swap3A_1819 = vector.shape_cast %select_n3A_1813 : vector<16xi32> to vector<1x16xi32>
    tpu.vector_store %arg18[%swap3A_1815, %swap3A_1816], %swap3A_1819 {strides = array<i32>} : memref<4x128xi32, #tpu.memory_space<vmem>>, vector<1x16xi32>,
    %eq3A_1820 = arith.constant 2 : i32
    %eq3A_1821 = vector.broadcast %eq3A_1820 : i32 to vector<16xi32>
    %eq3A_1822 = arith.cmpi eq, %get3A_1778, %eq3A_1821 : vector<16xi32>
    %swap3A_1823 = arith.constant 464 : index
    %swap3A_1824 = tpu.vector_load %arg16[%swap3A_1823] {strides = array<i32>} : memref<512xi32, #tpu.memory_space<vmem>>, vector<16xi32>,
    %swap3A_1825 = vector.shape_cast %swap3A_1824 : vector<16xi32> to vector<16xi32>
    %swap3A_1826 = vector.shape_cast %get3A_1781 : vector<16xi32> to vector<16xi32>
    tpu.vector_store %arg16[%swap3A_1823], %swap3A_1826 {strides = array<i32>} : memref<512xi32, #tpu.memory_space<vmem>>, vector<16xi32>,
    %add3A_1827 = arith.constant 16384 : i32
    %add3A_1828 = vector.broadcast %add3A_1827 : i32 to vector<16xi32>
    %add3A_1829 = arith.addi %add3A_1785, %add3A_1828 : vector<16xi32>
    %select_n3A_1830 = arith.select %eq3A_1822, %add3A_1785, %add3A_1829 : vector<16xi1>, vector<16xi32>
    %swap3A_1831 = arith.constant 3 : i32
    %swap3A_1832 = arith.index_cast %swap3A_1831 : i32 to index
    %swap3A_1833 = arith.constant 80 : index
    %swap3A_1834 = tpu.vector_load %arg19[%swap3A_1832, %swap3A_1833] {strides = array<i32>} : memref<4x128xi32, #tpu.memory_space<vmem>>, vector<1x16xi32>,
    %swap3A_1835 = vector.shape_cast %swap3A_1834 : vector<1x16xi32> to vector<16xi32>
    %swap3A_1836 = vector.shape_cast %select_n3A_1830 : vector<16xi32> to vector<1x16xi32>
    tpu.vector_store %arg19[%swap3A_1832, %swap3A_1833], %swap3A_1836 {strides = array<i32>} : memref<4x128xi32, #tpu.memory_space<vmem>>, vector<1x16xi32>,
    %get3A_1837 = arith.constant 480 : index
    %get3A_1838 = tpu.vector_load %arg11[%get3A_1837] {strides = array<i32>} : memref<512xi32, #tpu.memory_space<vmem>>, vector<16xi32>,
    %get3A_1839 = vector.shape_cast %get3A_1838 : vector<16xi32> to vector<16xi32>
    %get3A_1840 = arith.constant 480 : index
    %get3A_1841 = tpu.vector_load %arg12[%get3A_1840] {strides = array<i32>} : memref<512xi32, #tpu.memory_space<vmem>>, vector<16xi32>,
    %get3A_1842 = vector.shape_cast %get3A_1841 : vector<16xi32> to vector<16xi32>
    %add3A_1843 = arith.constant 480 : i32
    %add3A_1844 = arith.addi %mul3A_2, %add3A_1843 : i32
    %add3A_1845 = vector.broadcast %add3A_1844 : i32 to vector<16xi32>
    %add3A_1846 = arith.addi %add3A_1845, %iota3A : vector<16xi32>
    %eq3A_1847 = arith.constant 0 : i32
    %eq3A_1848 = vector.broadcast %eq3A_1847 : i32 to vector<16xi32>
    %eq3A_1849 = arith.cmpi eq, %get3A_1839, %eq3A_1848 : vector<16xi32>
    %swap3A_1850 = arith.constant 480 : index
    %swap3A_1851 = tpu.vector_load %arg14[%swap3A_1850] {strides = array<i32>} : memref<512xi32, #tpu.memory_space<vmem>>, vector<16xi32>,
    %swap3A_1852 = vector.shape_cast %swap3A_1851 : vector<16xi32> to vector<16xi32>
    %swap3A_1853 = vector.shape_cast %get3A_1842 : vector<16xi32> to vector<16xi32>
    tpu.vector_store %arg14[%swap3A_1850], %swap3A_1853 {strides = array<i32>} : memref<512xi32, #tpu.memory_space<vmem>>, vector<16xi32>,
    %add3A_1854 = arith.constant 16384 : i32
    %add3A_1855 = vector.broadcast %add3A_1854 : i32 to vector<16xi32>
    %add3A_1856 = arith.addi %add3A_1846, %add3A_1855 : vector<16xi32>
    %select_n3A_1857 = arith.select %eq3A_1849, %add3A_1846, %add3A_1856 : vector<16xi1>, vector<16xi32>
    %swap3A_1858 = arith.constant 3 : i32
    %swap3A_1859 = arith.index_cast %swap3A_1858 : i32 to index
    %swap3A_1860 = arith.constant 96 : index
    %swap3A_1861 = tpu.vector_load %arg17[%swap3A_1859, %swap3A_1860] {strides = array<i32>} : memref<4x128xi32, #tpu.memory_space<vmem>>, vector<1x16xi32>,
    %swap3A_1862 = vector.shape_cast %swap3A_1861 : vector<1x16xi32> to vector<16xi32>
    %swap3A_1863 = vector.shape_cast %select_n3A_1857 : vector<16xi32> to vector<1x16xi32>
    tpu.vector_store %arg17[%swap3A_1859, %swap3A_1860], %swap3A_1863 {strides = array<i32>} : memref<4x128xi32, #tpu.memory_space<vmem>>, vector<1x16xi32>,
    %eq3A_1864 = arith.constant 1 : i32
    %eq3A_1865 = vector.broadcast %eq3A_1864 : i32 to vector<16xi32>
    %eq3A_1866 = arith.cmpi eq, %get3A_1839, %eq3A_1865 : vector<16xi32>
    %swap3A_1867 = arith.constant 480 : index
    %swap3A_1868 = tpu.vector_load %arg15[%swap3A_1867] {strides = array<i32>} : memref<512xi32, #tpu.memory_space<vmem>>, vector<16xi32>,
    %swap3A_1869 = vector.shape_cast %swap3A_1868 : vector<16xi32> to vector<16xi32>
    %swap3A_1870 = vector.shape_cast %get3A_1842 : vector<16xi32> to vector<16xi32>
    tpu.vector_store %arg15[%swap3A_1867], %swap3A_1870 {strides = array<i32>} : memref<512xi32, #tpu.memory_space<vmem>>, vector<16xi32>,
    %add3A_1871 = arith.constant 16384 : i32
    %add3A_1872 = vector.broadcast %add3A_1871 : i32 to vector<16xi32>
    %add3A_1873 = arith.addi %add3A_1846, %add3A_1872 : vector<16xi32>
    %select_n3A_1874 = arith.select %eq3A_1866, %add3A_1846, %add3A_1873 : vector<16xi1>, vector<16xi32>
    %swap3A_1875 = arith.constant 3 : i32
    %swap3A_1876 = arith.index_cast %swap3A_1875 : i32 to index
    %swap3A_1877 = arith.constant 96 : index
    %swap3A_1878 = tpu.vector_load %arg18[%swap3A_1876, %swap3A_1877] {strides = array<i32>} : memref<4x128xi32, #tpu.memory_space<vmem>>, vector<1x16xi32>,
    %swap3A_1879 = vector.shape_cast %swap3A_1878 : vector<1x16xi32> to vector<16xi32>
    %swap3A_1880 = vector.shape_cast %select_n3A_1874 : vector<16xi32> to vector<1x16xi32>
    tpu.vector_store %arg18[%swap3A_1876, %swap3A_1877], %swap3A_1880 {strides = array<i32>} : memref<4x128xi32, #tpu.memory_space<vmem>>, vector<1x16xi32>,
    %eq3A_1881 = arith.constant 2 : i32
    %eq3A_1882 = vector.broadcast %eq3A_1881 : i32 to vector<16xi32>
    %eq3A_1883 = arith.cmpi eq, %get3A_1839, %eq3A_1882 : vector<16xi32>
    %swap3A_1884 = arith.constant 480 : index
    %swap3A_1885 = tpu.vector_load %arg16[%swap3A_1884] {strides = array<i32>} : memref<512xi32, #tpu.memory_space<vmem>>, vector<16xi32>,
    %swap3A_1886 = vector.shape_cast %swap3A_1885 : vector<16xi32> to vector<16xi32>
    %swap3A_1887 = vector.shape_cast %get3A_1842 : vector<16xi32> to vector<16xi32>
    tpu.vector_store %arg16[%swap3A_1884], %swap3A_1887 {strides = array<i32>} : memref<512xi32, #tpu.memory_space<vmem>>, vector<16xi32>,
    %add3A_1888 = arith.constant 16384 : i32
    %add3A_1889 = vector.broadcast %add3A_1888 : i32 to vector<16xi32>
    %add3A_1890 = arith.addi %add3A_1846, %add3A_1889 : vector<16xi32>
    %select_n3A_1891 = arith.select %eq3A_1883, %add3A_1846, %add3A_1890 : vector<16xi1>, vector<16xi32>
    %swap3A_1892 = arith.constant 3 : i32
    %swap3A_1893 = arith.index_cast %swap3A_1892 : i32 to index
    %swap3A_1894 = arith.constant 96 : index
    %swap3A_1895 = tpu.vector_load %arg19[%swap3A_1893, %swap3A_1894] {strides = array<i32>} : memref<4x128xi32, #tpu.memory_space<vmem>>, vector<1x16xi32>,
    %swap3A_1896 = vector.shape_cast %swap3A_1895 : vector<1x16xi32> to vector<16xi32>
    %swap3A_1897 = vector.shape_cast %select_n3A_1891 : vector<16xi32> to vector<1x16xi32>
    tpu.vector_store %arg19[%swap3A_1893, %swap3A_1894], %swap3A_1897 {strides = array<i32>} : memref<4x128xi32, #tpu.memory_space<vmem>>, vector<1x16xi32>,
    %get3A_1898 = arith.constant 496 : index
    %get3A_1899 = tpu.vector_load %arg11[%get3A_1898] {strides = array<i32>} : memref<512xi32, #tpu.memory_space<vmem>>, vector<16xi32>,
    %get3A_1900 = vector.shape_cast %get3A_1899 : vector<16xi32> to vector<16xi32>
    %get3A_1901 = arith.constant 496 : index
    %get3A_1902 = tpu.vector_load %arg12[%get3A_1901] {strides = array<i32>} : memref<512xi32, #tpu.memory_space<vmem>>, vector<16xi32>,
    %get3A_1903 = vector.shape_cast %get3A_1902 : vector<16xi32> to vector<16xi32>
    %add3A_1904 = arith.constant 496 : i32
    %add3A_1905 = arith.addi %mul3A_2, %add3A_1904 : i32
    %add3A_1906 = vector.broadcast %add3A_1905 : i32 to vector<16xi32>
    %add3A_1907 = arith.addi %add3A_1906, %iota3A : vector<16xi32>
    %eq3A_1908 = arith.constant 0 : i32
    %eq3A_1909 = vector.broadcast %eq3A_1908 : i32 to vector<16xi32>
    %eq3A_1910 = arith.cmpi eq, %get3A_1900, %eq3A_1909 : vector<16xi32>
    %swap3A_1911 = arith.constant 496 : index
    %swap3A_1912 = tpu.vector_load %arg14[%swap3A_1911] {strides = array<i32>} : memref<512xi32, #tpu.memory_space<vmem>>, vector<16xi32>,
    %swap3A_1913 = vector.shape_cast %swap3A_1912 : vector<16xi32> to vector<16xi32>
    %swap3A_1914 = vector.shape_cast %get3A_1903 : vector<16xi32> to vector<16xi32>
    tpu.vector_store %arg14[%swap3A_1911], %swap3A_1914 {strides = array<i32>} : memref<512xi32, #tpu.memory_space<vmem>>, vector<16xi32>,
    %add3A_1915 = arith.constant 16384 : i32
    %add3A_1916 = vector.broadcast %add3A_1915 : i32 to vector<16xi32>
    %add3A_1917 = arith.addi %add3A_1907, %add3A_1916 : vector<16xi32>
    %select_n3A_1918 = arith.select %eq3A_1910, %add3A_1907, %add3A_1917 : vector<16xi1>, vector<16xi32>
    %swap3A_1919 = arith.constant 3 : i32
    %swap3A_1920 = arith.index_cast %swap3A_1919 : i32 to index
    %swap3A_1921 = arith.constant 112 : index
    %swap3A_1922 = tpu.vector_load %arg17[%swap3A_1920, %swap3A_1921] {strides = array<i32>} : memref<4x128xi32, #tpu.memory_space<vmem>>, vector<1x16xi32>,
    %swap3A_1923 = vector.shape_cast %swap3A_1922 : vector<1x16xi32> to vector<16xi32>
    %swap3A_1924 = vector.shape_cast %select_n3A_1918 : vector<16xi32> to vector<1x16xi32>
    tpu.vector_store %arg17[%swap3A_1920, %swap3A_1921], %swap3A_1924 {strides = array<i32>} : memref<4x128xi32, #tpu.memory_space<vmem>>, vector<1x16xi32>,
    %eq3A_1925 = arith.constant 1 : i32
    %eq3A_1926 = vector.broadcast %eq3A_1925 : i32 to vector<16xi32>
    %eq3A_1927 = arith.cmpi eq, %get3A_1900, %eq3A_1926 : vector<16xi32>
    %swap3A_1928 = arith.constant 496 : index
    %swap3A_1929 = tpu.vector_load %arg15[%swap3A_1928] {strides = array<i32>} : memref<512xi32, #tpu.memory_space<vmem>>, vector<16xi32>,
    %swap3A_1930 = vector.shape_cast %swap3A_1929 : vector<16xi32> to vector<16xi32>
    %swap3A_1931 = vector.shape_cast %get3A_1903 : vector<16xi32> to vector<16xi32>
    tpu.vector_store %arg15[%swap3A_1928], %swap3A_1931 {strides = array<i32>} : memref<512xi32, #tpu.memory_space<vmem>>, vector<16xi32>,
    %add3A_1932 = arith.constant 16384 : i32
    %add3A_1933 = vector.broadcast %add3A_1932 : i32 to vector<16xi32>
    %add3A_1934 = arith.addi %add3A_1907, %add3A_1933 : vector<16xi32>
    %select_n3A_1935 = arith.select %eq3A_1927, %add3A_1907, %add3A_1934 : vector<16xi1>, vector<16xi32>
    %swap3A_1936 = arith.constant 3 : i32
    %swap3A_1937 = arith.index_cast %swap3A_1936 : i32 to index
    %swap3A_1938 = arith.constant 112 : index
    %swap3A_1939 = tpu.vector_load %arg18[%swap3A_1937, %swap3A_1938] {strides = array<i32>} : memref<4x128xi32, #tpu.memory_space<vmem>>, vector<1x16xi32>,
    %swap3A_1940 = vector.shape_cast %swap3A_1939 : vector<1x16xi32> to vector<16xi32>
    %swap3A_1941 = vector.shape_cast %select_n3A_1935 : vector<16xi32> to vector<1x16xi32>
    tpu.vector_store %arg18[%swap3A_1937, %swap3A_1938], %swap3A_1941 {strides = array<i32>} : memref<4x128xi32, #tpu.memory_space<vmem>>, vector<1x16xi32>,
    %eq3A_1942 = arith.constant 2 : i32
    %eq3A_1943 = vector.broadcast %eq3A_1942 : i32 to vector<16xi32>
    %eq3A_1944 = arith.cmpi eq, %get3A_1900, %eq3A_1943 : vector<16xi32>
    %swap3A_1945 = arith.constant 496 : index
    %swap3A_1946 = tpu.vector_load %arg16[%swap3A_1945] {strides = array<i32>} : memref<512xi32, #tpu.memory_space<vmem>>, vector<16xi32>,
    %swap3A_1947 = vector.shape_cast %swap3A_1946 : vector<16xi32> to vector<16xi32>
    %swap3A_1948 = vector.shape_cast %get3A_1903 : vector<16xi32> to vector<16xi32>
    tpu.vector_store %arg16[%swap3A_1945], %swap3A_1948 {strides = array<i32>} : memref<512xi32, #tpu.memory_space<vmem>>, vector<16xi32>,
    %add3A_1949 = arith.constant 16384 : i32
    %add3A_1950 = vector.broadcast %add3A_1949 : i32 to vector<16xi32>
    %add3A_1951 = arith.addi %add3A_1907, %add3A_1950 : vector<16xi32>
    %select_n3A_1952 = arith.select %eq3A_1944, %add3A_1907, %add3A_1951 : vector<16xi1>, vector<16xi32>
    %swap3A_1953 = arith.constant 3 : i32
    %swap3A_1954 = arith.index_cast %swap3A_1953 : i32 to index
    %swap3A_1955 = arith.constant 112 : index
    %swap3A_1956 = tpu.vector_load %arg19[%swap3A_1954, %swap3A_1955] {strides = array<i32>} : memref<4x128xi32, #tpu.memory_space<vmem>>, vector<1x16xi32>,
    %swap3A_1957 = vector.shape_cast %swap3A_1956 : vector<1x16xi32> to vector<16xi32>
    %swap3A_1958 = vector.shape_cast %select_n3A_1952 : vector<16xi32> to vector<1x16xi32>
    tpu.vector_store %arg19[%swap3A_1954, %swap3A_1955], %swap3A_1958 {strides = array<i32>} : memref<4x128xi32, #tpu.memory_space<vmem>>, vector<1x16xi32>,
    %dma_start3A_1959 = arith.constant 0 : i32
    %dma_start3A_1960 = arith.constant 0 : i32
    %dma_start3A_1961 = tpu.memref_slice %arg13[%dma_start3A_1959, %dma_start3A_1960] : memref<512x128xf32, #tpu.memory_space<vmem>> -> memref<128x128xf32, #tpu.memory_space<vmem>>
    %dma_start3A_1962 = arith.constant 0 : i32
    %dma_start3A_1963 = tpu.memref_slice %arg14[%dma_start3A_1962] : memref<512xi32, #tpu.memory_space<vmem>> -> memref<128xi32, #tpu.memory_space<vmem>>
    %dma_start3A_1964 = arith.constant 0 : i32
    %dma_start3A_1965 = arith.constant 0 : i32
    %dma_start3A_1966 = tpu.memref_slice %arg5[%dma_start3A_1964, %dma_start3A_1965] : memref<100000x128xf32, #tpu.memory_space<hbm>> -> memref<100000x128xf32, #tpu.memory_space<hbm>>
    tpu.enqueue_indirect_dma source(%dma_start3A_1966 : memref<100000x128xf32, #tpu.memory_space<hbm>>) target(%dma_start3A_1961 : memref<128x128xf32, #tpu.memory_space<vmem>>) offsets(%dma_start3A_1963 : memref<128xi32, #tpu.memory_space<vmem>>) semaphore(%arg23 : memref<!tpu.dma_semaphore, #tpu.memory_space<semaphore_mem>>)
    %dma_start3A_1967 = arith.constant 128 : i32
    %dma_start3A_1968 = arith.constant 0 : i32
    %dma_start3A_1969 = tpu.memref_slice %arg13[%dma_start3A_1967, %dma_start3A_1968] : memref<512x128xf32, #tpu.memory_space<vmem>> -> memref<128x128xf32, #tpu.memory_space<vmem>>
    %dma_start3A_1970 = arith.constant 128 : i32
    %dma_start3A_1971 = tpu.memref_slice %arg14[%dma_start3A_1970] : memref<512xi32, #tpu.memory_space<vmem>> -> memref<128xi32, #tpu.memory_space<vmem>>
    %dma_start3A_1972 = arith.constant 0 : i32
    %dma_start3A_1973 = arith.constant 0 : i32
    %dma_start3A_1974 = tpu.memref_slice %arg5[%dma_start3A_1972, %dma_start3A_1973] : memref<100000x128xf32, #tpu.memory_space<hbm>> -> memref<100000x128xf32, #tpu.memory_space<hbm>>
    tpu.enqueue_indirect_dma source(%dma_start3A_1974 : memref<100000x128xf32, #tpu.memory_space<hbm>>) target(%dma_start3A_1969 : memref<128x128xf32, #tpu.memory_space<vmem>>) offsets(%dma_start3A_1971 : memref<128xi32, #tpu.memory_space<vmem>>) semaphore(%arg24 : memref<!tpu.dma_semaphore, #tpu.memory_space<semaphore_mem>>)
    %dma_start3A_1975 = arith.constant 256 : i32
    %dma_start3A_1976 = arith.constant 0 : i32
    %dma_start3A_1977 = tpu.memref_slice %arg13[%dma_start3A_1975, %dma_start3A_1976] : memref<512x128xf32, #tpu.memory_space<vmem>> -> memref<128x128xf32, #tpu.memory_space<vmem>>
    %dma_start3A_1978 = arith.constant 256 : i32
    %dma_start3A_1979 = tpu.memref_slice %arg14[%dma_start3A_1978] : memref<512xi32, #tpu.memory_space<vmem>> -> memref<128xi32, #tpu.memory_space<vmem>>
    %dma_start3A_1980 = arith.constant 0 : i32
    %dma_start3A_1981 = arith.constant 0 : i32
    %dma_start3A_1982 = tpu.memref_slice %arg5[%dma_start3A_1980, %dma_start3A_1981] : memref<100000x128xf32, #tpu.memory_space<hbm>> -> memref<100000x128xf32, #tpu.memory_space<hbm>>
    tpu.enqueue_indirect_dma source(%dma_start3A_1982 : memref<100000x128xf32, #tpu.memory_space<hbm>>) target(%dma_start3A_1977 : memref<128x128xf32, #tpu.memory_space<vmem>>) offsets(%dma_start3A_1979 : memref<128xi32, #tpu.memory_space<vmem>>) semaphore(%arg25 : memref<!tpu.dma_semaphore, #tpu.memory_space<semaphore_mem>>)
    %dma_start3A_1983 = arith.constant 384 : i32
    %dma_start3A_1984 = arith.constant 0 : i32
    %dma_start3A_1985 = tpu.memref_slice %arg13[%dma_start3A_1983, %dma_start3A_1984] : memref<512x128xf32, #tpu.memory_space<vmem>> -> memref<128x128xf32, #tpu.memory_space<vmem>>
    %dma_start3A_1986 = arith.constant 384 : i32
    %dma_start3A_1987 = tpu.memref_slice %arg14[%dma_start3A_1986] : memref<512xi32, #tpu.memory_space<vmem>> -> memref<128xi32, #tpu.memory_space<vmem>>
    %dma_start3A_1988 = arith.constant 0 : i32
    %dma_start3A_1989 = arith.constant 0 : i32
    %dma_start3A_1990 = tpu.memref_slice %arg5[%dma_start3A_1988, %dma_start3A_1989] : memref<100000x128xf32, #tpu.memory_space<hbm>> -> memref<100000x128xf32, #tpu.memory_space<hbm>>
    tpu.enqueue_indirect_dma source(%dma_start3A_1990 : memref<100000x128xf32, #tpu.memory_space<hbm>>) target(%dma_start3A_1985 : memref<128x128xf32, #tpu.memory_space<vmem>>) offsets(%dma_start3A_1987 : memref<128xi32, #tpu.memory_space<vmem>>) semaphore(%arg26 : memref<!tpu.dma_semaphore, #tpu.memory_space<semaphore_mem>>)
    %dma_wait3A_1991 = arith.constant 0 : i32
    %dma_wait3A_1992 = arith.constant 0 : i32
    %dma_wait3A_1993 = tpu.memref_slice %arg13[%dma_wait3A_1991, %dma_wait3A_1992] : memref<512x128xf32, #tpu.memory_space<vmem>> -> memref<128x128xf32, #tpu.memory_space<vmem>>
    %dma_wait3A_1994 = arith.constant 0 : i32
    %dma_wait3A_1995 = tpu.memref_slice %arg14[%dma_wait3A_1994] : memref<512xi32, #tpu.memory_space<vmem>> -> memref<128xi32, #tpu.memory_space<vmem>>
    %dma_wait3A_1996 = arith.constant 0 : i32
    %dma_wait3A_1997 = arith.constant 0 : i32
    %dma_wait3A_1998 = tpu.memref_slice %arg5[%dma_wait3A_1996, %dma_wait3A_1997] : memref<100000x128xf32, #tpu.memory_space<hbm>> -> memref<100000x128xf32, #tpu.memory_space<hbm>>
    tpu.wait_indirect_dma semaphore(%arg23 : memref<!tpu.dma_semaphore, #tpu.memory_space<semaphore_mem>>) src(%dma_wait3A_1998 : memref<100000x128xf32, #tpu.memory_space<hbm>>) dst(%dma_wait3A_1993 : memref<128x128xf32, #tpu.memory_space<vmem>>)
    %dma_start3A_1999 = arith.constant 0 : i32
    %dma_start3A_2000 = arith.constant 0 : i32
    %dma_start3A_2001 = arith.constant 0 : i32
    %dma_start3A_2002 = tpu.memref_slice %arg13[%dma_start3A_2000, %dma_start3A_2001] : memref<512x128xf32, #tpu.memory_space<vmem>> -> memref<128x128xf32, #tpu.memory_space<vmem>>
    %dma_start3A_2003 = arith.constant 0 : i32
    %dma_start3A_2004 = tpu.memref_slice %arg17[%dma_start3A_1999, %dma_start3A_2003] : memref<4x128xi32, #tpu.memory_space<vmem>> -> memref<1x128xi32, #tpu.memory_space<vmem>>
    %dma_start3A_2005 = tpu.memref_squeeze %dma_start3A_2004 : memref<1x128xi32, #tpu.memory_space<vmem>> -> memref<128xi32, #tpu.memory_space<vmem>>
    %dma_start3A_2006 = arith.constant 0 : i32
    %dma_start3A_2007 = arith.constant 0 : i32
    %dma_start3A_2008 = tpu.memref_slice %arg9[%dma_start3A_2006, %dma_start3A_2007] : memref<32768x128xf32, #tpu.memory_space<hbm>> -> memref<32768x128xf32, #tpu.memory_space<hbm>>
    tpu.enqueue_indirect_dma source(%dma_start3A_2002 : memref<128x128xf32, #tpu.memory_space<vmem>>) target(%dma_start3A_2008 : memref<32768x128xf32, #tpu.memory_space<hbm>>) offsets(%dma_start3A_2005 : memref<128xi32, #tpu.memory_space<vmem>>) semaphore(%arg27 : memref<!tpu.dma_semaphore, #tpu.memory_space<semaphore_mem>>)
    %dma_wait3A_2009 = arith.constant 0 : i32
    %dma_wait3A_2010 = arith.constant 0 : i32
    %dma_wait3A_2011 = arith.constant 0 : i32
    %dma_wait3A_2012 = tpu.memref_slice %arg13[%dma_wait3A_2010, %dma_wait3A_2011] : memref<512x128xf32, #tpu.memory_space<vmem>> -> memref<128x128xf32, #tpu.memory_space<vmem>>
    %dma_wait3A_2013 = arith.constant 0 : i32
    %dma_wait3A_2014 = tpu.memref_slice %arg17[%dma_wait3A_2009, %dma_wait3A_2013] : memref<4x128xi32, #tpu.memory_space<vmem>> -> memref<1x128xi32, #tpu.memory_space<vmem>>
    %dma_wait3A_2015 = tpu.memref_squeeze %dma_wait3A_2014 : memref<1x128xi32, #tpu.memory_space<vmem>> -> memref<128xi32, #tpu.memory_space<vmem>>
    %dma_wait3A_2016 = arith.constant 0 : i32
    %dma_wait3A_2017 = arith.constant 0 : i32
    %dma_wait3A_2018 = tpu.memref_slice %arg9[%dma_wait3A_2016, %dma_wait3A_2017] : memref<32768x128xf32, #tpu.memory_space<hbm>> -> memref<32768x128xf32, #tpu.memory_space<hbm>>
    tpu.wait_indirect_dma semaphore(%arg27 : memref<!tpu.dma_semaphore, #tpu.memory_space<semaphore_mem>>) src(%dma_wait3A_2012 : memref<128x128xf32, #tpu.memory_space<vmem>>) dst(%dma_wait3A_2018 : memref<32768x128xf32, #tpu.memory_space<hbm>>)
    %dma_start3A_2019 = arith.constant 0 : i32
    %dma_start3A_2020 = arith.constant 0 : i32
    %dma_start3A_2021 = tpu.memref_slice %arg13[%dma_start3A_2019, %dma_start3A_2020] : memref<512x128xf32, #tpu.memory_space<vmem>> -> memref<128x128xf32, #tpu.memory_space<vmem>>
    %dma_start3A_2022 = arith.constant 0 : i32
    %dma_start3A_2023 = tpu.memref_slice %arg15[%dma_start3A_2022] : memref<512xi32, #tpu.memory_space<vmem>> -> memref<128xi32, #tpu.memory_space<vmem>>
    %dma_start3A_2024 = arith.constant 0 : i32
    %dma_start3A_2025 = arith.constant 0 : i32
    %dma_start3A_2026 = tpu.memref_slice %arg6[%dma_start3A_2024, %dma_start3A_2025] : memref<100000x128xf32, #tpu.memory_space<hbm>> -> memref<100000x128xf32, #tpu.memory_space<hbm>>
    tpu.enqueue_indirect_dma source(%dma_start3A_2026 : memref<100000x128xf32, #tpu.memory_space<hbm>>) target(%dma_start3A_2021 : memref<128x128xf32, #tpu.memory_space<vmem>>) offsets(%dma_start3A_2023 : memref<128xi32, #tpu.memory_space<vmem>>) semaphore(%arg23 : memref<!tpu.dma_semaphore, #tpu.memory_space<semaphore_mem>>)
    %dma_wait3A_2027 = arith.constant 128 : i32
    %dma_wait3A_2028 = arith.constant 0 : i32
    %dma_wait3A_2029 = tpu.memref_slice %arg13[%dma_wait3A_2027, %dma_wait3A_2028] : memref<512x128xf32, #tpu.memory_space<vmem>> -> memref<128x128xf32, #tpu.memory_space<vmem>>
    %dma_wait3A_2030 = arith.constant 128 : i32
    %dma_wait3A_2031 = tpu.memref_slice %arg14[%dma_wait3A_2030] : memref<512xi32, #tpu.memory_space<vmem>> -> memref<128xi32, #tpu.memory_space<vmem>>
    %dma_wait3A_2032 = arith.constant 0 : i32
    %dma_wait3A_2033 = arith.constant 0 : i32
    %dma_wait3A_2034 = tpu.memref_slice %arg5[%dma_wait3A_2032, %dma_wait3A_2033] : memref<100000x128xf32, #tpu.memory_space<hbm>> -> memref<100000x128xf32, #tpu.memory_space<hbm>>
    tpu.wait_indirect_dma semaphore(%arg24 : memref<!tpu.dma_semaphore, #tpu.memory_space<semaphore_mem>>) src(%dma_wait3A_2034 : memref<100000x128xf32, #tpu.memory_space<hbm>>) dst(%dma_wait3A_2029 : memref<128x128xf32, #tpu.memory_space<vmem>>)
    %dma_start3A_2035 = arith.constant 1 : i32
    %dma_start3A_2036 = arith.constant 128 : i32
    %dma_start3A_2037 = arith.constant 0 : i32
    %dma_start3A_2038 = tpu.memref_slice %arg13[%dma_start3A_2036, %dma_start3A_2037] : memref<512x128xf32, #tpu.memory_space<vmem>> -> memref<128x128xf32, #tpu.memory_space<vmem>>
    %dma_start3A_2039 = arith.constant 0 : i32
    %dma_start3A_2040 = tpu.memref_slice %arg17[%dma_start3A_2035, %dma_start3A_2039] : memref<4x128xi32, #tpu.memory_space<vmem>> -> memref<1x128xi32, #tpu.memory_space<vmem>>
    %dma_start3A_2041 = tpu.memref_squeeze %dma_start3A_2040 : memref<1x128xi32, #tpu.memory_space<vmem>> -> memref<128xi32, #tpu.memory_space<vmem>>
    %dma_start3A_2042 = arith.constant 0 : i32
    %dma_start3A_2043 = arith.constant 0 : i32
    %dma_start3A_2044 = tpu.memref_slice %arg9[%dma_start3A_2042, %dma_start3A_2043] : memref<32768x128xf32, #tpu.memory_space<hbm>> -> memref<32768x128xf32, #tpu.memory_space<hbm>>
    tpu.enqueue_indirect_dma source(%dma_start3A_2038 : memref<128x128xf32, #tpu.memory_space<vmem>>) target(%dma_start3A_2044 : memref<32768x128xf32, #tpu.memory_space<hbm>>) offsets(%dma_start3A_2041 : memref<128xi32, #tpu.memory_space<vmem>>) semaphore(%arg28 : memref<!tpu.dma_semaphore, #tpu.memory_space<semaphore_mem>>)
    %dma_wait3A_2045 = arith.constant 1 : i32
    %dma_wait3A_2046 = arith.constant 128 : i32
    %dma_wait3A_2047 = arith.constant 0 : i32
    %dma_wait3A_2048 = tpu.memref_slice %arg13[%dma_wait3A_2046, %dma_wait3A_2047] : memref<512x128xf32, #tpu.memory_space<vmem>> -> memref<128x128xf32, #tpu.memory_space<vmem>>
    %dma_wait3A_2049 = arith.constant 0 : i32
    %dma_wait3A_2050 = tpu.memref_slice %arg17[%dma_wait3A_2045, %dma_wait3A_2049] : memref<4x128xi32, #tpu.memory_space<vmem>> -> memref<1x128xi32, #tpu.memory_space<vmem>>
    %dma_wait3A_2051 = tpu.memref_squeeze %dma_wait3A_2050 : memref<1x128xi32, #tpu.memory_space<vmem>> -> memref<128xi32, #tpu.memory_space<vmem>>
    %dma_wait3A_2052 = arith.constant 0 : i32
    %dma_wait3A_2053 = arith.constant 0 : i32
    %dma_wait3A_2054 = tpu.memref_slice %arg9[%dma_wait3A_2052, %dma_wait3A_2053] : memref<32768x128xf32, #tpu.memory_space<hbm>> -> memref<32768x128xf32, #tpu.memory_space<hbm>>
    tpu.wait_indirect_dma semaphore(%arg28 : memref<!tpu.dma_semaphore, #tpu.memory_space<semaphore_mem>>) src(%dma_wait3A_2048 : memref<128x128xf32, #tpu.memory_space<vmem>>) dst(%dma_wait3A_2054 : memref<32768x128xf32, #tpu.memory_space<hbm>>)
    %dma_start3A_2055 = arith.constant 128 : i32
    %dma_start3A_2056 = arith.constant 0 : i32
    %dma_start3A_2057 = tpu.memref_slice %arg13[%dma_start3A_2055, %dma_start3A_2056] : memref<512x128xf32, #tpu.memory_space<vmem>> -> memref<128x128xf32, #tpu.memory_space<vmem>>
    %dma_start3A_2058 = arith.constant 128 : i32
    %dma_start3A_2059 = tpu.memref_slice %arg15[%dma_start3A_2058] : memref<512xi32, #tpu.memory_space<vmem>> -> memref<128xi32, #tpu.memory_space<vmem>>
    %dma_start3A_2060 = arith.constant 0 : i32
    %dma_start3A_2061 = arith.constant 0 : i32
    %dma_start3A_2062 = tpu.memref_slice %arg6[%dma_start3A_2060, %dma_start3A_2061] : memref<100000x128xf32, #tpu.memory_space<hbm>> -> memref<100000x128xf32, #tpu.memory_space<hbm>>
    tpu.enqueue_indirect_dma source(%dma_start3A_2062 : memref<100000x128xf32, #tpu.memory_space<hbm>>) target(%dma_start3A_2057 : memref<128x128xf32, #tpu.memory_space<vmem>>) offsets(%dma_start3A_2059 : memref<128xi32, #tpu.memory_space<vmem>>) semaphore(%arg24 : memref<!tpu.dma_semaphore, #tpu.memory_space<semaphore_mem>>)
    %dma_wait3A_2063 = arith.constant 256 : i32
    %dma_wait3A_2064 = arith.constant 0 : i32
    %dma_wait3A_2065 = tpu.memref_slice %arg13[%dma_wait3A_2063, %dma_wait3A_2064] : memref<512x128xf32, #tpu.memory_space<vmem>> -> memref<128x128xf32, #tpu.memory_space<vmem>>
    %dma_wait3A_2066 = arith.constant 256 : i32
    %dma_wait3A_2067 = tpu.memref_slice %arg14[%dma_wait3A_2066] : memref<512xi32, #tpu.memory_space<vmem>> -> memref<128xi32, #tpu.memory_space<vmem>>
    %dma_wait3A_2068 = arith.constant 0 : i32
    %dma_wait3A_2069 = arith.constant 0 : i32
    %dma_wait3A_2070 = tpu.memref_slice %arg5[%dma_wait3A_2068, %dma_wait3A_2069] : memref<100000x128xf32, #tpu.memory_space<hbm>> -> memref<100000x128xf32, #tpu.memory_space<hbm>>
    tpu.wait_indirect_dma semaphore(%arg25 : memref<!tpu.dma_semaphore, #tpu.memory_space<semaphore_mem>>) src(%dma_wait3A_2070 : memref<100000x128xf32, #tpu.memory_space<hbm>>) dst(%dma_wait3A_2065 : memref<128x128xf32, #tpu.memory_space<vmem>>)
    %dma_start3A_2071 = arith.constant 2 : i32
    %dma_start3A_2072 = arith.constant 256 : i32
    %dma_start3A_2073 = arith.constant 0 : i32
    %dma_start3A_2074 = tpu.memref_slice %arg13[%dma_start3A_2072, %dma_start3A_2073] : memref<512x128xf32, #tpu.memory_space<vmem>> -> memref<128x128xf32, #tpu.memory_space<vmem>>
    %dma_start3A_2075 = arith.constant 0 : i32
    %dma_start3A_2076 = tpu.memref_slice %arg17[%dma_start3A_2071, %dma_start3A_2075] : memref<4x128xi32, #tpu.memory_space<vmem>> -> memref<1x128xi32, #tpu.memory_space<vmem>>
    %dma_start3A_2077 = tpu.memref_squeeze %dma_start3A_2076 : memref<1x128xi32, #tpu.memory_space<vmem>> -> memref<128xi32, #tpu.memory_space<vmem>>
    %dma_start3A_2078 = arith.constant 0 : i32
    %dma_start3A_2079 = arith.constant 0 : i32
    %dma_start3A_2080 = tpu.memref_slice %arg9[%dma_start3A_2078, %dma_start3A_2079] : memref<32768x128xf32, #tpu.memory_space<hbm>> -> memref<32768x128xf32, #tpu.memory_space<hbm>>
    tpu.enqueue_indirect_dma source(%dma_start3A_2074 : memref<128x128xf32, #tpu.memory_space<vmem>>) target(%dma_start3A_2080 : memref<32768x128xf32, #tpu.memory_space<hbm>>) offsets(%dma_start3A_2077 : memref<128xi32, #tpu.memory_space<vmem>>) semaphore(%arg29 : memref<!tpu.dma_semaphore, #tpu.memory_space<semaphore_mem>>)
    %dma_wait3A_2081 = arith.constant 2 : i32
    %dma_wait3A_2082 = arith.constant 256 : i32
    %dma_wait3A_2083 = arith.constant 0 : i32
    %dma_wait3A_2084 = tpu.memref_slice %arg13[%dma_wait3A_2082, %dma_wait3A_2083] : memref<512x128xf32, #tpu.memory_space<vmem>> -> memref<128x128xf32, #tpu.memory_space<vmem>>
    %dma_wait3A_2085 = arith.constant 0 : i32
    %dma_wait3A_2086 = tpu.memref_slice %arg17[%dma_wait3A_2081, %dma_wait3A_2085] : memref<4x128xi32, #tpu.memory_space<vmem>> -> memref<1x128xi32, #tpu.memory_space<vmem>>
    %dma_wait3A_2087 = tpu.memref_squeeze %dma_wait3A_2086 : memref<1x128xi32, #tpu.memory_space<vmem>> -> memref<128xi32, #tpu.memory_space<vmem>>
    %dma_wait3A_2088 = arith.constant 0 : i32
    %dma_wait3A_2089 = arith.constant 0 : i32
    %dma_wait3A_2090 = tpu.memref_slice %arg9[%dma_wait3A_2088, %dma_wait3A_2089] : memref<32768x128xf32, #tpu.memory_space<hbm>> -> memref<32768x128xf32, #tpu.memory_space<hbm>>
    tpu.wait_indirect_dma semaphore(%arg29 : memref<!tpu.dma_semaphore, #tpu.memory_space<semaphore_mem>>) src(%dma_wait3A_2084 : memref<128x128xf32, #tpu.memory_space<vmem>>) dst(%dma_wait3A_2090 : memref<32768x128xf32, #tpu.memory_space<hbm>>)
    %dma_start3A_2091 = arith.constant 256 : i32
    %dma_start3A_2092 = arith.constant 0 : i32
    %dma_start3A_2093 = tpu.memref_slice %arg13[%dma_start3A_2091, %dma_start3A_2092] : memref<512x128xf32, #tpu.memory_space<vmem>> -> memref<128x128xf32, #tpu.memory_space<vmem>>
    %dma_start3A_2094 = arith.constant 256 : i32
    %dma_start3A_2095 = tpu.memref_slice %arg15[%dma_start3A_2094] : memref<512xi32, #tpu.memory_space<vmem>> -> memref<128xi32, #tpu.memory_space<vmem>>
    %dma_start3A_2096 = arith.constant 0 : i32
    %dma_start3A_2097 = arith.constant 0 : i32
    %dma_start3A_2098 = tpu.memref_slice %arg6[%dma_start3A_2096, %dma_start3A_2097] : memref<100000x128xf32, #tpu.memory_space<hbm>> -> memref<100000x128xf32, #tpu.memory_space<hbm>>
    tpu.enqueue_indirect_dma source(%dma_start3A_2098 : memref<100000x128xf32, #tpu.memory_space<hbm>>) target(%dma_start3A_2093 : memref<128x128xf32, #tpu.memory_space<vmem>>) offsets(%dma_start3A_2095 : memref<128xi32, #tpu.memory_space<vmem>>) semaphore(%arg25 : memref<!tpu.dma_semaphore, #tpu.memory_space<semaphore_mem>>)
    %dma_wait3A_2099 = arith.constant 384 : i32
    %dma_wait3A_2100 = arith.constant 0 : i32
    %dma_wait3A_2101 = tpu.memref_slice %arg13[%dma_wait3A_2099, %dma_wait3A_2100] : memref<512x128xf32, #tpu.memory_space<vmem>> -> memref<128x128xf32, #tpu.memory_space<vmem>>
    %dma_wait3A_2102 = arith.constant 384 : i32
    %dma_wait3A_2103 = tpu.memref_slice %arg14[%dma_wait3A_2102] : memref<512xi32, #tpu.memory_space<vmem>> -> memref<128xi32, #tpu.memory_space<vmem>>
    %dma_wait3A_2104 = arith.constant 0 : i32
    %dma_wait3A_2105 = arith.constant 0 : i32
    %dma_wait3A_2106 = tpu.memref_slice %arg5[%dma_wait3A_2104, %dma_wait3A_2105] : memref<100000x128xf32, #tpu.memory_space<hbm>> -> memref<100000x128xf32, #tpu.memory_space<hbm>>
    tpu.wait_indirect_dma semaphore(%arg26 : memref<!tpu.dma_semaphore, #tpu.memory_space<semaphore_mem>>) src(%dma_wait3A_2106 : memref<100000x128xf32, #tpu.memory_space<hbm>>) dst(%dma_wait3A_2101 : memref<128x128xf32, #tpu.memory_space<vmem>>)
    %dma_start3A_2107 = arith.constant 3 : i32
    %dma_start3A_2108 = arith.constant 384 : i32
    %dma_start3A_2109 = arith.constant 0 : i32
    %dma_start3A_2110 = tpu.memref_slice %arg13[%dma_start3A_2108, %dma_start3A_2109] : memref<512x128xf32, #tpu.memory_space<vmem>> -> memref<128x128xf32, #tpu.memory_space<vmem>>
    %dma_start3A_2111 = arith.constant 0 : i32
    %dma_start3A_2112 = tpu.memref_slice %arg17[%dma_start3A_2107, %dma_start3A_2111] : memref<4x128xi32, #tpu.memory_space<vmem>> -> memref<1x128xi32, #tpu.memory_space<vmem>>
    %dma_start3A_2113 = tpu.memref_squeeze %dma_start3A_2112 : memref<1x128xi32, #tpu.memory_space<vmem>> -> memref<128xi32, #tpu.memory_space<vmem>>
    %dma_start3A_2114 = arith.constant 0 : i32
    %dma_start3A_2115 = arith.constant 0 : i32
    %dma_start3A_2116 = tpu.memref_slice %arg9[%dma_start3A_2114, %dma_start3A_2115] : memref<32768x128xf32, #tpu.memory_space<hbm>> -> memref<32768x128xf32, #tpu.memory_space<hbm>>
    tpu.enqueue_indirect_dma source(%dma_start3A_2110 : memref<128x128xf32, #tpu.memory_space<vmem>>) target(%dma_start3A_2116 : memref<32768x128xf32, #tpu.memory_space<hbm>>) offsets(%dma_start3A_2113 : memref<128xi32, #tpu.memory_space<vmem>>) semaphore(%arg30 : memref<!tpu.dma_semaphore, #tpu.memory_space<semaphore_mem>>)
    %dma_wait3A_2117 = arith.constant 3 : i32
    %dma_wait3A_2118 = arith.constant 384 : i32
    %dma_wait3A_2119 = arith.constant 0 : i32
    %dma_wait3A_2120 = tpu.memref_slice %arg13[%dma_wait3A_2118, %dma_wait3A_2119] : memref<512x128xf32, #tpu.memory_space<vmem>> -> memref<128x128xf32, #tpu.memory_space<vmem>>
    %dma_wait3A_2121 = arith.constant 0 : i32
    %dma_wait3A_2122 = tpu.memref_slice %arg17[%dma_wait3A_2117, %dma_wait3A_2121] : memref<4x128xi32, #tpu.memory_space<vmem>> -> memref<1x128xi32, #tpu.memory_space<vmem>>
    %dma_wait3A_2123 = tpu.memref_squeeze %dma_wait3A_2122 : memref<1x128xi32, #tpu.memory_space<vmem>> -> memref<128xi32, #tpu.memory_space<vmem>>
    %dma_wait3A_2124 = arith.constant 0 : i32
    %dma_wait3A_2125 = arith.constant 0 : i32
    %dma_wait3A_2126 = tpu.memref_slice %arg9[%dma_wait3A_2124, %dma_wait3A_2125] : memref<32768x128xf32, #tpu.memory_space<hbm>> -> memref<32768x128xf32, #tpu.memory_space<hbm>>
    tpu.wait_indirect_dma semaphore(%arg30 : memref<!tpu.dma_semaphore, #tpu.memory_space<semaphore_mem>>) src(%dma_wait3A_2120 : memref<128x128xf32, #tpu.memory_space<vmem>>) dst(%dma_wait3A_2126 : memref<32768x128xf32, #tpu.memory_space<hbm>>)
    %dma_start3A_2127 = arith.constant 384 : i32
    %dma_start3A_2128 = arith.constant 0 : i32
    %dma_start3A_2129 = tpu.memref_slice %arg13[%dma_start3A_2127, %dma_start3A_2128] : memref<512x128xf32, #tpu.memory_space<vmem>> -> memref<128x128xf32, #tpu.memory_space<vmem>>
    %dma_start3A_2130 = arith.constant 384 : i32
    %dma_start3A_2131 = tpu.memref_slice %arg15[%dma_start3A_2130] : memref<512xi32, #tpu.memory_space<vmem>> -> memref<128xi32, #tpu.memory_space<vmem>>
    %dma_start3A_2132 = arith.constant 0 : i32
    %dma_start3A_2133 = arith.constant 0 : i32
    %dma_start3A_2134 = tpu.memref_slice %arg6[%dma_start3A_2132, %dma_start3A_2133] : memref<100000x128xf32, #tpu.memory_space<hbm>> -> memref<100000x128xf32, #tpu.memory_space<hbm>>
    tpu.enqueue_indirect_dma source(%dma_start3A_2134 : memref<100000x128xf32, #tpu.memory_space<hbm>>) target(%dma_start3A_2129 : memref<128x128xf32, #tpu.memory_space<vmem>>) offsets(%dma_start3A_2131 : memref<128xi32, #tpu.memory_space<vmem>>) semaphore(%arg26 : memref<!tpu.dma_semaphore, #tpu.memory_space<semaphore_mem>>)
    %dma_wait3A_2135 = arith.constant 0 : i32
    %dma_wait3A_2136 = arith.constant 0 : i32
    %dma_wait3A_2137 = tpu.memref_slice %arg13[%dma_wait3A_2135, %dma_wait3A_2136] : memref<512x128xf32, #tpu.memory_space<vmem>> -> memref<128x128xf32, #tpu.memory_space<vmem>>
    %dma_wait3A_2138 = arith.constant 0 : i32
    %dma_wait3A_2139 = tpu.memref_slice %arg15[%dma_wait3A_2138] : memref<512xi32, #tpu.memory_space<vmem>> -> memref<128xi32, #tpu.memory_space<vmem>>
    %dma_wait3A_2140 = arith.constant 0 : i32
    %dma_wait3A_2141 = arith.constant 0 : i32
    %dma_wait3A_2142 = tpu.memref_slice %arg6[%dma_wait3A_2140, %dma_wait3A_2141] : memref<100000x128xf32, #tpu.memory_space<hbm>> -> memref<100000x128xf32, #tpu.memory_space<hbm>>
    tpu.wait_indirect_dma semaphore(%arg23 : memref<!tpu.dma_semaphore, #tpu.memory_space<semaphore_mem>>) src(%dma_wait3A_2142 : memref<100000x128xf32, #tpu.memory_space<hbm>>) dst(%dma_wait3A_2137 : memref<128x128xf32, #tpu.memory_space<vmem>>)
    %dma_start3A_2143 = arith.constant 0 : i32
    %dma_start3A_2144 = arith.constant 0 : i32
    %dma_start3A_2145 = arith.constant 0 : i32
    %dma_start3A_2146 = tpu.memref_slice %arg13[%dma_start3A_2144, %dma_start3A_2145] : memref<512x128xf32, #tpu.memory_space<vmem>> -> memref<128x128xf32, #tpu.memory_space<vmem>>
    %dma_start3A_2147 = arith.constant 0 : i32
    %dma_start3A_2148 = tpu.memref_slice %arg18[%dma_start3A_2143, %dma_start3A_2147] : memref<4x128xi32, #tpu.memory_space<vmem>> -> memref<1x128xi32, #tpu.memory_space<vmem>>
    %dma_start3A_2149 = tpu.memref_squeeze %dma_start3A_2148 : memref<1x128xi32, #tpu.memory_space<vmem>> -> memref<128xi32, #tpu.memory_space<vmem>>
    %dma_start3A_2150 = arith.constant 0 : i32
    %dma_start3A_2151 = arith.constant 0 : i32
    %dma_start3A_2152 = tpu.memref_slice %arg9[%dma_start3A_2150, %dma_start3A_2151] : memref<32768x128xf32, #tpu.memory_space<hbm>> -> memref<32768x128xf32, #tpu.memory_space<hbm>>
    tpu.enqueue_indirect_dma source(%dma_start3A_2146 : memref<128x128xf32, #tpu.memory_space<vmem>>) target(%dma_start3A_2152 : memref<32768x128xf32, #tpu.memory_space<hbm>>) offsets(%dma_start3A_2149 : memref<128xi32, #tpu.memory_space<vmem>>) semaphore(%arg27 : memref<!tpu.dma_semaphore, #tpu.memory_space<semaphore_mem>>)
    %dma_wait3A_2153 = arith.constant 0 : i32
    %dma_wait3A_2154 = arith.constant 0 : i32
    %dma_wait3A_2155 = arith.constant 0 : i32
    %dma_wait3A_2156 = tpu.memref_slice %arg13[%dma_wait3A_2154, %dma_wait3A_2155] : memref<512x128xf32, #tpu.memory_space<vmem>> -> memref<128x128xf32, #tpu.memory_space<vmem>>
    %dma_wait3A_2157 = arith.constant 0 : i32
    %dma_wait3A_2158 = tpu.memref_slice %arg18[%dma_wait3A_2153, %dma_wait3A_2157] : memref<4x128xi32, #tpu.memory_space<vmem>> -> memref<1x128xi32, #tpu.memory_space<vmem>>
    %dma_wait3A_2159 = tpu.memref_squeeze %dma_wait3A_2158 : memref<1x128xi32, #tpu.memory_space<vmem>> -> memref<128xi32, #tpu.memory_space<vmem>>
    %dma_wait3A_2160 = arith.constant 0 : i32
    %dma_wait3A_2161 = arith.constant 0 : i32
    %dma_wait3A_2162 = tpu.memref_slice %arg9[%dma_wait3A_2160, %dma_wait3A_2161] : memref<32768x128xf32, #tpu.memory_space<hbm>> -> memref<32768x128xf32, #tpu.memory_space<hbm>>
    tpu.wait_indirect_dma semaphore(%arg27 : memref<!tpu.dma_semaphore, #tpu.memory_space<semaphore_mem>>) src(%dma_wait3A_2156 : memref<128x128xf32, #tpu.memory_space<vmem>>) dst(%dma_wait3A_2162 : memref<32768x128xf32, #tpu.memory_space<hbm>>)
    %dma_start3A_2163 = arith.constant 0 : i32
    %dma_start3A_2164 = arith.constant 0 : i32
    %dma_start3A_2165 = tpu.memref_slice %arg13[%dma_start3A_2163, %dma_start3A_2164] : memref<512x128xf32, #tpu.memory_space<vmem>> -> memref<128x128xf32, #tpu.memory_space<vmem>>
    %dma_start3A_2166 = arith.constant 0 : i32
    %dma_start3A_2167 = tpu.memref_slice %arg16[%dma_start3A_2166] : memref<512xi32, #tpu.memory_space<vmem>> -> memref<128xi32, #tpu.memory_space<vmem>>
    %dma_start3A_2168 = arith.constant 0 : i32
    %dma_start3A_2169 = arith.constant 0 : i32
    %dma_start3A_2170 = tpu.memref_slice %arg7[%dma_start3A_2168, %dma_start3A_2169] : memref<100000x128xf32, #tpu.memory_space<hbm>> -> memref<100000x128xf32, #tpu.memory_space<hbm>>
    tpu.enqueue_indirect_dma source(%dma_start3A_2170 : memref<100000x128xf32, #tpu.memory_space<hbm>>) target(%dma_start3A_2165 : memref<128x128xf32, #tpu.memory_space<vmem>>) offsets(%dma_start3A_2167 : memref<128xi32, #tpu.memory_space<vmem>>) semaphore(%arg23 : memref<!tpu.dma_semaphore, #tpu.memory_space<semaphore_mem>>)
    %dma_wait3A_2171 = arith.constant 128 : i32
    %dma_wait3A_2172 = arith.constant 0 : i32
    %dma_wait3A_2173 = tpu.memref_slice %arg13[%dma_wait3A_2171, %dma_wait3A_2172] : memref<512x128xf32, #tpu.memory_space<vmem>> -> memref<128x128xf32, #tpu.memory_space<vmem>>
    %dma_wait3A_2174 = arith.constant 128 : i32
    %dma_wait3A_2175 = tpu.memref_slice %arg15[%dma_wait3A_2174] : memref<512xi32, #tpu.memory_space<vmem>> -> memref<128xi32, #tpu.memory_space<vmem>>
    %dma_wait3A_2176 = arith.constant 0 : i32
    %dma_wait3A_2177 = arith.constant 0 : i32
    %dma_wait3A_2178 = tpu.memref_slice %arg6[%dma_wait3A_2176, %dma_wait3A_2177] : memref<100000x128xf32, #tpu.memory_space<hbm>> -> memref<100000x128xf32, #tpu.memory_space<hbm>>
    tpu.wait_indirect_dma semaphore(%arg24 : memref<!tpu.dma_semaphore, #tpu.memory_space<semaphore_mem>>) src(%dma_wait3A_2178 : memref<100000x128xf32, #tpu.memory_space<hbm>>) dst(%dma_wait3A_2173 : memref<128x128xf32, #tpu.memory_space<vmem>>)
    %dma_start3A_2179 = arith.constant 1 : i32
    %dma_start3A_2180 = arith.constant 128 : i32
    %dma_start3A_2181 = arith.constant 0 : i32
    %dma_start3A_2182 = tpu.memref_slice %arg13[%dma_start3A_2180, %dma_start3A_2181] : memref<512x128xf32, #tpu.memory_space<vmem>> -> memref<128x128xf32, #tpu.memory_space<vmem>>
    %dma_start3A_2183 = arith.constant 0 : i32
    %dma_start3A_2184 = tpu.memref_slice %arg18[%dma_start3A_2179, %dma_start3A_2183] : memref<4x128xi32, #tpu.memory_space<vmem>> -> memref<1x128xi32, #tpu.memory_space<vmem>>
    %dma_start3A_2185 = tpu.memref_squeeze %dma_start3A_2184 : memref<1x128xi32, #tpu.memory_space<vmem>> -> memref<128xi32, #tpu.memory_space<vmem>>
    %dma_start3A_2186 = arith.constant 0 : i32
    %dma_start3A_2187 = arith.constant 0 : i32
    %dma_start3A_2188 = tpu.memref_slice %arg9[%dma_start3A_2186, %dma_start3A_2187] : memref<32768x128xf32, #tpu.memory_space<hbm>> -> memref<32768x128xf32, #tpu.memory_space<hbm>>
    tpu.enqueue_indirect_dma source(%dma_start3A_2182 : memref<128x128xf32, #tpu.memory_space<vmem>>) target(%dma_start3A_2188 : memref<32768x128xf32, #tpu.memory_space<hbm>>) offsets(%dma_start3A_2185 : memref<128xi32, #tpu.memory_space<vmem>>) semaphore(%arg28 : memref<!tpu.dma_semaphore, #tpu.memory_space<semaphore_mem>>)
    %dma_wait3A_2189 = arith.constant 1 : i32
    %dma_wait3A_2190 = arith.constant 128 : i32
    %dma_wait3A_2191 = arith.constant 0 : i32
    %dma_wait3A_2192 = tpu.memref_slice %arg13[%dma_wait3A_2190, %dma_wait3A_2191] : memref<512x128xf32, #tpu.memory_space<vmem>> -> memref<128x128xf32, #tpu.memory_space<vmem>>
    %dma_wait3A_2193 = arith.constant 0 : i32
    %dma_wait3A_2194 = tpu.memref_slice %arg18[%dma_wait3A_2189, %dma_wait3A_2193] : memref<4x128xi32, #tpu.memory_space<vmem>> -> memref<1x128xi32, #tpu.memory_space<vmem>>
    %dma_wait3A_2195 = tpu.memref_squeeze %dma_wait3A_2194 : memref<1x128xi32, #tpu.memory_space<vmem>> -> memref<128xi32, #tpu.memory_space<vmem>>
    %dma_wait3A_2196 = arith.constant 0 : i32
    %dma_wait3A_2197 = arith.constant 0 : i32
    %dma_wait3A_2198 = tpu.memref_slice %arg9[%dma_wait3A_2196, %dma_wait3A_2197] : memref<32768x128xf32, #tpu.memory_space<hbm>> -> memref<32768x128xf32, #tpu.memory_space<hbm>>
    tpu.wait_indirect_dma semaphore(%arg28 : memref<!tpu.dma_semaphore, #tpu.memory_space<semaphore_mem>>) src(%dma_wait3A_2192 : memref<128x128xf32, #tpu.memory_space<vmem>>) dst(%dma_wait3A_2198 : memref<32768x128xf32, #tpu.memory_space<hbm>>)
    %dma_start3A_2199 = arith.constant 128 : i32
    %dma_start3A_2200 = arith.constant 0 : i32
    %dma_start3A_2201 = tpu.memref_slice %arg13[%dma_start3A_2199, %dma_start3A_2200] : memref<512x128xf32, #tpu.memory_space<vmem>> -> memref<128x128xf32, #tpu.memory_space<vmem>>
    %dma_start3A_2202 = arith.constant 128 : i32
    %dma_start3A_2203 = tpu.memref_slice %arg16[%dma_start3A_2202] : memref<512xi32, #tpu.memory_space<vmem>> -> memref<128xi32, #tpu.memory_space<vmem>>
    %dma_start3A_2204 = arith.constant 0 : i32
    %dma_start3A_2205 = arith.constant 0 : i32
    %dma_start3A_2206 = tpu.memref_slice %arg7[%dma_start3A_2204, %dma_start3A_2205] : memref<100000x128xf32, #tpu.memory_space<hbm>> -> memref<100000x128xf32, #tpu.memory_space<hbm>>
    tpu.enqueue_indirect_dma source(%dma_start3A_2206 : memref<100000x128xf32, #tpu.memory_space<hbm>>) target(%dma_start3A_2201 : memref<128x128xf32, #tpu.memory_space<vmem>>) offsets(%dma_start3A_2203 : memref<128xi32, #tpu.memory_space<vmem>>) semaphore(%arg24 : memref<!tpu.dma_semaphore, #tpu.memory_space<semaphore_mem>>)
    %dma_wait3A_2207 = arith.constant 256 : i32
    %dma_wait3A_2208 = arith.constant 0 : i32
    %dma_wait3A_2209 = tpu.memref_slice %arg13[%dma_wait3A_2207, %dma_wait3A_2208] : memref<512x128xf32, #tpu.memory_space<vmem>> -> memref<128x128xf32, #tpu.memory_space<vmem>>
    %dma_wait3A_2210 = arith.constant 256 : i32
    %dma_wait3A_2211 = tpu.memref_slice %arg15[%dma_wait3A_2210] : memref<512xi32, #tpu.memory_space<vmem>> -> memref<128xi32, #tpu.memory_space<vmem>>
    %dma_wait3A_2212 = arith.constant 0 : i32
    %dma_wait3A_2213 = arith.constant 0 : i32
    %dma_wait3A_2214 = tpu.memref_slice %arg6[%dma_wait3A_2212, %dma_wait3A_2213] : memref<100000x128xf32, #tpu.memory_space<hbm>> -> memref<100000x128xf32, #tpu.memory_space<hbm>>
    tpu.wait_indirect_dma semaphore(%arg25 : memref<!tpu.dma_semaphore, #tpu.memory_space<semaphore_mem>>) src(%dma_wait3A_2214 : memref<100000x128xf32, #tpu.memory_space<hbm>>) dst(%dma_wait3A_2209 : memref<128x128xf32, #tpu.memory_space<vmem>>)
    %dma_start3A_2215 = arith.constant 2 : i32
    %dma_start3A_2216 = arith.constant 256 : i32
    %dma_start3A_2217 = arith.constant 0 : i32
    %dma_start3A_2218 = tpu.memref_slice %arg13[%dma_start3A_2216, %dma_start3A_2217] : memref<512x128xf32, #tpu.memory_space<vmem>> -> memref<128x128xf32, #tpu.memory_space<vmem>>
    %dma_start3A_2219 = arith.constant 0 : i32
    %dma_start3A_2220 = tpu.memref_slice %arg18[%dma_start3A_2215, %dma_start3A_2219] : memref<4x128xi32, #tpu.memory_space<vmem>> -> memref<1x128xi32, #tpu.memory_space<vmem>>
    %dma_start3A_2221 = tpu.memref_squeeze %dma_start3A_2220 : memref<1x128xi32, #tpu.memory_space<vmem>> -> memref<128xi32, #tpu.memory_space<vmem>>
    %dma_start3A_2222 = arith.constant 0 : i32
    %dma_start3A_2223 = arith.constant 0 : i32
    %dma_start3A_2224 = tpu.memref_slice %arg9[%dma_start3A_2222, %dma_start3A_2223] : memref<32768x128xf32, #tpu.memory_space<hbm>> -> memref<32768x128xf32, #tpu.memory_space<hbm>>
    tpu.enqueue_indirect_dma source(%dma_start3A_2218 : memref<128x128xf32, #tpu.memory_space<vmem>>) target(%dma_start3A_2224 : memref<32768x128xf32, #tpu.memory_space<hbm>>) offsets(%dma_start3A_2221 : memref<128xi32, #tpu.memory_space<vmem>>) semaphore(%arg29 : memref<!tpu.dma_semaphore, #tpu.memory_space<semaphore_mem>>)
    %dma_wait3A_2225 = arith.constant 2 : i32
    %dma_wait3A_2226 = arith.constant 256 : i32
    %dma_wait3A_2227 = arith.constant 0 : i32
    %dma_wait3A_2228 = tpu.memref_slice %arg13[%dma_wait3A_2226, %dma_wait3A_2227] : memref<512x128xf32, #tpu.memory_space<vmem>> -> memref<128x128xf32, #tpu.memory_space<vmem>>
    %dma_wait3A_2229 = arith.constant 0 : i32
    %dma_wait3A_2230 = tpu.memref_slice %arg18[%dma_wait3A_2225, %dma_wait3A_2229] : memref<4x128xi32, #tpu.memory_space<vmem>> -> memref<1x128xi32, #tpu.memory_space<vmem>>
    %dma_wait3A_2231 = tpu.memref_squeeze %dma_wait3A_2230 : memref<1x128xi32, #tpu.memory_space<vmem>> -> memref<128xi32, #tpu.memory_space<vmem>>
    %dma_wait3A_2232 = arith.constant 0 : i32
    %dma_wait3A_2233 = arith.constant 0 : i32
    %dma_wait3A_2234 = tpu.memref_slice %arg9[%dma_wait3A_2232, %dma_wait3A_2233] : memref<32768x128xf32, #tpu.memory_space<hbm>> -> memref<32768x128xf32, #tpu.memory_space<hbm>>
    tpu.wait_indirect_dma semaphore(%arg29 : memref<!tpu.dma_semaphore, #tpu.memory_space<semaphore_mem>>) src(%dma_wait3A_2228 : memref<128x128xf32, #tpu.memory_space<vmem>>) dst(%dma_wait3A_2234 : memref<32768x128xf32, #tpu.memory_space<hbm>>)
    %dma_start3A_2235 = arith.constant 256 : i32
    %dma_start3A_2236 = arith.constant 0 : i32
    %dma_start3A_2237 = tpu.memref_slice %arg13[%dma_start3A_2235, %dma_start3A_2236] : memref<512x128xf32, #tpu.memory_space<vmem>> -> memref<128x128xf32, #tpu.memory_space<vmem>>
    %dma_start3A_2238 = arith.constant 256 : i32
    %dma_start3A_2239 = tpu.memref_slice %arg16[%dma_start3A_2238] : memref<512xi32, #tpu.memory_space<vmem>> -> memref<128xi32, #tpu.memory_space<vmem>>
    %dma_start3A_2240 = arith.constant 0 : i32
    %dma_start3A_2241 = arith.constant 0 : i32
    %dma_start3A_2242 = tpu.memref_slice %arg7[%dma_start3A_2240, %dma_start3A_2241] : memref<100000x128xf32, #tpu.memory_space<hbm>> -> memref<100000x128xf32, #tpu.memory_space<hbm>>
    tpu.enqueue_indirect_dma source(%dma_start3A_2242 : memref<100000x128xf32, #tpu.memory_space<hbm>>) target(%dma_start3A_2237 : memref<128x128xf32, #tpu.memory_space<vmem>>) offsets(%dma_start3A_2239 : memref<128xi32, #tpu.memory_space<vmem>>) semaphore(%arg25 : memref<!tpu.dma_semaphore, #tpu.memory_space<semaphore_mem>>)
    %dma_wait3A_2243 = arith.constant 384 : i32
    %dma_wait3A_2244 = arith.constant 0 : i32
    %dma_wait3A_2245 = tpu.memref_slice %arg13[%dma_wait3A_2243, %dma_wait3A_2244] : memref<512x128xf32, #tpu.memory_space<vmem>> -> memref<128x128xf32, #tpu.memory_space<vmem>>
    %dma_wait3A_2246 = arith.constant 384 : i32
    %dma_wait3A_2247 = tpu.memref_slice %arg15[%dma_wait3A_2246] : memref<512xi32, #tpu.memory_space<vmem>> -> memref<128xi32, #tpu.memory_space<vmem>>
    %dma_wait3A_2248 = arith.constant 0 : i32
    %dma_wait3A_2249 = arith.constant 0 : i32
    %dma_wait3A_2250 = tpu.memref_slice %arg6[%dma_wait3A_2248, %dma_wait3A_2249] : memref<100000x128xf32, #tpu.memory_space<hbm>> -> memref<100000x128xf32, #tpu.memory_space<hbm>>
    tpu.wait_indirect_dma semaphore(%arg26 : memref<!tpu.dma_semaphore, #tpu.memory_space<semaphore_mem>>) src(%dma_wait3A_2250 : memref<100000x128xf32, #tpu.memory_space<hbm>>) dst(%dma_wait3A_2245 : memref<128x128xf32, #tpu.memory_space<vmem>>)
    %dma_start3A_2251 = arith.constant 3 : i32
    %dma_start3A_2252 = arith.constant 384 : i32
    %dma_start3A_2253 = arith.constant 0 : i32
    %dma_start3A_2254 = tpu.memref_slice %arg13[%dma_start3A_2252, %dma_start3A_2253] : memref<512x128xf32, #tpu.memory_space<vmem>> -> memref<128x128xf32, #tpu.memory_space<vmem>>
    %dma_start3A_2255 = arith.constant 0 : i32
    %dma_start3A_2256 = tpu.memref_slice %arg18[%dma_start3A_2251, %dma_start3A_2255] : memref<4x128xi32, #tpu.memory_space<vmem>> -> memref<1x128xi32, #tpu.memory_space<vmem>>
    %dma_start3A_2257 = tpu.memref_squeeze %dma_start3A_2256 : memref<1x128xi32, #tpu.memory_space<vmem>> -> memref<128xi32, #tpu.memory_space<vmem>>
    %dma_start3A_2258 = arith.constant 0 : i32
    %dma_start3A_2259 = arith.constant 0 : i32
    %dma_start3A_2260 = tpu.memref_slice %arg9[%dma_start3A_2258, %dma_start3A_2259] : memref<32768x128xf32, #tpu.memory_space<hbm>> -> memref<32768x128xf32, #tpu.memory_space<hbm>>
    tpu.enqueue_indirect_dma source(%dma_start3A_2254 : memref<128x128xf32, #tpu.memory_space<vmem>>) target(%dma_start3A_2260 : memref<32768x128xf32, #tpu.memory_space<hbm>>) offsets(%dma_start3A_2257 : memref<128xi32, #tpu.memory_space<vmem>>) semaphore(%arg30 : memref<!tpu.dma_semaphore, #tpu.memory_space<semaphore_mem>>)
    %dma_wait3A_2261 = arith.constant 3 : i32
    %dma_wait3A_2262 = arith.constant 384 : i32
    %dma_wait3A_2263 = arith.constant 0 : i32
    %dma_wait3A_2264 = tpu.memref_slice %arg13[%dma_wait3A_2262, %dma_wait3A_2263] : memref<512x128xf32, #tpu.memory_space<vmem>> -> memref<128x128xf32, #tpu.memory_space<vmem>>
    %dma_wait3A_2265 = arith.constant 0 : i32
    %dma_wait3A_2266 = tpu.memref_slice %arg18[%dma_wait3A_2261, %dma_wait3A_2265] : memref<4x128xi32, #tpu.memory_space<vmem>> -> memref<1x128xi32, #tpu.memory_space<vmem>>
    %dma_wait3A_2267 = tpu.memref_squeeze %dma_wait3A_2266 : memref<1x128xi32, #tpu.memory_space<vmem>> -> memref<128xi32, #tpu.memory_space<vmem>>
    %dma_wait3A_2268 = arith.constant 0 : i32
    %dma_wait3A_2269 = arith.constant 0 : i32
    %dma_wait3A_2270 = tpu.memref_slice %arg9[%dma_wait3A_2268, %dma_wait3A_2269] : memref<32768x128xf32, #tpu.memory_space<hbm>> -> memref<32768x128xf32, #tpu.memory_space<hbm>>
    tpu.wait_indirect_dma semaphore(%arg30 : memref<!tpu.dma_semaphore, #tpu.memory_space<semaphore_mem>>) src(%dma_wait3A_2264 : memref<128x128xf32, #tpu.memory_space<vmem>>) dst(%dma_wait3A_2270 : memref<32768x128xf32, #tpu.memory_space<hbm>>)
    %dma_start3A_2271 = arith.constant 384 : i32
    %dma_start3A_2272 = arith.constant 0 : i32
    %dma_start3A_2273 = tpu.memref_slice %arg13[%dma_start3A_2271, %dma_start3A_2272] : memref<512x128xf32, #tpu.memory_space<vmem>> -> memref<128x128xf32, #tpu.memory_space<vmem>>
    %dma_start3A_2274 = arith.constant 384 : i32
    %dma_start3A_2275 = tpu.memref_slice %arg16[%dma_start3A_2274] : memref<512xi32, #tpu.memory_space<vmem>> -> memref<128xi32, #tpu.memory_space<vmem>>
    %dma_start3A_2276 = arith.constant 0 : i32
    %dma_start3A_2277 = arith.constant 0 : i32
    %dma_start3A_2278 = tpu.memref_slice %arg7[%dma_start3A_2276, %dma_start3A_2277] : memref<100000x128xf32, #tpu.memory_space<hbm>> -> memref<100000x128xf32, #tpu.memory_space<hbm>>
    tpu.enqueue_indirect_dma source(%dma_start3A_2278 : memref<100000x128xf32, #tpu.memory_space<hbm>>) target(%dma_start3A_2273 : memref<128x128xf32, #tpu.memory_space<vmem>>) offsets(%dma_start3A_2275 : memref<128xi32, #tpu.memory_space<vmem>>) semaphore(%arg26 : memref<!tpu.dma_semaphore, #tpu.memory_space<semaphore_mem>>)
    %dma_wait3A_2279 = arith.constant 0 : i32
    %dma_wait3A_2280 = arith.constant 0 : i32
    %dma_wait3A_2281 = tpu.memref_slice %arg13[%dma_wait3A_2279, %dma_wait3A_2280] : memref<512x128xf32, #tpu.memory_space<vmem>> -> memref<128x128xf32, #tpu.memory_space<vmem>>
    %dma_wait3A_2282 = arith.constant 0 : i32
    %dma_wait3A_2283 = tpu.memref_slice %arg16[%dma_wait3A_2282] : memref<512xi32, #tpu.memory_space<vmem>> -> memref<128xi32, #tpu.memory_space<vmem>>
    %dma_wait3A_2284 = arith.constant 0 : i32
    %dma_wait3A_2285 = arith.constant 0 : i32
    %dma_wait3A_2286 = tpu.memref_slice %arg7[%dma_wait3A_2284, %dma_wait3A_2285] : memref<100000x128xf32, #tpu.memory_space<hbm>> -> memref<100000x128xf32, #tpu.memory_space<hbm>>
    tpu.wait_indirect_dma semaphore(%arg23 : memref<!tpu.dma_semaphore, #tpu.memory_space<semaphore_mem>>) src(%dma_wait3A_2286 : memref<100000x128xf32, #tpu.memory_space<hbm>>) dst(%dma_wait3A_2281 : memref<128x128xf32, #tpu.memory_space<vmem>>)
    %dma_start3A_2287 = arith.constant 0 : i32
    %dma_start3A_2288 = arith.constant 0 : i32
    %dma_start3A_2289 = arith.constant 0 : i32
    %dma_start3A_2290 = tpu.memref_slice %arg13[%dma_start3A_2288, %dma_start3A_2289] : memref<512x128xf32, #tpu.memory_space<vmem>> -> memref<128x128xf32, #tpu.memory_space<vmem>>
    %dma_start3A_2291 = arith.constant 0 : i32
    %dma_start3A_2292 = tpu.memref_slice %arg19[%dma_start3A_2287, %dma_start3A_2291] : memref<4x128xi32, #tpu.memory_space<vmem>> -> memref<1x128xi32, #tpu.memory_space<vmem>>
    %dma_start3A_2293 = tpu.memref_squeeze %dma_start3A_2292 : memref<1x128xi32, #tpu.memory_space<vmem>> -> memref<128xi32, #tpu.memory_space<vmem>>
    %dma_start3A_2294 = arith.constant 0 : i32
    %dma_start3A_2295 = arith.constant 0 : i32
    %dma_start3A_2296 = tpu.memref_slice %arg9[%dma_start3A_2294, %dma_start3A_2295] : memref<32768x128xf32, #tpu.memory_space<hbm>> -> memref<32768x128xf32, #tpu.memory_space<hbm>>
    tpu.enqueue_indirect_dma source(%dma_start3A_2290 : memref<128x128xf32, #tpu.memory_space<vmem>>) target(%dma_start3A_2296 : memref<32768x128xf32, #tpu.memory_space<hbm>>) offsets(%dma_start3A_2293 : memref<128xi32, #tpu.memory_space<vmem>>) semaphore(%arg27 : memref<!tpu.dma_semaphore, #tpu.memory_space<semaphore_mem>>)
    %dma_wait3A_2297 = arith.constant 128 : i32
    %dma_wait3A_2298 = arith.constant 0 : i32
    %dma_wait3A_2299 = tpu.memref_slice %arg13[%dma_wait3A_2297, %dma_wait3A_2298] : memref<512x128xf32, #tpu.memory_space<vmem>> -> memref<128x128xf32, #tpu.memory_space<vmem>>
    %dma_wait3A_2300 = arith.constant 128 : i32
    %dma_wait3A_2301 = tpu.memref_slice %arg16[%dma_wait3A_2300] : memref<512xi32, #tpu.memory_space<vmem>> -> memref<128xi32, #tpu.memory_space<vmem>>
    %dma_wait3A_2302 = arith.constant 0 : i32
    %dma_wait3A_2303 = arith.constant 0 : i32
    %dma_wait3A_2304 = tpu.memref_slice %arg7[%dma_wait3A_2302, %dma_wait3A_2303] : memref<100000x128xf32, #tpu.memory_space<hbm>> -> memref<100000x128xf32, #tpu.memory_space<hbm>>
    tpu.wait_indirect_dma semaphore(%arg24 : memref<!tpu.dma_semaphore, #tpu.memory_space<semaphore_mem>>) src(%dma_wait3A_2304 : memref<100000x128xf32, #tpu.memory_space<hbm>>) dst(%dma_wait3A_2299 : memref<128x128xf32, #tpu.memory_space<vmem>>)
    %dma_start3A_2305 = arith.constant 1 : i32
    %dma_start3A_2306 = arith.constant 128 : i32
    %dma_start3A_2307 = arith.constant 0 : i32
    %dma_start3A_2308 = tpu.memref_slice %arg13[%dma_start3A_2306, %dma_start3A_2307] : memref<512x128xf32, #tpu.memory_space<vmem>> -> memref<128x128xf32, #tpu.memory_space<vmem>>
    %dma_start3A_2309 = arith.constant 0 : i32
    %dma_start3A_2310 = tpu.memref_slice %arg19[%dma_start3A_2305, %dma_start3A_2309] : memref<4x128xi32, #tpu.memory_space<vmem>> -> memref<1x128xi32, #tpu.memory_space<vmem>>
    %dma_start3A_2311 = tpu.memref_squeeze %dma_start3A_2310 : memref<1x128xi32, #tpu.memory_space<vmem>> -> memref<128xi32, #tpu.memory_space<vmem>>
    %dma_start3A_2312 = arith.constant 0 : i32
    %dma_start3A_2313 = arith.constant 0 : i32
    %dma_start3A_2314 = tpu.memref_slice %arg9[%dma_start3A_2312, %dma_start3A_2313] : memref<32768x128xf32, #tpu.memory_space<hbm>> -> memref<32768x128xf32, #tpu.memory_space<hbm>>
    tpu.enqueue_indirect_dma source(%dma_start3A_2308 : memref<128x128xf32, #tpu.memory_space<vmem>>) target(%dma_start3A_2314 : memref<32768x128xf32, #tpu.memory_space<hbm>>) offsets(%dma_start3A_2311 : memref<128xi32, #tpu.memory_space<vmem>>) semaphore(%arg28 : memref<!tpu.dma_semaphore, #tpu.memory_space<semaphore_mem>>)
    %dma_wait3A_2315 = arith.constant 256 : i32
    %dma_wait3A_2316 = arith.constant 0 : i32
    %dma_wait3A_2317 = tpu.memref_slice %arg13[%dma_wait3A_2315, %dma_wait3A_2316] : memref<512x128xf32, #tpu.memory_space<vmem>> -> memref<128x128xf32, #tpu.memory_space<vmem>>
    %dma_wait3A_2318 = arith.constant 256 : i32
    %dma_wait3A_2319 = tpu.memref_slice %arg16[%dma_wait3A_2318] : memref<512xi32, #tpu.memory_space<vmem>> -> memref<128xi32, #tpu.memory_space<vmem>>
    %dma_wait3A_2320 = arith.constant 0 : i32
    %dma_wait3A_2321 = arith.constant 0 : i32
    %dma_wait3A_2322 = tpu.memref_slice %arg7[%dma_wait3A_2320, %dma_wait3A_2321] : memref<100000x128xf32, #tpu.memory_space<hbm>> -> memref<100000x128xf32, #tpu.memory_space<hbm>>
    tpu.wait_indirect_dma semaphore(%arg25 : memref<!tpu.dma_semaphore, #tpu.memory_space<semaphore_mem>>) src(%dma_wait3A_2322 : memref<100000x128xf32, #tpu.memory_space<hbm>>) dst(%dma_wait3A_2317 : memref<128x128xf32, #tpu.memory_space<vmem>>)
    %dma_start3A_2323 = arith.constant 2 : i32
    %dma_start3A_2324 = arith.constant 256 : i32
    %dma_start3A_2325 = arith.constant 0 : i32
    %dma_start3A_2326 = tpu.memref_slice %arg13[%dma_start3A_2324, %dma_start3A_2325] : memref<512x128xf32, #tpu.memory_space<vmem>> -> memref<128x128xf32, #tpu.memory_space<vmem>>
    %dma_start3A_2327 = arith.constant 0 : i32
    %dma_start3A_2328 = tpu.memref_slice %arg19[%dma_start3A_2323, %dma_start3A_2327] : memref<4x128xi32, #tpu.memory_space<vmem>> -> memref<1x128xi32, #tpu.memory_space<vmem>>
    %dma_start3A_2329 = tpu.memref_squeeze %dma_start3A_2328 : memref<1x128xi32, #tpu.memory_space<vmem>> -> memref<128xi32, #tpu.memory_space<vmem>>
    %dma_start3A_2330 = arith.constant 0 : i32
    %dma_start3A_2331 = arith.constant 0 : i32
    %dma_start3A_2332 = tpu.memref_slice %arg9[%dma_start3A_2330, %dma_start3A_2331] : memref<32768x128xf32, #tpu.memory_space<hbm>> -> memref<32768x128xf32, #tpu.memory_space<hbm>>
    tpu.enqueue_indirect_dma source(%dma_start3A_2326 : memref<128x128xf32, #tpu.memory_space<vmem>>) target(%dma_start3A_2332 : memref<32768x128xf32, #tpu.memory_space<hbm>>) offsets(%dma_start3A_2329 : memref<128xi32, #tpu.memory_space<vmem>>) semaphore(%arg29 : memref<!tpu.dma_semaphore, #tpu.memory_space<semaphore_mem>>)
    %dma_wait3A_2333 = arith.constant 384 : i32
    %dma_wait3A_2334 = arith.constant 0 : i32
    %dma_wait3A_2335 = tpu.memref_slice %arg13[%dma_wait3A_2333, %dma_wait3A_2334] : memref<512x128xf32, #tpu.memory_space<vmem>> -> memref<128x128xf32, #tpu.memory_space<vmem>>
    %dma_wait3A_2336 = arith.constant 384 : i32
    %dma_wait3A_2337 = tpu.memref_slice %arg16[%dma_wait3A_2336] : memref<512xi32, #tpu.memory_space<vmem>> -> memref<128xi32, #tpu.memory_space<vmem>>
    %dma_wait3A_2338 = arith.constant 0 : i32
    %dma_wait3A_2339 = arith.constant 0 : i32
    %dma_wait3A_2340 = tpu.memref_slice %arg7[%dma_wait3A_2338, %dma_wait3A_2339] : memref<100000x128xf32, #tpu.memory_space<hbm>> -> memref<100000x128xf32, #tpu.memory_space<hbm>>
    tpu.wait_indirect_dma semaphore(%arg26 : memref<!tpu.dma_semaphore, #tpu.memory_space<semaphore_mem>>) src(%dma_wait3A_2340 : memref<100000x128xf32, #tpu.memory_space<hbm>>) dst(%dma_wait3A_2335 : memref<128x128xf32, #tpu.memory_space<vmem>>)
    %dma_start3A_2341 = arith.constant 3 : i32
    %dma_start3A_2342 = arith.constant 384 : i32
    %dma_start3A_2343 = arith.constant 0 : i32
    %dma_start3A_2344 = tpu.memref_slice %arg13[%dma_start3A_2342, %dma_start3A_2343] : memref<512x128xf32, #tpu.memory_space<vmem>> -> memref<128x128xf32, #tpu.memory_space<vmem>>
    %dma_start3A_2345 = arith.constant 0 : i32
    %dma_start3A_2346 = tpu.memref_slice %arg19[%dma_start3A_2341, %dma_start3A_2345] : memref<4x128xi32, #tpu.memory_space<vmem>> -> memref<1x128xi32, #tpu.memory_space<vmem>>
    %dma_start3A_2347 = tpu.memref_squeeze %dma_start3A_2346 : memref<1x128xi32, #tpu.memory_space<vmem>> -> memref<128xi32, #tpu.memory_space<vmem>>
    %dma_start3A_2348 = arith.constant 0 : i32
    %dma_start3A_2349 = arith.constant 0 : i32
    %dma_start3A_2350 = tpu.memref_slice %arg9[%dma_start3A_2348, %dma_start3A_2349] : memref<32768x128xf32, #tpu.memory_space<hbm>> -> memref<32768x128xf32, #tpu.memory_space<hbm>>
    tpu.enqueue_indirect_dma source(%dma_start3A_2344 : memref<128x128xf32, #tpu.memory_space<vmem>>) target(%dma_start3A_2350 : memref<32768x128xf32, #tpu.memory_space<hbm>>) offsets(%dma_start3A_2347 : memref<128xi32, #tpu.memory_space<vmem>>) semaphore(%arg30 : memref<!tpu.dma_semaphore, #tpu.memory_space<semaphore_mem>>)
    %dma_wait3A_2351 = arith.constant 0 : i32
    %dma_wait3A_2352 = arith.constant 0 : i32
    %dma_wait3A_2353 = arith.constant 0 : i32
    %dma_wait3A_2354 = tpu.memref_slice %arg13[%dma_wait3A_2352, %dma_wait3A_2353] : memref<512x128xf32, #tpu.memory_space<vmem>> -> memref<128x128xf32, #tpu.memory_space<vmem>>
    %dma_wait3A_2355 = arith.constant 0 : i32
    %dma_wait3A_2356 = tpu.memref_slice %arg19[%dma_wait3A_2351, %dma_wait3A_2355] : memref<4x128xi32, #tpu.memory_space<vmem>> -> memref<1x128xi32, #tpu.memory_space<vmem>>
    %dma_wait3A_2357 = tpu.memref_squeeze %dma_wait3A_2356 : memref<1x128xi32, #tpu.memory_space<vmem>> -> memref<128xi32, #tpu.memory_space<vmem>>
    %dma_wait3A_2358 = arith.constant 0 : i32
    %dma_wait3A_2359 = arith.constant 0 : i32
    %dma_wait3A_2360 = tpu.memref_slice %arg9[%dma_wait3A_2358, %dma_wait3A_2359] : memref<32768x128xf32, #tpu.memory_space<hbm>> -> memref<32768x128xf32, #tpu.memory_space<hbm>>
    tpu.wait_indirect_dma semaphore(%arg27 : memref<!tpu.dma_semaphore, #tpu.memory_space<semaphore_mem>>) src(%dma_wait3A_2354 : memref<128x128xf32, #tpu.memory_space<vmem>>) dst(%dma_wait3A_2360 : memref<32768x128xf32, #tpu.memory_space<hbm>>)
    %dma_wait3A_2361 = arith.constant 1 : i32
    %dma_wait3A_2362 = arith.constant 128 : i32
    %dma_wait3A_2363 = arith.constant 0 : i32
    %dma_wait3A_2364 = tpu.memref_slice %arg13[%dma_wait3A_2362, %dma_wait3A_2363] : memref<512x128xf32, #tpu.memory_space<vmem>> -> memref<128x128xf32, #tpu.memory_space<vmem>>
    %dma_wait3A_2365 = arith.constant 0 : i32
    %dma_wait3A_2366 = tpu.memref_slice %arg19[%dma_wait3A_2361, %dma_wait3A_2365] : memref<4x128xi32, #tpu.memory_space<vmem>> -> memref<1x128xi32, #tpu.memory_space<vmem>>
    %dma_wait3A_2367 = tpu.memref_squeeze %dma_wait3A_2366 : memref<1x128xi32, #tpu.memory_space<vmem>> -> memref<128xi32, #tpu.memory_space<vmem>>
    %dma_wait3A_2368 = arith.constant 0 : i32
    %dma_wait3A_2369 = arith.constant 0 : i32
    %dma_wait3A_2370 = tpu.memref_slice %arg9[%dma_wait3A_2368, %dma_wait3A_2369] : memref<32768x128xf32, #tpu.memory_space<hbm>> -> memref<32768x128xf32, #tpu.memory_space<hbm>>
    tpu.wait_indirect_dma semaphore(%arg28 : memref<!tpu.dma_semaphore, #tpu.memory_space<semaphore_mem>>) src(%dma_wait3A_2364 : memref<128x128xf32, #tpu.memory_space<vmem>>) dst(%dma_wait3A_2370 : memref<32768x128xf32, #tpu.memory_space<hbm>>)
    %dma_wait3A_2371 = arith.constant 2 : i32
    %dma_wait3A_2372 = arith.constant 256 : i32
    %dma_wait3A_2373 = arith.constant 0 : i32
    %dma_wait3A_2374 = tpu.memref_slice %arg13[%dma_wait3A_2372, %dma_wait3A_2373] : memref<512x128xf32, #tpu.memory_space<vmem>> -> memref<128x128xf32, #tpu.memory_space<vmem>>
    %dma_wait3A_2375 = arith.constant 0 : i32
    %dma_wait3A_2376 = tpu.memref_slice %arg19[%dma_wait3A_2371, %dma_wait3A_2375] : memref<4x128xi32, #tpu.memory_space<vmem>> -> memref<1x128xi32, #tpu.memory_space<vmem>>
    %dma_wait3A_2377 = tpu.memref_squeeze %dma_wait3A_2376 : memref<1x128xi32, #tpu.memory_space<vmem>> -> memref<128xi32, #tpu.memory_space<vmem>>
    %dma_wait3A_2378 = arith.constant 0 : i32
    %dma_wait3A_2379 = arith.constant 0 : i32
    %dma_wait3A_2380 = tpu.memref_slice %arg9[%dma_wait3A_2378, %dma_wait3A_2379] : memref<32768x128xf32, #tpu.memory_space<hbm>> -> memref<32768x128xf32, #tpu.memory_space<hbm>>
    tpu.wait_indirect_dma semaphore(%arg29 : memref<!tpu.dma_semaphore, #tpu.memory_space<semaphore_mem>>) src(%dma_wait3A_2374 : memref<128x128xf32, #tpu.memory_space<vmem>>) dst(%dma_wait3A_2380 : memref<32768x128xf32, #tpu.memory_space<hbm>>)
    %dma_wait3A_2381 = arith.constant 3 : i32
    %dma_wait3A_2382 = arith.constant 384 : i32
    %dma_wait3A_2383 = arith.constant 0 : i32
    %dma_wait3A_2384 = tpu.memref_slice %arg13[%dma_wait3A_2382, %dma_wait3A_2383] : memref<512x128xf32, #tpu.memory_space<vmem>> -> memref<128x128xf32, #tpu.memory_space<vmem>>
    %dma_wait3A_2385 = arith.constant 0 : i32
    %dma_wait3A_2386 = tpu.memref_slice %arg19[%dma_wait3A_2381, %dma_wait3A_2385] : memref<4x128xi32, #tpu.memory_space<vmem>> -> memref<1x128xi32, #tpu.memory_space<vmem>>
    %dma_wait3A_2387 = tpu.memref_squeeze %dma_wait3A_2386 : memref<1x128xi32, #tpu.memory_space<vmem>> -> memref<128xi32, #tpu.memory_space<vmem>>
    %dma_wait3A_2388 = arith.constant 0 : i32
    %dma_wait3A_2389 = arith.constant 0 : i32
    %dma_wait3A_2390 = tpu.memref_slice %arg9[%dma_wait3A_2388, %dma_wait3A_2389] : memref<32768x128xf32, #tpu.memory_space<hbm>> -> memref<32768x128xf32, #tpu.memory_space<hbm>>
    tpu.wait_indirect_dma semaphore(%arg30 : memref<!tpu.dma_semaphore, #tpu.memory_space<semaphore_mem>>) src(%dma_wait3A_2384 : memref<128x128xf32, #tpu.memory_space<vmem>>) dst(%dma_wait3A_2390 : memref<32768x128xf32, #tpu.memory_space<hbm>>)
    %dma_wait3A_2391 = tpu.memref_slice %arg8[%mul3A_2] : memref<16384xi32, #tpu.memory_space<hbm>> -> memref<512xi32, #tpu.memory_space<hbm>>
    %dma_wait3A_2392 = tpu.memref_slice %arg8[%mul3A_2] : memref<16384xi32, #tpu.memory_space<hbm>> -> memref<512xi32, #tpu.memory_space<hbm>>
    tpu.wait_dma2 semaphore(%arg22 : memref<!tpu.dma_semaphore, #tpu.memory_space<semaphore_mem>>) src(%arg11 : memref<512xi32, #tpu.memory_space<vmem>>) dst(%dma_wait3A_2392 : memref<512xi32, #tpu.memory_space<hbm>>)
    return
  }
}

module attributes {stable_mosaic.version = 14 : i64} {
  func.func @_tc_project_body(%arg0: i32, %arg1: memref<4096x1xbf16, #tpu.memory_space<vmem>>, %arg2: memref<4096x128xf32, #tpu.memory_space<vmem>>, %arg3: memref<256x192xbf16, #tpu.memory_space<vmem>>, %arg4: memref<4096x64xf32, #tpu.memory_space<vmem>>) attributes {dimension_semantics = [#tpu.dimension_semantics<arbitrary>], iteration_bounds = array<i64: 4>, scalar_prefetch = 0 : i64, scratch_operands = 0 : i64, tpu.core_type = #tpu.core_type<tc>, window_params = [{transform_indices = @transform_0, window_bounds = array<i64: 4096, 1>}, {transform_indices = @transform_1, window_bounds = array<i64: 4096, 128>}, {pipeline_mode = #tpu.pipeline_mode<synchronous>, transform_indices = @transform_2, window_bounds = array<i64: 256, 192>}, {transform_indices = @transform_3, window_bounds = array<i64: 4096, 64>}]} {
    %get3A = arith.constant 0 : index
    %get3A_0 = arith.constant 0 : index
    %get3A_1 = vector.load %arg1[%get3A, %get3A_0] : memref<4096x1xbf16, #tpu.memory_space<vmem>>, vector<4096x1xbf16>
    %convert_element_type3A = arith.fptosi %get3A_1 : vector<4096x1xbf16> to vector<4096x1xi32>
    %get3A_2 = arith.constant 0 : index
    %get3A_3 = arith.constant 0 : index
    %get3A_4 = vector.load %arg2[%get3A_2, %get3A_3] : memref<4096x128xf32, #tpu.memory_space<vmem>>, vector<4096x128xf32>
    %convert_element_type3A_5 = arith.truncf %get3A_4 : vector<4096x128xf32> to vector<4096x128xbf16>
    %broadcast_in_dim3A = arith.constant 1.000000e+00 : bf16
    %broadcast_in_dim3A_6 = vector.broadcast %broadcast_in_dim3A : bf16 to vector<4096x128xbf16>
    %concatenate3A = tpu.concatenate %convert_element_type3A_5, %broadcast_in_dim3A_6 in 1 : vector<4096x128xbf16>, vector<4096x128xbf16> -> vector<4096x256xbf16>
    %get3A_7 = arith.constant 0 : index
    %get3A_8 = arith.constant 0 : index
    %get3A_9 = vector.load %arg3[%get3A_7, %get3A_8] : memref<256x192xbf16, #tpu.memory_space<vmem>>, vector<256x192xbf16>
    %dot_general3A = arith.constant dense<0.000000e+00> : vector<4096x192xf32>
    %dot_general3A_10 = tpu.matmul %concatenate3A, %get3A_9, %dot_general3A {dimension_numbers = #tpu.dot_dimension_numbers<[1], [0], [0], [1], [0, 0, 1, 1], [], []>, transpose_lhs_hint = false} : vector<4096x256xbf16>, vector<256x192xbf16>, vector<4096x192xf32> -> vector<4096x192xf32>
    %iota3A = tpu.iota {dimensions = array<i32: 1>} : vector<4096x64xi32>
    %eq3A = vector.broadcast %convert_element_type3A : vector<4096x1xi32> to vector<4096x64xi32>
    %eq3A_11 = arith.cmpi eq, %iota3A, %eq3A : vector<4096x64xi32>
    %convert_element_type3A_12 = arith.extui %eq3A_11 : vector<4096x64xi1> to vector<4096x64xi32>
    %convert_element_type3A_13 = arith.sitofp %convert_element_type3A_12 : vector<4096x64xi32> to vector<4096x64xf32>
    %eq3A_14 = arith.constant 0 : i32
    %eq3A_15 = vector.broadcast %eq3A_14 : i32 to vector<4096x1xi32>
    %eq3A_16 = arith.cmpi eq, %convert_element_type3A, %eq3A_15 : vector<4096x1xi32>
    %slice3A = vector.extract_strided_slice %dot_general3A_10 {offsets = [0, 0], sizes = [4096, 64], strides = [1, 1]} : vector<4096x192xf32> to vector<4096x64xf32>
    %jit3A = arith.constant 0.000000e+00 : f32
    %broadcast_in_dim3A_17 = vector.shape_cast %eq3A_16 : vector<4096x1xi1> to vector<4096x1xi1>
    %broadcast_in_dim3A_18 = vector.broadcast %broadcast_in_dim3A_17 : vector<4096x1xi1> to vector<4096x64xi1>
    %broadcast_in_dim3A_19 = vector.broadcast %jit3A : f32 to vector<4096x64xf32>
    %select_n3A = arith.select %broadcast_in_dim3A_18, %slice3A, %broadcast_in_dim3A_19 : vector<4096x64xi1>, vector<4096x64xf32>
    %add3A = arith.addf %convert_element_type3A_13, %select_n3A : vector<4096x64xf32>
    %eq3A_20 = arith.constant 1 : i32
    %eq3A_21 = vector.broadcast %eq3A_20 : i32 to vector<4096x1xi32>
    %eq3A_22 = arith.cmpi eq, %convert_element_type3A, %eq3A_21 : vector<4096x1xi32>
    %slice3A_23 = vector.extract_strided_slice %dot_general3A_10 {offsets = [0, 64], sizes = [4096, 64], strides = [1, 1]} : vector<4096x192xf32> to vector<4096x64xf32>
    %jit3A_24 = arith.constant 0.000000e+00 : f32
    %broadcast_in_dim3A_25 = vector.shape_cast %eq3A_22 : vector<4096x1xi1> to vector<4096x1xi1>
    %broadcast_in_dim3A_26 = vector.broadcast %broadcast_in_dim3A_25 : vector<4096x1xi1> to vector<4096x64xi1>
    %broadcast_in_dim3A_27 = vector.broadcast %jit3A_24 : f32 to vector<4096x64xf32>
    %select_n3A_28 = arith.select %broadcast_in_dim3A_26, %slice3A_23, %broadcast_in_dim3A_27 : vector<4096x64xi1>, vector<4096x64xf32>
    %add3A_29 = arith.addf %add3A, %select_n3A_28 : vector<4096x64xf32>
    %eq3A_30 = arith.constant 2 : i32
    %eq3A_31 = vector.broadcast %eq3A_30 : i32 to vector<4096x1xi32>
    %eq3A_32 = arith.cmpi eq, %convert_element_type3A, %eq3A_31 : vector<4096x1xi32>
    %slice3A_33 = vector.extract_strided_slice %dot_general3A_10 {offsets = [0, 128], sizes = [4096, 64], strides = [1, 1]} : vector<4096x192xf32> to vector<4096x64xf32>
    %jit3A_34 = arith.constant 0.000000e+00 : f32
    %broadcast_in_dim3A_35 = vector.shape_cast %eq3A_32 : vector<4096x1xi1> to vector<4096x1xi1>
    %broadcast_in_dim3A_36 = vector.broadcast %broadcast_in_dim3A_35 : vector<4096x1xi1> to vector<4096x64xi1>
    %broadcast_in_dim3A_37 = vector.broadcast %jit3A_34 : f32 to vector<4096x64xf32>
    %select_n3A_38 = arith.select %broadcast_in_dim3A_36, %slice3A_33, %broadcast_in_dim3A_37 : vector<4096x64xi1>, vector<4096x64xf32>
    %add3A_39 = arith.addf %add3A_29, %select_n3A_38 : vector<4096x64xf32>
    %swap3A = arith.constant 0 : index
    %swap3A_40 = arith.constant 0 : index
    %swap3A_41 = vector.load %arg4[%swap3A, %swap3A_40] : memref<4096x64xf32, #tpu.memory_space<vmem>>, vector<4096x64xf32>
    tpu.vector_store %arg4[%swap3A, %swap3A_40], %add3A_39 {strides = array<i32>} : memref<4096x64xf32, #tpu.memory_space<vmem>>, vector<4096x64xf32>,
    return
  }
  func.func @transform_0(%arg0: i32) -> (i32, i32) {
    %c0_i32 = arith.constant 0 : i32
    %c0_i32_0 = arith.constant 0 : i32
    return %arg0, %c0_i32 : i32, i32
  }
  func.func @transform_1(%arg0: i32) -> (i32, i32) {
    %c0_i32 = arith.constant 0 : i32
    %c0_i32_0 = arith.constant 0 : i32
    return %arg0, %c0_i32 : i32, i32
  }
  func.func @transform_2(%arg0: i32) -> (i32, i32) {
    %c0_i32 = arith.constant 0 : i32
    %c0_i32_0 = arith.constant 0 : i32
    %c0_i32_1 = arith.constant 0 : i32
    return %c0_i32, %c0_i32_0 : i32, i32
  }
  func.func @transform_3(%arg0: i32) -> (i32, i32) {
    %c0_i32 = arith.constant 0 : i32
    %c0_i32_0 = arith.constant 0 : i32
    return %arg0, %c0_i32 : i32, i32
  }
}

</mosaic_0001>

<sc_bundles>
// kernel: kernel.4.cloned.1.call-start
scs
__scs_entry_jumppad:
0x0: {  	(pc) =	sbr.rel $0x88, $3  }
0x1: {  	(tag) =	ssettag $0x0;
	lr =	simm.s32 $0x1  }
0x2: {  	[smem:$0x3F95] =	sst lr;
	_ =	strace $0xD0000000  }
0x3: {  	_ = 	snop  }
0x4: {  	_ = 	snop  }
0x5: {  	_ = 	snop  }
0x6: {  	_ = 	snop  }
0x7: {  	_ = 	snop  }
__scs_overlays_trampoline_lowered:
0x8: {  	[smem:$0x3FA4] =	sst s0  }
0x9: {  	[smem:$0x3FA5] =	sst s1  }
0xa: {  	[smem:$0x3FA6] =	sst s2  }
0xb: {  	[smem:$0x3FA7] =	sst s3  }
0xc: {  	[smem:$0x3FA8] =	sst s4  }
0xd: {  	[smem:$0x3FA9] =	sst s5  }
0xe: {  	[smem:$0x3FAA] =	sst s6  }
0xf: {  	[smem:$0x3FAB] =	sst s7  }
0x10: {  	[smem:$0x3FAC] =	sst s8  }
0x11: {  	[smem:$0x3FAD] =	sst s9;
	s0 =	simm.s32 @!p0 $0x0  }
0x12: {  	s1 =	sld [smem:$0x3F93];
	s0 =	simm.s32 @p0 $0x1  }
0x13: {  	[smem:$0x3FAE] =	sst s0;
	s0 =	simm.s32 @!p1 $0x0  }
0x14: {  	s2 =	sld [smem:$0x3F92];
	s0 =	simm.s32 @p1 $0x1  }
0x15: {  	[smem:$0x3FAF] =	sst s0;
	s0 =	simm.s32 @!p2 $0x0  }
0x16: {  	s3 =	sld [smem:$0x3FDB];
	s0 =	simm.s32 @p2 $0x1  }
0x17: {  	s4 =	simm.s32 $0x1BF5;
	[smem:$0x3FB1] =	sst s0  }
0x18: {  	s0 =	sld [smem:$0x3F94];
	_ =	swait.ge [sflag:s4], $0x0  }
0x19: {  	s7 =	sld [smem:$0x3F95]  }
0x1a: {  	s8 =	sadd.s32 $0xFFFFE003, lr  }
0x1b: {  	s9 =	sadd.s32 $0xFFFFFEF7, lr;
	s5 =	simm.s32 $0xFFFFFFFF;
	p2 =	slt.u32 s8, $0xFFFFF086  }
0x1c: {  	p1 =	slt.u32 s9, $0xF7A;
	s5 =	simm.s32 @!p2 $0x0  }
0x1d: {  	s5 =	simm.s32 @p1 $0x1;
	p0 =	seq.s32 s7, s2  }
0x1e: {  	s7 =	smul.u32 @!p0 $0xF7A, s2;
	p2 =	seq.s32 @!p0 s5, $0x0  }
0x1f: {  	s9 =	smul.u32 $0xF7A, s1;
	s8 =	simm.s32 @!p0 $0x1BF5;
	p2 =	por !p2, p0  }
0x20: {  	[sflag:s8] =	ssyncset.s32 @!p0 $0xFFFFF086;
	s6 =	sadd.s32 @!p0 s3, s7;
	s7 =	simm.s32 @!p0 $0x108  }
0x21: {  	s3 =	sadd.s32 s3, s9;
	s6 =	sadd.s32 @!p0 $0x88, s6;
	s7 =	simm.s32 @p2 $0x1082  }
0x22: {  	[simem:s7], [sflag:s8] =	dma.local @!p0 [hbm:s6], $0xF7A  }
0x23: {  	s9 =	sor.u32 $0xD0000000, s2;
	s6 =	simm.s32 $0x108;
	_ =	swait.ge @!p0 [sflag:s8], $0x0  }
0x24: {  	s3 =	sadd.s32 $0x88, s3;
	s6 =	simm.s32 @!p1 $0x1082;
	[sflag:s4] =	ssyncset.s32 $0xFFFFF086  }
0x25: {  	[simem:s6], [sflag:s4] =	dma.local [hbm:s3], $0xF7A  }
0x26: {  	[smem:$0x3F95] =	sst s1;
	(tag) =	ssettag s2;
	_ =	strace s9  }
0x27: {  	s1 =	sld [smem:$0x3FA5]  }
0x28: {  	s2 =	sld [smem:$0x3FA6]  }
0x29: {  	s4 =	sld [smem:$0x3FA8]  }
0x2a: {  	p0 =	seq.s32 s5, $0x0;
	s5 =	sld [smem:$0x3FA9]  }
0x2b: {  	s6 =	sld [smem:$0x3FAA]  }
0x2c: {  	s7 =	sld [smem:$0x3FAB]  }
0x2d: {  	s3 =	simm.s32 $0x108;
	s8 =	sld [smem:$0x3FAC]  }
0x2e: {  	s3 =	simm.s32 @!p0 $0x1082;
	s9 =	sld [smem:$0x3FAD]  }
0x2f: {  	lr =	sadd.s32 s0, s3;
	s0 =	sld [smem:$0x3FA4]  }
0x30: {  	s3 =	sld [smem:$0x3FA7]  }
0x31: {  	[smem:$0x3FB0] =	sst s10  }
0x32: {  	s10 =	sld [smem:$0x3FAE];
	_ =	sdelay $0x3  }
0x33: {  	p0 =	seq.s32 s10, $0x1;
	s10 =	sld [smem:$0x3FB0];
	_ =	sdelay $0x3  }
0x34: {  	[smem:$0x3FB0] =	sst s10  }
0x35: {  	s10 =	sld [smem:$0x3FAF];
	_ =	sdelay $0x3  }
0x36: {  	p1 =	seq.s32 s10, $0x1;
	s10 =	sld [smem:$0x3FB0];
	_ =	sdelay $0x3  }
0x37: {  	[smem:$0x3FB0] =	sst s10  }
0x38: {  	s10 =	sld [smem:$0x3FB1]  }
0x39: {  	_ = 	snop;
	(pc) =	sbr.ind lr, $3  }
0x3a: {  	_ = 	snop  }
0x3b: {  	_ = 	snop  }
0x3c: {  	p2 =	seq.s32 s10, $0x1;
	s10 =	sld [smem:$0x3FB0]  }
0x3d: {  	_ =	shalt  }
0x3e: {  	_ =	shalt  }
0x3f: {  	_ =	shalt  }
0x40: {  	_ =	shalt  }
0x41: {  	_ =	shalt  }
0x42: {  	_ =	shalt  }
0x43: {  	_ =	shalt  }
0x44: {  	_ =	shalt  }
0x45: {  	_ =	shalt  }
0x46: {  	_ =	shalt  }
0x47: {  	_ =	shalt  }
0x48: {  	_ =	shalt  }
0x49: {  	_ =	shalt  }
0x4a: {  	_ =	shalt  }
0x4b: {  	_ =	shalt  }
0x4c: {  	_ =	shalt  }
0x4d: {  	_ =	shalt  }
0x4e: {  	_ =	shalt  }
0x4f: {  	_ =	shalt  }
0x50: {  	_ =	shalt  }
0x51: {  	_ =	shalt  }
0x52: {  	_ =	shalt  }
0x53: {  	_ =	shalt  }
0x54: {  	_ =	shalt  }
0x55: {  	_ =	shalt  }
0x56: {  	_ =	shalt  }
0x57: {  	_ =	shalt  }
0x58: {  	_ =	shalt  }
0x59: {  	_ =	shalt  }
0x5a: {  	_ =	shalt  }
0x5b: {  	_ =	shalt  }
0x5c: {  	_ =	shalt  }
0x5d: {  	_ =	shalt  }
0x5e: {  	_ =	shalt  }
0x5f: {  	_ =	shalt  }
0x60: {  	_ =	shalt  }
0x61: {  	_ =	shalt  }
0x62: {  	_ =	shalt  }
0x63: {  	_ =	shalt  }
0x64: {  	_ =	shalt  }
0x65: {  	_ =	shalt  }
0x66: {  	_ =	shalt  }
0x67: {  	_ =	shalt  }
0x68: {  	_ =	shalt  }
0x69: {  	_ =	shalt  }
0x6a: {  	_ =	shalt  }
0x6b: {  	_ =	shalt  }
0x6c: {  	_ =	shalt  }
0x6d: {  	_ =	shalt  }
0x6e: {  	_ =	shalt  }
0x6f: {  	_ =	shalt  }
0x70: {  	_ =	shalt  }
0x71: {  	_ =	shalt  }
0x72: {  	_ =	shalt  }
0x73: {  	_ =	shalt  }
0x74: {  	_ =	shalt  }
0x75: {  	_ =	shalt  }
0x76: {  	_ =	shalt  }
0x77: {  	_ =	shalt  }
0x78: {  	_ =	shalt  }
0x79: {  	_ =	shalt  }
0x7a: {  	_ =	shalt  }
0x7b: {  	_ =	shalt  }
0x7c: {  	_ =	shalt  }
0x7d: {  	_ =	shalt  }
0x7e: {  	_ =	shalt  }
0x7f: {  	_ =	shalt  }
0x80: {  	_ =	shalt  }
0x81: {  	_ =	shalt  }
0x82: {  	_ =	shalt  }
0x83: {  	_ =	shalt  }
0x84: {  	_ =	shalt  }
0x85: {  	_ =	shalt  }
0x86: {  	_ =	shalt  }
0x87: {  	_ =	shalt  }
.Lfunc_end0:
.L_simem_size_0:
called_computation_lowered:
.L_overlay_start_0:
0x88: {  	s2 =	sld [smem:$0x3FD9]  }
0x89: {  	s3 =	sld [smem:$0x3FFE];
	_ =	sdelay $0x1  }
0x8a: {  	s1 =	srdreg.scid  }
0x8b: {  	s0 =	sand.u32 $0x1, s1  }
0x8c: {  	s17 =	sshll.u32 s0, $0xA;
	s2 =	sadd.s32 s3, s2  }
0x8d: {  	s2 =	sadd.s32 s2, s17  }
0x8e: {  	[smem:$0x3FBC] =	sst s2  }
0x8f: {  	_ = 	snop  }
0x90: {  	s2 =	sld [smem:$0x3FC9]  }
0x91: {  	s18 =	sld [smem:$0x3FC8]  }
0x92: {  	s4 =	sld [smem:$0x3FC7]  }
0x93: {  	s5 =	sld [smem:$0x3FC6]  }
0x94: {  	s6 =	sld [smem:$0x3FC5]  }
0x95: {  	s7 =	sld [smem:$0x3FC4]  }
0x96: {  	s8 =	sld [smem:$0x3FD0];
	(tm) =	ssettm $0x1  }
0x97: {  	s9 =	sld [smem:$0x3FFB];
	_ =	sdelay $0x3  }
0x98: {  	_ =	strace s9  }
0x99: {  	s9 =	sld [smem:$0x3FFC];
	_ =	sdelay $0x3  }
0x9a: {  	_ =	strace s9  }
0x9b: {  	s9 =	sld [smem:$0x3FFD];
	_ =	sdelay $0x3  }
0x9c: {  	_ =	strace s9  }
0x9d: {  	_ =	strace $0x8FFFFFFF  }
0x9e: {  	s19 =	sld [smem:$0x3FDB];
	_ =	sdelay $0x1  }
0x9f: {  	s10 =	simm.s32 $_scs_section_size  }
0xa0: {  	s11 =	simm.s32 $_size__tile_overlayer_lowered;
	s12 =	simm.s32 $_tile_overlayer_lowered  }
0xa1: {  	s22 =	simm.s32 $0x1BFF;
	s21 =	sshll.u32 s12, $0x1;
	s9 =	sadd.s32 s10, s19  }
0xa2: {  	s13 =	simm.s32 $0x0;
	s20 =	sshll.u32 s11, $0x1;
	s11 =	sadd.s32 s21, s9  }
0xa3: {  	[timem:s13], [sflag:s22] =	dma.local [hbm:s11], s20  }
0xa4: {  	_ =	swait.ge [sflag:s22], s20  }
0xa5: {  	s10 =	ssub.s32 $0x0, s20;
	[sflag:s22] =	ssyncset.done $0x0  }
0xa6: {  	[sflag:s22] =	ssyncadd.s32 s10;
	_ =	sdelay $0x1  }
0xa7: {  	s23 =	simm.s32 $0x1B8B  }
0xa8: {  	_ =	swait.ge [sflag:s23], $0x1  }
0xa9: {  	[sflag:s23] =	ssyncset.done $0x0  }
0xaa: {  	s25 =	simm.s32 $0x1B8E;
	s24 =	sld [smem:$0x3FFE];
	[sflag:s23] =	ssyncadd.s32 $0xFFFFFFFF  }
0xab: {  	s26 =	simm.s32 $execute0_lowered;
	[smem:$0x3FD2] =	sst s25  }
0xac: {  	s11 =	sshll.u32 s26, $0x1;
	_ =	strace $0x80000046;
	[dreg:$0x1] =	wrdreg $0xFFFFFFFF  }
0xad: {  	s28 =	simm.s32 $_size_execute0_lowered;
	s9 =	sadd.s32 s9, s11;
	[dreg:$0x0] =	wrdreg $0x0  }
0xae: {  	s11 =	sshll.u32 s28, $0x1;
	[dreg:$0x2] =	wrdreg s9  }
0xaf: {  	[dreg:$0x3] =	wrdreg s11  }
0xb0: {  	[dreg:$0x4] =	wrdreg $0xC0  }
0xb1: {  	_ =	task [dreg:s13], $0x5FFFF  }
0xb2: {  	[dreg:$0x1] =	wrdreg $0xFFFFFFFF  }
0xb3: {  	[dreg:$0x0] =	wrdreg $0x60  }
0xb4: {  	[dreg:$0x2] =	wrdreg s2  }
0xb5: {  	[dreg:$0x3] =	wrdreg s18  }
0xb6: {  	[dreg:$0x4] =	wrdreg s4  }
0xb7: {  	[dreg:$0x5] =	wrdreg s5  }
0xb8: {  	[dreg:$0x6] =	wrdreg s6  }
0xb9: {  	[dreg:$0x7] =	wrdreg s7  }
0xba: {  	[dreg:$0x8] =	wrdreg s8  }
0xbb: {  	[dreg:$0x9] =	wrdreg s24  }
0xbc: {  	[dreg:$0xa] =	wrdreg $0x9  }
0xbd: {  	_ =	task.clear_ibuf [dreg:s13], $0xBFFFF;
	_ =	strace $0x90000046  }
0xbe: {  	s29 =	simm.s32 $0x9;
	_ =	strace $0x80000048  }
0xbf: {  	_ =	swait.ge [sflag:s29], $0x1  }
0xc0: {  	[sflag:s29] =	ssyncadd.s32 $0xFFFFFFFF  }
0xc1: {  	_ =	strace $0x90000048  }
0xc2: {  	_ =	sfence  }
0xc3: {  	s30 =	sld [smem:$0x0];
	_ =	sdelay $0x2  }
0xc4: {  	s31 =	sshll.u32 s1, $0xD;
	s1 =	sshrl.u32 s1, $0x2  }
0xc5: {  	s3 =	sand.u32 $0x4000, s31;
	s1 =	sadd.s32 s1, s30  }
0xc6: {  	s0 =	sor.u32 s3, s0;
	s1 =	sshll.u32 s1, $0x11  }
0xc7: {  	s0 =	sor.u32 s1, s0  }
0xc8: {  	s0 =	sadd.s32 $0x8F2B, s0  }
0xc9: {  	[sflag:s0] =	ssyncadd.remote.s32 $0x1  }
0xca: {  	_ =	sfence.sel $0xFFFF  }
0xcb: {  	[dreg:$0x0] =	wrdreg $0xFFFFFFFF;
	(pc) =	sbr.abs _section_cstart, $3  }
0xcc: {  	[dreg:$0x1] =	wrdreg $0xFFFFFFFF  }
0xcd: {  	_ =	task.clear_ibuf [dreg:s13], $0x2FFFF;
	_ =	strace $0x9FFFFFFF  }
0xce: {  	(tm) =	ssettm $0x7FFFFFFF  }
0xcf: {  	_ =	shalt  }
tec
execute0_lowered:
.L_overlay_start_1:
0x0: {  	(tag) =	ssettag $0x1  }
0x1: {  	s7 =	rddreg [dreg:$0x0]  }
0x2: {  	s0 =	rddreg [dreg:$0x1]  }
0x3: {  	s23 =	rddreg [dreg:$0x2]  }
0x4: {  	s1 =	rddreg [dreg:$0x3]  }
0x5: {  	s2 =	rddreg [dreg:$0x4]  }
0x6: {  	s3 =	rddreg [dreg:$0x5]  }
0x7: {  	s8 =	rddreg [dreg:$0x6]  }
0x8: {  	s6 =	rddreg [dreg:$0x7];
	s24 =	srdreg.scid  }
0x9: {  	s4 =	stileid.u32;
	s5 =	simm.s32 $0x0;
	s26 =	simm.s32 $0x400  }
0xa: {  	s12 =	simm.s32 $0x10C00;
	s20 =	simm.s32 $0x10800;
	[dreg:$0x9] =	wrdreg s0  }
0xb: {  	s28 =	simm.s32 $0x11000;
	s29 =	simm.s32 $0x11080;
	[dreg:$0xa] =	wrdreg s23  }
0xc: {  	s31 =	simm.s32 $0x11180;
	s25 =	sshll.u32 s4, $0xA;
	[smem:$0x7FF] =	sst s5  }
0xd: {  	s4 =	simm.s32 $0x10600;
	_ =	strace $0x80000047;
	[dreg:$0xd] =	wrdreg s26  }
0xe: {  	s9 =	sand.u32 $0x1, s24;
	s6 =	sadd.s32 $0x1600, s6;
	[dreg:$0xe] =	wrdreg s4  }
0xf: {  	s10 =	sshll.u32 s9, $0x9;
	s9 =	ssub.s32 $0x2, s9;
	[dreg:$0x12] =	wrdreg s12  }
0x10: {  	[dreg:$0x13] =	wrdreg s20;
	s20 =	simm.s32 $0x10C80;
	s4 =	simm.s32 $0x10880  }
0x11: {  	s0 =	sor.u32 s10, s25;
	s11 =	sshrl.u32 s9, $0x1;
	[dreg:$0x14] =	wrdreg s20  }
0x12: {  	[dreg:$0x15] =	wrdreg s4;
	s4 =	simm.s32 $0x10D00;
	s10 =	sshrl.u32 s0, $0x3  }
0x13: {  	s13 =	sor.u32 $0x10, s0;
	s14 =	sor.u32 $0x20, s0;
	s16 =	sor.u32 $0x30, s0  }
0x14: {  	s17 =	sor.u32 $0x40, s0;
	s18 =	sor.u32 $0x50, s0;
	s19 =	sor.u32 $0x60, s0  }
0x15: {  	v62 =	vlaneseq.u32;
	s21 =	sor.u32 $0x70, s0;
	s22 =	sor.u32 $0x80, s0;
	s23 =	sor.u32 $0x90, s0  }
0x16: {  	v63 =	vor.u32 $0x4000, v62;
	s24 =	sor.u32 $0xA0, s0;
	s25 =	sor.u32 $0xB0, s0;
	s26 =	sor.u32 $0xC0, s0;
	v0 =	vor.u32 s13, v62  }
0x17: {  	s15 =	sor.u32 $0xF0, s0;
	s12 =	sor.u32 $0x120, s0;
	s20 =	sor.u32 $0x160, s0;
	v57 =	vor.u32 s13, v63;
	v58 =	vor.u32 s14, v62;
	v59 =	vor.u32 s14, v63  }
0x18: {  	[dreg:$0x16] =	wrdreg s4;
	s4 =	simm.s32 $0x10D80;
	s30 =	sor.u32 $0x1E0, s0;
	v60 =	vor.u32 s16, v62;
	v61 =	vor.u32 s16, v63;
	v6 =	vor.u32 s17, v62  }
0x19: {  	s7 =	sadd.s32 s7, s10;
	s8 =	sadd.s32 s8, s10;
	s10 =	simm.s32 $0x10700;
	v7 =	vor.u32 s17, v63;
	v8 =	vor.u32 s18, v62;
	v9 =	vor.u32 s18, v63  }
0x1a: {  	s13 =	sor.u32 $0x130, s0;
	s14 =	sor.u32 $0x140, s0;
	s16 =	sor.u32 $0x150, s0;
	v10 =	vor.u32 s19, v62;
	v11 =	vor.u32 s19, v63;
	v12 =	vor.u32 s21, v62  }
0x1b: {  	s17 =	sor.u32 $0x170, s0;
	s18 =	sor.u32 $0x180, s0;
	v13 =	vor.u32 s21, v63;
	v14 =	vor.u32 s22, v62;
	v15 =	vor.u32 s22, v63;
	s19 =	sor.u32 $0x190, s0  }
0x1c: {  	s22 =	simm.s32 $0x10900;
	v16 =	vor.u32 s23, v62;
	v17 =	vor.u32 s23, v63;
	v18 =	vor.u32 s24, v62;
	s21 =	sor.u32 $0x1A0, s0;
	s23 =	sor.u32 $0x1B0, s0  }
0x1d: {  	v19 =	vor.u32 s24, v63;
	v20 =	vor.u32 s25, v62;
	v21 =	vor.u32 s25, v63;
	[dreg:$0x18] =	wrdreg s4;
	s25 =	simm.s32 $0x10980;
	s24 =	sor.u32 $0x1C0, s0  }
0x1e: {  	v23 =	vor.u32 s26, v62;
	v24 =	vor.u32 s26, v63;
	s26 =	sor.u32 $0x1D0, s0;
	v30 =	vor.u32 s15, v62;
	s4 =	simm.s32 $0x10E00;
	[dreg:$0xb] =	wrdreg s7  }
0x1f: {  	v31 =	vor.u32 s15, v63;
	v36 =	vor.u32 s12, v62;
	v37 =	vor.u32 s12, v63;
	s12 =	simm.s32 $0x80;
	s15 =	simm.s32 $0x8600;
	[dreg:$0xc] =	wrdreg s8  }
0x20: {  	v44 =	vor.u32 s20, v62;
	v45 =	vor.u32 s20, v63;
	s20 =	simm.s32 $0x9;
	s7 =	ssub.s32 s9, s11;
	[dreg:$0x10] =	wrdreg s10  }
0x21: {  	s9 =	simm.s32 $0x10680;
	s11 =	simm.s32 $0x10780;
	[dreg:$0x17] =	wrdreg s22;
	v38 =	vor.u32 s13, v62;
	v39 =	vor.u32 s13, v63  }
0x22: {  	s8 =	sor.u32 $0xE0, s0;
	s10 =	sor.u32 $0x100, s0;
	[dreg:$0x19] =	wrdreg s25;
	v40 =	vor.u32 s14, v62;
	v41 =	vor.u32 s14, v63;
	v42 =	vor.u32 s16, v62  }
0x23: {  	[dreg:$0x1a] =	wrdreg s4;
	s22 =	simm.s32 $0x10A00;
	s25 =	simm.s32 $0x10E80;
	v43 =	vor.u32 s16, v63;
	v46 =	vor.u32 s17, v62;
	v47 =	vor.u32 s17, v63  }
0x24: {  	s13 =	simm.s32 $0x600;
	s14 =	simm.s32 $0x4600;
	s4 =	simm.s32 $0x10A80;
	v48 =	vor.u32 s18, v62;
	v49 =	vor.u32 s18, v63;
	v50 =	vor.u32 s19, v62  }
0x25: {  	[tilespmem:$0x1FFB0] =	vst v57;
	s16 =	simm.s32 $0xC600;
	s17 =	simm.s32 $0x4;
	v51 =	vor.u32 s19, v63;
	s18 =	simm.s32 $0x8;
	v52 =	vor.u32 s21, v62;
	v53 =	vor.u32 s21, v63  }
0x26: {  	[tilespmem:$0x1FFE0] =	vst v60;
	s19 =	simm.s32 $0x5;
	v54 =	vor.u32 s23, v62;
	s21 =	simm.s32 $0x6;
	v55 =	vor.u32 s23, v63;
	v56 =	vor.u32 s24, v62;
	s23 =	simm.s32 $0x7  }
0x27: {  	[tilespmem:$0x1FFF0] =	vst v61;
	v57 =	vor.u32 s24, v63;
	s24 =	simm.s32 $0xB;
	v60 =	vor.u32 s30, v62;
	v61 =	vor.u32 s30, v63;
	s30 =	simm.s32 $0x11100;
	[dreg:$0xf] =	wrdreg s9  }
0x28: {  	s9 =	sor.u32 $0xD0, s0;
	[dreg:$0x11] =	wrdreg s11;
	s11 =	sor.u32 $0x110, s0  }
0x29: {  	v22 =	vor.u32 s0, v62;
	v25 =	vor.u32 s0, v63;
	s0 =	sor.u32 $0x1F0, s0;
	s7 =	smax.u32 s7, $0x1;
	v28 =	vor.u32 s8, v62;
	[dreg:$0x1b] =	wrdreg s22  }
0x2a: {  	v29 =	vor.u32 s8, v63;
	s8 =	simm.s32 $0xC;
	v32 =	vor.u32 s10, v62;
	v33 =	vor.u32 s10, v63;
	s10 =	simm.s32 $0x1;
	[dreg:$0x1c] =	wrdreg s25  }
0x2b: {  	[tilespmem:$0x1FFC0] =	vst v58;
	v58 =	vor.u32 s26, v62;
	[dreg:$0x1d] =	wrdreg s4;
	s22 =	simm.s32 $0x10F00;
	s25 =	simm.s32 $0x10B00;
	v26 =	vor.u32 s9, v62  }
0x2c: {  	[tilespmem:$0x1FFA0] =	vst v0;
	v27 =	vor.u32 s9, v63;
	s9 =	simm.s32 $0x200;
	v34 =	vor.u32 s11, v62;
	v35 =	vor.u32 s11, v63;
	s11 =	simm.s32 $0x2;
	[dreg:$0x1e] =	wrdreg s22  }
0x2d: {  	[tilespmem:$0x1FFD0] =	vst v59;
	v59 =	vor.u32 s26, v63;
	[dreg:$0x1f] =	wrdreg s25;
	s22 =	simm.s32 $0xA;
	v62 =	vor.u32 s0, v62;
	v63 =	vor.u32 s0, v63;
	s0 =	simm.s32 $0x3  }
.LBB2_1:
0x2e: {  	s4 =	rddreg [dreg:$0xb]  }
0x2f: {  	[tilespmem:s5], [sflag:$0xC] =	stream.linear.gather [hbm4b:s4+s5], $0x200, $0x38;
	[tilespmem:$0x11200] =	vst v63  }
0x30: {  	_ =	swait.ge [sflag:s8], $0x200  }
0x31: {  	s4 =	rddreg [dreg:$0x9];
	[sflag:s8] =	ssyncset.done $0x0  }
0x32: {  	s25 =	rddreg [dreg:$0xa];
	[sflag:s8] =	ssyncadd.s32 $0xFFFFFE00  }
0x33: {  	[tilespmem:s9], [sflag:$0x1] =	stream.indirect.gather [hbm4b:s4+s9], $0x1, s5, s9, $0xb8;
	[tilespmem:$0x11200] =	vst v63  }
0x34: {  	s26 =	rddreg [dreg:$0xd]  }
0x35: {  	[tilespmem:s26], [sflag:$0x2] =	stream.indirect.gather [hbm4b:s25+s9], $0x1, s5, s9, $0xb8;
	[tilespmem:$0x11200] =	vst v63  }
0x36: {  	_ =	swait.ge [sflag:s10], $0x200  }
0x37: {  	[sflag:s10] =	ssyncset.done $0x0  }
0x38: {  	s26 =	rddreg [dreg:$0xc];
	[sflag:s10] =	ssyncadd.s32 $0xFFFFFE00  }
0x39: {  	[hbm4b:s26+s5] =	stream.linear.scatter [tilespmem:s9], [sflag:$0x3], $0x200, $0x38;
	[tilespmem:$0x11200] =	vst v63  }
0x3a: {  	_ =	swait.ge [sflag:s11], $0x200  }
0x3b: {  	[sflag:s11] =	ssyncset.done $0x0  }
0x3c: {  	[sflag:s11] =	ssyncadd.s32 $0xFFFFFE00  }
0x3d: {  	v0 =	vld [tilespmem:$0x200]  }
0x3e: {  	v1 =	vld [tilespmem:$0x400];
	_ =	sdelay $0x2  }
0x3f: {  	v4 =	vld [tilespmem:$0x1FFA0]  }
0x40: {  	v3 =	vld [tilespmem:$0x210];
	vm0 =	veq.s32 v0, $0x0  }
0x41: {  	v5 =	vld [tilespmem:$0x1FFB0];
	vm5 =	veq.s32 v0, $0x1;
	[tilespmem:$0x10600] =	vst v1;
	v2 =	vsel vm0, v22, v25  }
0x42: {  	[tilespmem:$0x10C00] =	vst v2;
	v2 =	vsel vm5, v22, v25  }
0x43: {  	[tilespmem:$0x10E00] =	vst v2;
	v2 =	vld [tilespmem:$0x410]  }
0x44: {  	[tilespmem:$0x10800] =	vst v1;
	vm6 =	veq.s32 v0, $0x2  }
0x45: {  	[tilespmem:$0x10A00] =	vst v1;
	vm7 =	veq.s32 v3, $0x0;
	v0 =	vsel vm6, v22, v25  }
0x46: {  	v1 =	vsel vm7, v4, v5;
	[tilespmem:$0x11000] =	vst v0  }
0x47: {  	[tilespmem:$0x10C10] =	vst v1  }
0x48: {  	[tilespmem:$0x10610] =	vst v2  }
0x49: {  	vm8 =	veq.s32 v3, $0x1;
	vm9 =	veq.s32 v3, $0x2;
	v0 =	vld [tilespmem:$0x220];
	[tilespmem:$0x10810] =	vst v2  }
0x4a: {  	v1 =	vsel vm8, v4, v5;
	[tilespmem:$0x10A10] =	vst v2;
	v2 =	vsel vm9, v4, v5;
	v4 =	vld [tilespmem:$0x1FFC0]  }
0x4b: {  	v5 =	vld [tilespmem:$0x1FFD0];
	_ =	sdelay $0x3  }
0x4c: {  	[tilespmem:$0x10E10] =	vst v1;
	v1 =	vld [tilespmem:$0x420];
	vm10 =	veq.s32 v0, $0x0  }
0x4d: {  	v3 =	vld [tilespmem:$0x230];
	vm11 =	veq.s32 v0, $0x1;
	vm12 =	veq.s32 v0, $0x2;
	[tilespmem:$0x11010] =	vst v2;
	v2 =	vsel vm10, v4, v5  }
0x4e: {  	v0 =	vsel vm12, v4, v5;
	[tilespmem:$0x10C20] =	vst v2;
	v2 =	vsel vm11, v4, v5;
	v4 =	vld [tilespmem:$0x1FFE0]  }
0x4f: {  	v5 =	vld [tilespmem:$0x1FFF0]  }
0x50: {  	[tilespmem:$0x10E20] =	vst v2;
	v2 =	vld [tilespmem:$0x430]  }
0x51: {  	[tilespmem:$0x10620] =	vst v1  }
0x52: {  	[tilespmem:$0x10820] =	vst v1  }
0x53: {  	[tilespmem:$0x10A20] =	vst v1  }
0x54: {  	vm13 =	veq.s32 v3, $0x0;
	[tilespmem:$0x11020] =	vst v0;
	v0 =	vld [tilespmem:$0x240]  }
0x55: {  	v1 =	vsel vm13, v4, v5;
	[tilespmem:$0x10630] =	vst v2  }
0x56: {  	[tilespmem:$0x10C30] =	vst v1  }
0x57: {  	vm14 =	veq.s32 v3, $0x1;
	[tilespmem:$0x10830] =	vst v2  }
0x58: {  	vm15 =	veq.s32 v3, $0x2;
	v1 =	vsel vm14, v4, v5;
	[tilespmem:$0x10A30] =	vst v2  }
0x59: {  	vm6 =	veq.s32 v0, $0x2;
	v2 =	vsel vm15, v4, v5;
	[tilespmem:$0x10E30] =	vst v1;
	v1 =	vld [tilespmem:$0x440]  }
0x5a: {  	v3 =	vld [tilespmem:$0x250];
	vm4 =	veq.s32 v0, $0x0;
	vm5 =	veq.s32 v0, $0x1;
	v0 =	vsel vm6, v6, v7;
	[tilespmem:$0x11030] =	vst v2  }
0x5b: {  	v2 =	vsel vm4, v6, v7;
	[tilespmem:$0x11040] =	vst v0  }
0x5c: {  	[tilespmem:$0x10C40] =	vst v2;
	v2 =	vsel vm5, v6, v7  }
0x5d: {  	[tilespmem:$0x10E40] =	vst v2;
	v2 =	vld [tilespmem:$0x450]  }
0x5e: {  	[tilespmem:$0x10640] =	vst v1  }
0x5f: {  	vm7 =	veq.s32 v3, $0x0;
	v0 =	vld [tilespmem:$0x260];
	[tilespmem:$0x10840] =	vst v1  }
0x60: {  	[tilespmem:$0x10A40] =	vst v1;
	v1 =	vsel vm7, v8, v9  }
0x61: {  	[tilespmem:$0x10C50] =	vst v1  }
0x62: {  	vm8 =	veq.s32 v3, $0x1;
	[tilespmem:$0x10650] =	vst v2  }
0x63: {  	v1 =	vsel vm8, v8, v9;
	[tilespmem:$0x10850] =	vst v2  }
0x64: {  	vm9 =	veq.s32 v3, $0x2;
	vm12 =	veq.s32 v0, $0x2;
	[tilespmem:$0x10E50] =	vst v1  }
0x65: {  	vm10 =	veq.s32 v0, $0x0;
	vm11 =	veq.s32 v0, $0x1;
	v0 =	vsel vm12, v10, v11;
	v1 =	vld [tilespmem:$0x460];
	[tilespmem:$0x10A50] =	vst v2  }
0x66: {  	v3 =	vld [tilespmem:$0x270];
	v2 =	vsel vm9, v8, v9;
	[tilespmem:$0x11060] =	vst v0  }
0x67: {  	[tilespmem:$0x11050] =	vst v2;
	v2 =	vsel vm10, v10, v11  }
0x68: {  	v0 =	vld [tilespmem:$0x280];
	[tilespmem:$0x10C60] =	vst v2;
	v2 =	vsel vm11, v10, v11  }
0x69: {  	[tilespmem:$0x10E60] =	vst v2  }
0x6a: {  	[tilespmem:$0x10660] =	vst v1  }
0x6b: {  	vm13 =	veq.s32 v3, $0x0;
	v2 =	vld [tilespmem:$0x470];
	[tilespmem:$0x10860] =	vst v1  }
0x6c: {  	vm14 =	veq.s32 v3, $0x1;
	[tilespmem:$0x10A60] =	vst v1;
	v1 =	vsel vm13, v12, v13  }
0x6d: {  	vm6 =	veq.s32 v0, $0x2;
	[tilespmem:$0x10C70] =	vst v1;
	v1 =	vsel vm14, v12, v13  }
0x6e: {  	vm4 =	veq.s32 v0, $0x0;
	vm5 =	veq.s32 v0, $0x1;
	v0 =	vsel vm6, v14, v15;
	[tilespmem:$0x10E70] =	vst v1  }
0x6f: {  	[tilespmem:$0x11080] =	vst v0  }
0x70: {  	[tilespmem:$0x10670] =	vst v2  }
0x71: {  	vm15 =	veq.s32 v3, $0x2;
	v1 =	vld [tilespmem:$0x480];
	[tilespmem:$0x10870] =	vst v2  }
0x72: {  	v3 =	vld [tilespmem:$0x290];
	[tilespmem:$0x10A70] =	vst v2;
	v2 =	vsel vm15, v12, v13  }
0x73: {  	[tilespmem:$0x11070] =	vst v2;
	v2 =	vsel vm4, v14, v15  }
0x74: {  	v0 =	vld [tilespmem:$0x2A0];
	[tilespmem:$0x10C80] =	vst v2;
	v2 =	vsel vm5, v14, v15  }
0x75: {  	[tilespmem:$0x10E80] =	vst v2  }
0x76: {  	[tilespmem:$0x10680] =	vst v1  }
0x77: {  	vm7 =	veq.s32 v3, $0x0;
	v2 =	vld [tilespmem:$0x490];
	[tilespmem:$0x10880] =	vst v1  }
0x78: {  	vm8 =	veq.s32 v3, $0x1;
	[tilespmem:$0x10A80] =	vst v1;
	v1 =	vsel vm7, v16, v17  }
0x79: {  	vm12 =	veq.s32 v0, $0x2;
	[tilespmem:$0x10C90] =	vst v1;
	v1 =	vsel vm8, v16, v17  }
0x7a: {  	vm10 =	veq.s32 v0, $0x0;
	vm11 =	veq.s32 v0, $0x1;
	v0 =	vsel vm12, v18, v19;
	[tilespmem:$0x10E90] =	vst v1  }
0x7b: {  	[tilespmem:$0x110A0] =	vst v0  }
0x7c: {  	[tilespmem:$0x10690] =	vst v2  }
0x7d: {  	vm9 =	veq.s32 v3, $0x2;
	v1 =	vld [tilespmem:$0x4A0];
	[tilespmem:$0x10890] =	vst v2  }
0x7e: {  	v3 =	vld [tilespmem:$0x2B0];
	[tilespmem:$0x10A90] =	vst v2;
	v2 =	vsel vm9, v16, v17  }
0x7f: {  	[tilespmem:$0x11090] =	vst v2;
	v2 =	vsel vm10, v18, v19  }
0x80: {  	v0 =	vld [tilespmem:$0x2C0];
	[tilespmem:$0x10CA0] =	vst v2;
	v2 =	vsel vm11, v18, v19  }
0x81: {  	[tilespmem:$0x10EA0] =	vst v2  }
0x82: {  	[tilespmem:$0x106A0] =	vst v1  }
0x83: {  	vm13 =	veq.s32 v3, $0x0;
	v2 =	vld [tilespmem:$0x4B0];
	[tilespmem:$0x108A0] =	vst v1  }
0x84: {  	vm14 =	veq.s32 v3, $0x1;
	[tilespmem:$0x10AA0] =	vst v1;
	v1 =	vsel vm13, v20, v21  }
0x85: {  	vm6 =	veq.s32 v0, $0x2;
	[tilespmem:$0x10CB0] =	vst v1;
	v1 =	vsel vm14, v20, v21  }
0x86: {  	vm4 =	veq.s32 v0, $0x0;
	vm5 =	veq.s32 v0, $0x1;
	v0 =	vsel vm6, v23, v24;
	[tilespmem:$0x10EB0] =	vst v1  }
0x87: {  	[tilespmem:$0x110C0] =	vst v0  }
0x88: {  	v1 =	vld [tilespmem:$0x4C0];
	[tilespmem:$0x106B0] =	vst v2  }
0x89: {  	vm15 =	veq.s32 v3, $0x2;
	[tilespmem:$0x108B0] =	vst v2  }
0x8a: {  	v3 =	vld [tilespmem:$0x2D0];
	[tilespmem:$0x10AB0] =	vst v2;
	v2 =	vsel vm15, v20, v21  }
0x8b: {  	[tilespmem:$0x110B0] =	vst v2;
	v2 =	vsel vm4, v23, v24  }
0x8c: {  	v0 =	vld [tilespmem:$0x2E0];
	[tilespmem:$0x10CC0] =	vst v2  }
0x8d: {  	[tilespmem:$0x106C0] =	vst v1  }
0x8e: {  	v2 =	vsel vm5, v23, v24;
	[tilespmem:$0x108C0] =	vst v1  }
0x8f: {  	vm7 =	veq.s32 v3, $0x0;
	[tilespmem:$0x10EC0] =	vst v2;
	v2 =	vld [tilespmem:$0x4D0]  }
0x90: {  	vm8 =	veq.s32 v3, $0x1;
	[tilespmem:$0x10AC0] =	vst v1;
	v1 =	vsel vm7, v26, v27  }
0x91: {  	vm12 =	veq.s32 v0, $0x2;
	[tilespmem:$0x10CD0] =	vst v1;
	v1 =	vsel vm8, v26, v27  }
0x92: {  	vm10 =	veq.s32 v0, $0x0;
	vm11 =	veq.s32 v0, $0x1;
	v0 =	vsel vm12, v28, v29;
	[tilespmem:$0x10ED0] =	vst v1  }
0x93: {  	v1 =	vld [tilespmem:$0x4E0];
	[tilespmem:$0x110E0] =	vst v0  }
0x94: {  	[tilespmem:$0x106D0] =	vst v2  }
0x95: {  	vm9 =	veq.s32 v3, $0x2;
	[tilespmem:$0x108D0] =	vst v2  }
0x96: {  	v3 =	vld [tilespmem:$0x2F0];
	[tilespmem:$0x10AD0] =	vst v2;
	v2 =	vsel vm9, v26, v27  }
0x97: {  	[tilespmem:$0x110D0] =	vst v2  }
0x98: {  	v0 =	vld [tilespmem:$0x300];
	[tilespmem:$0x106E0] =	vst v1  }
0x99: {  	v2 =	vsel vm10, v28, v29;
	[tilespmem:$0x108E0] =	vst v1  }
0x9a: {  	[tilespmem:$0x10CE0] =	vst v2;
	v2 =	vsel vm11, v28, v29  }
0x9b: {  	vm13 =	veq.s32 v3, $0x0;
	[tilespmem:$0x10EE0] =	vst v2;
	v2 =	vld [tilespmem:$0x4F0]  }
0x9c: {  	vm14 =	veq.s32 v3, $0x1;
	[tilespmem:$0x10AE0] =	vst v1;
	v1 =	vsel vm13, v30, v31  }
0x9d: {  	vm6 =	veq.s32 v0, $0x2;
	[tilespmem:$0x10CF0] =	vst v1;
	v1 =	vsel vm14, v30, v31  }
0x9e: {  	vm4 =	veq.s32 v0, $0x0;
	vm5 =	veq.s32 v0, $0x1;
	v0 =	vsel vm6, v32, v33;
	[tilespmem:$0x10EF0] =	vst v1;
	v1 =	vld [tilespmem:$0x500]  }
0x9f: {  	vm15 =	veq.s32 v3, $0x2;
	v3 =	vld [tilespmem:$0x310];
	[tilespmem:$0x11100] =	vst v0  }
0xa0: {  	[tilespmem:$0x106F0] =	vst v2  }
0xa1: {  	[tilespmem:$0x108F0] =	vst v2  }
0xa2: {  	[tilespmem:$0x10AF0] =	vst v2  }
0xa3: {  	[tilespmem:$0x10700] =	vst v1  }
0xa4: {  	vm7 =	veq.s32 v3, $0x0;
	v0 =	vld [tilespmem:$0x320];
	[tilespmem:$0x10900] =	vst v1  }
0xa5: {  	vm8 =	veq.s32 v3, $0x1;
	[tilespmem:$0x10B00] =	vst v1;
	v1 =	vsel vm7, v34, v35  }
0xa6: {  	[tilespmem:$0x10D10] =	vst v1;
	v1 =	vsel vm8, v34, v35  }
0xa7: {  	v2 =	vsel vm15, v30, v31;
	[tilespmem:$0x10F10] =	vst v1;
	v1 =	vld [tilespmem:$0x520]  }
0xa8: {  	[tilespmem:$0x110F0] =	vst v2;
	v2 =	vsel vm4, v32, v33  }
0xa9: {  	vm12 =	veq.s32 v0, $0x2;
	[tilespmem:$0x10D00] =	vst v2;
	v2 =	vsel vm5, v32, v33  }
0xaa: {  	vm10 =	veq.s32 v0, $0x0;
	vm11 =	veq.s32 v0, $0x1;
	v0 =	vsel vm12, v36, v37;
	[tilespmem:$0x10F00] =	vst v2;
	v2 =	vld [tilespmem:$0x510]  }
0xab: {  	vm9 =	veq.s32 v3, $0x2;
	v3 =	vld [tilespmem:$0x330];
	[tilespmem:$0x11120] =	vst v0  }
0xac: {  	[tilespmem:$0x10720] =	vst v1  }
0xad: {  	[tilespmem:$0x10920] =	vst v1  }
0xae: {  	v0 =	vld [tilespmem:$0x340];
	[tilespmem:$0x10B20] =	vst v1  }
0xaf: {  	[tilespmem:$0x10710] =	vst v2  }
0xb0: {  	vm13 =	veq.s32 v3, $0x0;
	[tilespmem:$0x10910] =	vst v2  }
0xb1: {  	vm14 =	veq.s32 v3, $0x1;
	v1 =	vsel vm13, v38, v39;
	[tilespmem:$0x10B10] =	vst v2  }
0xb2: {  	[tilespmem:$0x10D30] =	vst v1;
	v1 =	vsel vm14, v38, v39  }
0xb3: {  	vm15 =	veq.s32 v3, $0x2;
	vm6 =	veq.s32 v0, $0x2;
	v2 =	vsel vm9, v34, v35;
	[tilespmem:$0x10F30] =	vst v1;
	v1 =	vld [tilespmem:$0x540]  }
0xb4: {  	v3 =	vld [tilespmem:$0x350];
	vm4 =	veq.s32 v0, $0x0;
	vm5 =	veq.s32 v0, $0x1;
	v0 =	vsel vm6, v40, v41;
	[tilespmem:$0x11110] =	vst v2  }
0xb5: {  	v2 =	vsel vm10, v36, v37;
	[tilespmem:$0x11140] =	vst v0  }
0xb6: {  	[tilespmem:$0x10D20] =	vst v2;
	v2 =	vsel vm11, v36, v37  }
0xb7: {  	[tilespmem:$0x10F20] =	vst v2;
	v2 =	vld [tilespmem:$0x530]  }
0xb8: {  	[tilespmem:$0x10740] =	vst v1  }
0xb9: {  	vm7 =	veq.s32 v3, $0x0;
	v0 =	vld [tilespmem:$0x360];
	[tilespmem:$0x10940] =	vst v1  }
0xba: {  	[tilespmem:$0x10B40] =	vst v1;
	v1 =	vsel vm7, v42, v43  }
0xbb: {  	[tilespmem:$0x10D50] =	vst v1  }
0xbc: {  	[tilespmem:$0x10730] =	vst v2  }
0xbd: {  	vm8 =	veq.s32 v3, $0x1;
	[tilespmem:$0x10930] =	vst v2  }
0xbe: {  	vm12 =	veq.s32 v0, $0x2;
	v1 =	vsel vm8, v42, v43;
	[tilespmem:$0x10B30] =	vst v2  }
0xbf: {  	vm10 =	veq.s32 v0, $0x0;
	vm11 =	veq.s32 v0, $0x1;
	v0 =	vsel vm12, v44, v45;
	[tilespmem:$0x10F50] =	vst v1;
	v1 =	vld [tilespmem:$0x560]  }
0xc0: {  	vm9 =	veq.s32 v3, $0x2;
	v3 =	vld [tilespmem:$0x370];
	v2 =	vsel vm15, v38, v39;
	[tilespmem:$0x11160] =	vst v0  }
0xc1: {  	[tilespmem:$0x11130] =	vst v2;
	v2 =	vsel vm4, v40, v41  }
0xc2: {  	v0 =	vld [tilespmem:$0x380];
	[tilespmem:$0x10D40] =	vst v2;
	v2 =	vsel vm5, v40, v41  }
0xc3: {  	[tilespmem:$0x10F40] =	vst v2  }
0xc4: {  	[tilespmem:$0x10760] =	vst v1  }
0xc5: {  	vm13 =	veq.s32 v3, $0x0;
	v2 =	vld [tilespmem:$0x550];
	[tilespmem:$0x10960] =	vst v1  }
0xc6: {  	vm14 =	veq.s32 v3, $0x1;
	[tilespmem:$0x10B60] =	vst v1;
	v1 =	vsel vm13, v46, v47  }
0xc7: {  	vm6 =	veq.s32 v0, $0x2;
	[tilespmem:$0x10D70] =	vst v1;
	v1 =	vsel vm14, v46, v47  }
0xc8: {  	vm4 =	veq.s32 v0, $0x0;
	vm5 =	veq.s32 v0, $0x1;
	v0 =	vsel vm6, v48, v49;
	[tilespmem:$0x10F70] =	vst v1  }
0xc9: {  	[tilespmem:$0x11180] =	vst v0  }
0xca: {  	[tilespmem:$0x10750] =	vst v2  }
0xcb: {  	v1 =	vld [tilespmem:$0x580];
	[tilespmem:$0x10950] =	vst v2  }
0xcc: {  	vm15 =	veq.s32 v3, $0x2;
	v3 =	vld [tilespmem:$0x390];
	[tilespmem:$0x10B50] =	vst v2;
	v2 =	vsel vm9, v42, v43  }
0xcd: {  	[tilespmem:$0x11150] =	vst v2;
	v2 =	vsel vm10, v44, v45  }
0xce: {  	v0 =	vld [tilespmem:$0x3A0];
	[tilespmem:$0x10D60] =	vst v2;
	v2 =	vsel vm11, v44, v45  }
0xcf: {  	[tilespmem:$0x10F60] =	vst v2  }
0xd0: {  	[tilespmem:$0x10780] =	vst v1  }
0xd1: {  	vm7 =	veq.s32 v3, $0x0;
	v2 =	vld [tilespmem:$0x570];
	[tilespmem:$0x10980] =	vst v1  }
0xd2: {  	vm8 =	veq.s32 v3, $0x1;
	[tilespmem:$0x10B80] =	vst v1;
	v1 =	vsel vm7, v50, v51  }
0xd3: {  	vm12 =	veq.s32 v0, $0x2;
	[tilespmem:$0x10D90] =	vst v1;
	v1 =	vsel vm8, v50, v51  }
0xd4: {  	vm10 =	veq.s32 v0, $0x0;
	vm11 =	veq.s32 v0, $0x1;
	v0 =	vsel vm12, v52, v53;
	[tilespmem:$0x10F90] =	vst v1  }
0xd5: {  	[tilespmem:$0x111A0] =	vst v0  }
0xd6: {  	[tilespmem:$0x10770] =	vst v2  }
0xd7: {  	v1 =	vld [tilespmem:$0x5A0];
	[tilespmem:$0x10970] =	vst v2  }
0xd8: {  	vm9 =	veq.s32 v3, $0x2;
	v3 =	vld [tilespmem:$0x3B0];
	[tilespmem:$0x10B70] =	vst v2;
	v2 =	vsel vm15, v46, v47  }
0xd9: {  	[tilespmem:$0x11170] =	vst v2;
	v2 =	vsel vm4, v48, v49  }
0xda: {  	v0 =	vld [tilespmem:$0x3C0];
	[tilespmem:$0x10D80] =	vst v2;
	v2 =	vsel vm5, v48, v49  }
0xdb: {  	[tilespmem:$0x10F80] =	vst v2  }
0xdc: {  	[tilespmem:$0x107A0] =	vst v1  }
0xdd: {  	vm13 =	veq.s32 v3, $0x0;
	v2 =	vld [tilespmem:$0x590];
	[tilespmem:$0x109A0] =	vst v1  }
0xde: {  	vm14 =	veq.s32 v3, $0x1;
	[tilespmem:$0x10BA0] =	vst v1;
	v1 =	vsel vm13, v54, v55  }
0xdf: {  	vm6 =	veq.s32 v0, $0x2;
	[tilespmem:$0x10DB0] =	vst v1;
	v1 =	vsel vm14, v54, v55  }
0xe0: {  	vm4 =	veq.s32 v0, $0x0;
	vm5 =	veq.s32 v0, $0x1;
	v0 =	vsel vm6, v56, v57;
	[tilespmem:$0x10FB0] =	vst v1  }
0xe1: {  	[tilespmem:$0x111C0] =	vst v0  }
0xe2: {  	v1 =	vld [tilespmem:$0x5C0];
	[tilespmem:$0x10790] =	vst v2  }
0xe3: {  	v0 =	vld [tilespmem:$0x3E0];
	[tilespmem:$0x10990] =	vst v2  }
0xe4: {  	vm15 =	veq.s32 v3, $0x2;
	v3 =	vld [tilespmem:$0x3D0];
	[tilespmem:$0x10B90] =	vst v2;
	v2 =	vsel vm9, v50, v51  }
0xe5: {  	[tilespmem:$0x11190] =	vst v2;
	v2 =	vsel vm10, v52, v53  }
0xe6: {  	[tilespmem:$0x10DA0] =	vst v2  }
0xe7: {  	v2 =	vsel vm11, v52, v53;
	[tilespmem:$0x107C0] =	vst v1  }
0xe8: {  	[tilespmem:$0x109C0] =	vst v1;
	vm10 =	veq.s32 v0, $0x0;
	vm11 =	veq.s32 v0, $0x1;
	vm12 =	veq.s32 v0, $0x2;
	v0 =	vld [tilespmem:$0x5F0]  }
0xe9: {  	vm7 =	veq.s32 v3, $0x0;
	[tilespmem:$0x10BC0] =	vst v1  }
0xea: {  	vm8 =	veq.s32 v3, $0x1;
	v1 =	vsel vm7, v58, v59;
	[tilespmem:$0x10FA0] =	vst v2  }
0xeb: {  	v2 =	vld [tilespmem:$0x5B0];
	[tilespmem:$0x10DD0] =	vst v1;
	v1 =	vsel vm8, v58, v59  }
0xec: {  	[tilespmem:$0x10FD0] =	vst v1  }
0xed: {  	[tilespmem:$0x107F0] =	vst v0  }
0xee: {  	[tilespmem:$0x109F0] =	vst v0  }
0xef: {  	v1 =	vld [tilespmem:$0x5E0];
	[tilespmem:$0x10BF0] =	vst v0  }
0xf0: {  	[tilespmem:$0x107B0] =	vst v2  }
0xf1: {  	[tilespmem:$0x109B0] =	vst v2  }
0xf2: {  	[tilespmem:$0x10BB0] =	vst v2;
	v2 =	vsel vm15, v54, v55  }
0xf3: {  	vm9 =	veq.s32 v3, $0x2;
	v3 =	vld [tilespmem:$0x3F0];
	[tilespmem:$0x111B0] =	vst v2  }
0xf4: {  	[tilespmem:$0x107E0] =	vst v1  }
0xf5: {  	[tilespmem:$0x109E0] =	vst v1  }
0xf6: {  	v2 =	vsel vm4, v56, v57;
	[tilespmem:$0x10BE0] =	vst v1  }
0xf7: {  	[tilespmem:$0x10DC0] =	vst v2;
	v2 =	vsel vm5, v56, v57  }
0xf8: {  	vm15 =	veq.s32 v3, $0x2;
	v1 =	vsel vm12, v60, v61;
	[tilespmem:$0x10FC0] =	vst v2;
	v2 =	vld [tilespmem:$0x5D0]  }
0xf9: {  	vm13 =	veq.s32 v3, $0x0;
	v0 =	vsel vm15, v62, v63;
	[tilespmem:$0x111E0] =	vst v1  }
0xfa: {  	vm14 =	veq.s32 v3, $0x1;
	v1 =	vsel vm13, v62, v63;
	[tilespmem:$0x111F0] =	vst v0  }
0xfb: {  	[tilespmem:$0x10DF0] =	vst v1;
	v1 =	vsel vm14, v62, v63  }
0xfc: {  	[tilespmem:$0x10FF0] =	vst v1  }
0xfd: {  	[tilespmem:$0x107D0] =	vst v2  }
0xfe: {  	[tilespmem:$0x109D0] =	vst v2  }
0xff: {  	[tilespmem:$0x10BD0] =	vst v2;
	v2 =	vsel vm9, v58, v59  }
0x100: {  	[tilespmem:$0x111D0] =	vst v2;
	v2 =	vsel vm10, v60, v61  }
0x101: {  	[tilespmem:$0x10DE0] =	vst v2;
	v2 =	vsel vm11, v60, v61  }
0x102: {  	s25 =	rddreg [dreg:$0xe];
	[tilespmem:$0x10FE0] =	vst v2  }
0x103: {  	[tilespmem:s13], [sflag:$0x4] =	stream.indirect.gather [hbm4b:s1+s12], $0x80, s25, s12, $0xb8;
	[tilespmem:$0x11200] =	vst v63  }
0x104: {  	s26 =	rddreg [dreg:$0xf]  }
0x105: {  	[tilespmem:s14], [sflag:$0x5] =	stream.indirect.gather [hbm4b:s1+s12], $0x80, s26, s12, $0xb8;
	[tilespmem:$0x11200] =	vst v63  }
0x106: {  	s4 =	rddreg [dreg:$0x10]  }
0x107: {  	[tilespmem:s15], [sflag:$0x6] =	stream.indirect.gather [hbm4b:s1+s12], $0x80, s4, s12, $0xb8;
	[tilespmem:$0x11200] =	vst v63  }
0x108: {  	s26 =	rddreg [dreg:$0x11]  }
0x109: {  	[tilespmem:s16], [sflag:$0x7] =	stream.indirect.gather [hbm4b:s1+s12], $0x80, s26, s12, $0xb8;
	[tilespmem:$0x11200] =	vst v63  }
0x10a: {  	_ =	swait.ge [sflag:s17], $0x4000  }
0x10b: {  	[sflag:s17] =	ssyncset.done $0x0  }
0x10c: {  	s25 =	rddreg [dreg:$0x12];
	[sflag:s17] =	ssyncadd.s32 $0xFFFFC000  }
0x10d: {  	[hbm4b:s6+s12] =	stream.indirect.scatter [tilespmem:s13], [sflag:$0x8], $0x80, s25, s12, $0xb8;
	[tilespmem:$0x11200] =	vst v63  }
0x10e: {  	_ =	swait.ge [sflag:s18], $0x4000  }
0x10f: {  	[sflag:s18] =	ssyncset.done $0x0  }
0x110: {  	s26 =	rddreg [dreg:$0x13];
	[sflag:s18] =	ssyncadd.s32 $0xFFFFC000  }
0x111: {  	[tilespmem:s13], [sflag:$0x4] =	stream.indirect.gather [hbm4b:s2+s12], $0x80, s26, s12, $0xb8;
	[tilespmem:$0x11200] =	vst v63  }
0x112: {  	_ =	swait.ge [sflag:s19], $0x4000  }
0x113: {  	[sflag:s19] =	ssyncset.done $0x0  }
0x114: {  	s25 =	rddreg [dreg:$0x14];
	[sflag:s19] =	ssyncadd.s32 $0xFFFFC000  }
0x115: {  	[hbm4b:s6+s12] =	stream.indirect.scatter [tilespmem:s14], [sflag:$0x9], $0x80, s25, s12, $0xb8;
	[tilespmem:$0x11200] =	vst v63  }
0x116: {  	_ =	swait.ge [sflag:s20], $0x4000  }
0x117: {  	[sflag:s20] =	ssyncset.done $0x0  }
0x118: {  	s26 =	rddreg [dreg:$0x15];
	[sflag:s20] =	ssyncadd.s32 $0xFFFFC000  }
0x119: {  	[tilespmem:s14], [sflag:$0x5] =	stream.indirect.gather [hbm4b:s2+s12], $0x80, s26, s12, $0xb8;
	[tilespmem:$0x11200] =	vst v63  }
0x11a: {  	_ =	swait.ge [sflag:s21], $0x4000  }
0x11b: {  	[sflag:s21] =	ssyncset.done $0x0  }
0x11c: {  	s25 =	rddreg [dreg:$0x16];
	[sflag:s21] =	ssyncadd.s32 $0xFFFFC000  }
0x11d: {  	[hbm4b:s6+s12] =	stream.indirect.scatter [tilespmem:s15], [sflag:$0xA], $0x80, s25, s12, $0xb8;
	[tilespmem:$0x11200] =	vst v63  }
0x11e: {  	_ =	swait.ge [sflag:s22], $0x4000  }
0x11f: {  	[sflag:s22] =	ssyncset.done $0x0  }
0x120: {  	s26 =	rddreg [dreg:$0x17];
	[sflag:s22] =	ssyncadd.s32 $0xFFFFC000  }
0x121: {  	[tilespmem:s15], [sflag:$0x6] =	stream.indirect.gather [hbm4b:s2+s12], $0x80, s26, s12, $0xb8;
	[tilespmem:$0x11200] =	vst v63  }
0x122: {  	_ =	swait.ge [sflag:s23], $0x4000  }
0x123: {  	[sflag:s23] =	ssyncset.done $0x0  }
0x124: {  	s25 =	rddreg [dreg:$0x18];
	[sflag:s23] =	ssyncadd.s32 $0xFFFFC000  }
0x125: {  	[hbm4b:s6+s12] =	stream.indirect.scatter [tilespmem:s16], [sflag:$0xB], $0x80, s25, s12, $0xb8;
	[tilespmem:$0x11200] =	vst v63  }
0x126: {  	_ =	swait.ge [sflag:s24], $0x4000  }
0x127: {  	[sflag:s24] =	ssyncset.done $0x0  }
0x128: {  	s26 =	rddreg [dreg:$0x19];
	[sflag:s24] =	ssyncadd.s32 $0xFFFFC000  }
0x129: {  	[tilespmem:s16], [sflag:$0x7] =	stream.indirect.gather [hbm4b:s2+s12], $0x80, s26, s12, $0xb8;
	[tilespmem:$0x11200] =	vst v63  }
0x12a: {  	_ =	swait.ge [sflag:s17], $0x4000  }
0x12b: {  	[sflag:s17] =	ssyncset.done $0x0  }
0x12c: {  	s25 =	rddreg [dreg:$0x1a];
	[sflag:s17] =	ssyncadd.s32 $0xFFFFC000  }
0x12d: {  	[hbm4b:s6+s12] =	stream.indirect.scatter [tilespmem:s13], [sflag:$0x8], $0x80, s25, s12, $0xb8;
	[tilespmem:$0x11200] =	vst v63  }
0x12e: {  	_ =	swait.ge [sflag:s18], $0x4000  }
0x12f: {  	[sflag:s18] =	ssyncset.done $0x0  }
0x130: {  	s26 =	rddreg [dreg:$0x1b];
	[sflag:s18] =	ssyncadd.s32 $0xFFFFC000  }
0x131: {  	[tilespmem:s13], [sflag:$0x4] =	stream.indirect.gather [hbm4b:s3+s12], $0x80, s26, s12, $0xb8;
	[tilespmem:$0x11200] =	vst v63  }
0x132: {  	_ =	swait.ge [sflag:s19], $0x4000  }
0x133: {  	[sflag:s19] =	ssyncset.done $0x0  }
0x134: {  	s25 =	rddreg [dreg:$0x1c];
	[sflag:s19] =	ssyncadd.s32 $0xFFFFC000  }
0x135: {  	[hbm4b:s6+s12] =	stream.indirect.scatter [tilespmem:s14], [sflag:$0x9], $0x80, s25, s12, $0xb8;
	[tilespmem:$0x11200] =	vst v63  }
0x136: {  	_ =	swait.ge [sflag:s20], $0x4000  }
0x137: {  	[sflag:s20] =	ssyncset.done $0x0  }
0x138: {  	s26 =	rddreg [dreg:$0x1d];
	[sflag:s20] =	ssyncadd.s32 $0xFFFFC000  }
0x139: {  	[tilespmem:s14], [sflag:$0x5] =	stream.indirect.gather [hbm4b:s3+s12], $0x80, s26, s12, $0xb8;
	[tilespmem:$0x11200] =	vst v63  }
0x13a: {  	_ =	swait.ge [sflag:s21], $0x4000  }
0x13b: {  	[sflag:s21] =	ssyncset.done $0x0  }
0x13c: {  	s25 =	rddreg [dreg:$0x1e];
	[sflag:s21] =	ssyncadd.s32 $0xFFFFC000  }
0x13d: {  	[hbm4b:s6+s12] =	stream.indirect.scatter [tilespmem:s15], [sflag:$0xA], $0x80, s25, s12, $0xb8;
	[tilespmem:$0x11200] =	vst v63  }
0x13e: {  	_ =	swait.ge [sflag:s22], $0x4000  }
0x13f: {  	[sflag:s22] =	ssyncset.done $0x0  }
0x140: {  	s26 =	rddreg [dreg:$0x1f];
	[sflag:s22] =	ssyncadd.s32 $0xFFFFC000  }
0x141: {  	[tilespmem:s15], [sflag:$0x6] =	stream.indirect.gather [hbm4b:s3+s12], $0x80, s26, s12, $0xb8;
	[tilespmem:$0x11200] =	vst v63  }
0x142: {  	_ =	swait.ge [sflag:s23], $0x4000  }
0x143: {  	[sflag:s23] =	ssyncset.done $0x0  }
0x144: {  	s25 =	simm.s32 $0x10F80;
	[sflag:s23] =	ssyncadd.s32 $0xFFFFC000  }
0x145: {  	[hbm4b:s6+s12] =	stream.indirect.scatter [tilespmem:s16], [sflag:$0xB], $0x80, s25, s12, $0xb8;
	[tilespmem:$0x11200] =	vst v63  }
0x146: {  	_ =	swait.ge [sflag:s24], $0x4000  }
0x147: {  	[sflag:s24] =	ssyncset.done $0x0  }
0x148: {  	s26 =	simm.s32 $0x10B80;
	[sflag:s24] =	ssyncadd.s32 $0xFFFFC000  }
0x149: {  	[tilespmem:s16], [sflag:$0x7] =	stream.indirect.gather [hbm4b:s3+s12], $0x80, s26, s12, $0xb8;
	[tilespmem:$0x11200] =	vst v63  }
0x14a: {  	_ =	swait.ge [sflag:s17], $0x4000  }
0x14b: {  	[sflag:s17] =	ssyncset.done $0x0  }
0x14c: {  	[sflag:s17] =	ssyncadd.s32 $0xFFFFC000  }
0x14d: {  	[hbm4b:s6+s12] =	stream.indirect.scatter [tilespmem:s13], [sflag:$0x8], $0x80, s28, s12, $0xb8;
	[tilespmem:$0x11200] =	vst v63  }
0x14e: {  	_ =	swait.ge [sflag:s19], $0x4000  }
0x14f: {  	[sflag:s19] =	ssyncset.done $0x0  }
0x150: {  	[sflag:s19] =	ssyncadd.s32 $0xFFFFC000  }
0x151: {  	[hbm4b:s6+s12] =	stream.indirect.scatter [tilespmem:s14], [sflag:$0x9], $0x80, s29, s12, $0xb8;
	[tilespmem:$0x11200] =	vst v63  }
0x152: {  	_ =	swait.ge [sflag:s21], $0x4000  }
0x153: {  	[sflag:s21] =	ssyncset.done $0x0  }
0x154: {  	[sflag:s21] =	ssyncadd.s32 $0xFFFFC000  }
0x155: {  	[hbm4b:s6+s12] =	stream.indirect.scatter [tilespmem:s15], [sflag:$0xA], $0x80, s30, s12, $0xb8;
	[tilespmem:$0x11200] =	vst v63  }
0x156: {  	_ =	swait.ge [sflag:s23], $0x4000  }
0x157: {  	[sflag:s23] =	ssyncset.done $0x0  }
0x158: {  	[sflag:s23] =	ssyncadd.s32 $0xFFFFC000  }
0x159: {  	[hbm4b:s6+s12] =	stream.indirect.scatter [tilespmem:s16], [sflag:$0xB], $0x80, s31, s12, $0xb8;
	[tilespmem:$0x11200] =	vst v63  }
0x15a: {  	_ =	swait.ge [sflag:s18], $0x4000  }
0x15b: {  	[sflag:s18] =	ssyncset.done $0x0  }
0x15c: {  	[sflag:s18] =	ssyncadd.s32 $0xFFFFC000  }
0x15d: {  	_ =	swait.ge [sflag:s20], $0x4000  }
0x15e: {  	[sflag:s20] =	ssyncset.done $0x0  }
0x15f: {  	[sflag:s20] =	ssyncadd.s32 $0xFFFFC000  }
0x160: {  	_ =	swait.ge [sflag:s22], $0x4000  }
0x161: {  	[sflag:s22] =	ssyncset.done $0x0  }
0x162: {  	[sflag:s22] =	ssyncadd.s32 $0xFFFFC000  }
0x163: {  	p0 =	sne.s32 s7, $0x1;
	_ =	swait.ge [sflag:s24], $0x4000  }
.Ltmp0:
0x164: {  	[sflag:s24] =	ssyncset.done $0x0;
	(pc) =	sbr.rel @p0 .LBB2_1-.Ltmp0, $4  }
0x165: {  	[sflag:s24] =	ssyncadd.s32 $0xFFFFC000  }
0x166: {  	_ =	swait.ge [sflag:s0], $0x200  }
0x167: {  	[sflag:s0] =	ssyncset.done $0x0  }
0x168: {  	s7 =	sadd.s32 $0xFFFFFFFF, s7;
	[sflag:s0] =	ssyncadd.s32 $0xFFFFFE00  }
0x169: {  	_ =	sfence.sel $0x180000  }
0x16a: {  	[bflag:$0x0] =	sbarrier.arrive $0xFFFF  }
0x16b: {  	_ =	strace $0x90000047  }
0x16c: {  	s0 =	stileid.u32;
	[bflag:$0x2] =	sbarrier.arrive $0xFFFF  }
0x16d: {  	p0 =	sne.s32 s0, $0x0;
	s0 =	rddreg [dreg:$0x8]  }
0x16e: {  	s0 =	sadd.s32 @!p0 $0x100000, s0  }
0x16f: {  	[sflag:s0] =	ssyncadd.tile.s32 @!p0 $0x1;
	_ =	shalt  }
.Lfunc_end2:
_tile_overlayer_lowered:
.L_overlay_start_2:
0x170: {  	(tag) =	ssettag $0x2  }
0x171: {  	s0 =	rddreg [dreg:$0x0];
	s2 =	stileid.u32  }
0x172: {  	s1 =	rddreg [dreg:$0x1];
	p0 =	sne.s32 s2, $0x0  }
0x173: {  	s3 =	rddreg [dreg:$0x2];
	[bflag:$0x3] =	sbarrier.arrive $0xFFFF;
	s2 =	simm.s32 @!p0 $0x1C0C  }
0x174: {  	[timem:s3], [sflag:s2] =	dma.local @!p0 [hbm:s0], s1  }
0x175: {  	s0 =	simm.s32 @!p0 $0xC  }
0x176: {  	_ =	swait.ge @!p0 [sflag:s0], s1  }
0x177: {  	s1 =	ssub.s32 @!p0 $0x0, s1;
	[sflag:s0] =	ssyncset.done @!p0 $0x0  }
0x178: {  	[sflag:s0] =	ssyncadd.s32 @!p0 s1  }
0x179: {  	[bflag:$0x3] =	sbarrier.arrive $0xFFFF  }
0x17a: {  	_ =	shalt  }

</sc_bundles>
